<compile_context>
chip_gen: v7x
topology: tpu7x:2x2x1
jax: 0.10.2.dev20260603
libtpu: 0.0.44.dev20260713+nightly
codegen_flags: <defaults>
</compile_context>

<pallas_src>
import jax
import jax.numpy as jnp
from jax import lax
from jax.experimental import pallas as pl
from jax.experimental.pallas import tpu as pltpu
from jax.experimental.pallas import tpu_sc as plsc

N = 10000
E = 320000
IN_FEAT = 128
OUT_FEAT = 128
NUM_RELS = 8
NUM_BASES = 4

NC = 2
NS = 16
NW = NC * NS
LANES = 16

EDGES_PER_WORKER = E // NW
CHUNK = 80
SBLOCK = 2000
CHUNKS_PER_SBLOCK = SBLOCK // CHUNK
NBLOCKS = EDGES_PER_WORKER // SBLOCK
ACC_ROWS = 10240
ROWS_PER_SUB = ACC_ROWS // NS



_BN = 2000


def _xw_body(x_ref, w2d_ref, wc_ref, out_ref, wbig_ref):
    @pl.when(pl.program_id(0) == 0)
    def _build_w():
        KK, JJ = NUM_RELS * IN_FEAT, NUM_BASES * IN_FEAT
        ki = lax.broadcasted_iota(jnp.int32, (KK, JJ), 0)
        ji = lax.broadcasted_iota(jnp.int32, (KK, JJ), 1)
        eq = ((ki // NUM_RELS) == (ji // NUM_BASES)).astype(jnp.float32)
        ar = lax.broadcasted_iota(jnp.int32, (KK, NUM_RELS), 0)
        ac = lax.broadcasted_iota(jnp.int32, (KK, NUM_RELS), 1)
        amat = (lax.rem(ar, NUM_RELS) == ac).astype(jnp.float32)
        wr = lax.broadcasted_iota(jnp.int32, (NUM_RELS, JJ), 0)
        wj = lax.broadcasted_iota(jnp.int32, (NUM_RELS, JJ), 1)
        wjb = lax.rem(wj, NUM_BASES)
        wcb = jnp.zeros((NUM_RELS, JJ), jnp.float32)
        for r in range(NUM_RELS):
            for b in range(NUM_BASES):
                wcb = wcb + jnp.where((wr == r) & (wjb == b), wc_ref[r, b], 0.0)
        tiled = jnp.dot(amat, wcb, preferred_element_type=jnp.float32)
        mmat = eq * tiled
        wbig_ref[...] = jnp.dot(
            mmat, w2d_ref[...], preferred_element_type=jnp.float32
        ).astype(jnp.bfloat16)

    x = x_ref[...].astype(jnp.bfloat16)
    for r in range(NUM_RELS):
        out_ref[r] = jnp.dot(
            x, wbig_ref[IN_FEAT * r:IN_FEAT * (r + 1), :],
            preferred_element_type=jnp.float32)


def _xw_table(x, w2d, w_comp):
    return pl.pallas_call(
        _xw_body,
        grid=(N // _BN,),
        in_specs=[
            pl.BlockSpec((_BN, IN_FEAT), lambda i: (i, 0)),
            pl.BlockSpec((NUM_BASES * IN_FEAT, OUT_FEAT), lambda i: (0, 0)),
            pl.BlockSpec(memory_space=pltpu.SMEM),
        ],
        out_specs=pl.BlockSpec((NUM_RELS, _BN, OUT_FEAT), lambda i: (0, i, 0)),
        out_shape=jax.ShapeDtypeStruct((NUM_RELS, N, OUT_FEAT), jnp.float32),
        scratch_shapes=[pltpu.VMEM((NUM_RELS * IN_FEAT, OUT_FEAT), jnp.bfloat16)],
    )(x, w2d, w_comp)



def _edge_body(xw_hbm, ei_hbm, et_hbm, out_hbm,
               src_pa, src_pb, dst_pa, dst_pb, typ_pa, typ_pb,
               rows_a, rows_b, rows_c, dst_a, dst_b, dst_c, hacc,
               sem_pa, sem_pb, sem_ga, sem_gb, sem_gc, sem_sa, sem_sb, sem_sc):
    cid = lax.axis_index("c")
    sid = lax.axis_index("s")
    wid = cid * NS + sid
    base = wid * EDGES_PER_WORKER

    def _prefetch(b, src_v, dst_v, typ_v, sem):
        off = base + b * SBLOCK
        pltpu.async_copy(ei_hbm.at[pl.ds(off, SBLOCK)], src_v, sem)
        pltpu.async_copy(ei_hbm.at[pl.ds(E + off, SBLOCK)], dst_v, sem)
        pltpu.async_copy(et_hbm.at[pl.ds(off, SBLOCK)], typ_v, sem)

    def _pwait(src_v, dst_v, typ_v, sem):
        pltpu.make_async_copy(ei_hbm.at[pl.ds(0, SBLOCK)], src_v, sem).wait()
        pltpu.make_async_copy(ei_hbm.at[pl.ds(0, SBLOCK)], dst_v, sem).wait()
        pltpu.make_async_copy(et_hbm.at[pl.ds(0, SBLOCK)], typ_v, sem).wait()

    _prefetch(0, src_pa, dst_pa, typ_pa, sem_pa)

    def _zrow(k, carry):
        i = k // (IN_FEAT // LANES)
        j = lax.rem(k, IN_FEAT // LANES)
        rows_a[i, pl.ds(j * LANES, LANES)] = jnp.zeros((LANES,), jnp.float32)
        return carry

    lax.fori_loop(0, CHUNK * (IN_FEAT // LANES), _zrow, None)
    for k in range(ROWS_PER_SUB // CHUNK):
        pltpu.async_copy(
            rows_a, hacc.at[pl.ds(sid * ROWS_PER_SUB + k * CHUNK, CHUNK)], sem_sa)
    for k in range(ROWS_PER_SUB // CHUNK):
        pltpu.make_async_copy(
            rows_a, hacc.at[pl.ds(sid * ROWS_PER_SUB + k * CHUNK, CHUNK)], sem_sa).wait()
    plsc.subcore_barrier()

    def _prep_g(gidx_v, dst_v, c, dst_small, rows, sem):
        for i in range(CHUNK // LANES):
            dst_small[pl.ds(i * LANES, LANES)] = dst_v[pl.ds(c * CHUNK + i * LANES, LANES)]
        pltpu.async_copy(
            xw_hbm.at[gidx_v.at[pl.ds(c * CHUNK, CHUNK)]], rows, sem)

    def _wait_g(gidx_v, rows, sem):
        pltpu.make_async_copy(xw_hbm.at[gidx_v.at[pl.ds(0, CHUNK)]], rows, sem).wait()

    def _start_s(dst_small, rows, sem):
        pltpu.async_copy(rows, hacc.at[dst_small], sem, add=True)

    def _wait_s(dst_small, rows, sem):
        pltpu.make_async_copy(rows, hacc.at[dst_small], sem).wait()

    def _gidx(src_v, typ_v):
        def body(i, c2):
            sl = pl.ds(i * LANES, LANES)
            src_v[sl] = typ_v[sl] * N + src_v[sl]
            return c2
        lax.fori_loop(0, SBLOCK // LANES, body, None)

    bufs = [(dst_a, rows_a, sem_ga, sem_sa),
            (dst_b, rows_b, sem_gb, sem_sb),
            (dst_c, rows_c, sem_gc, sem_sc)]

    def _ws(i):
        ds, rw, _, ss = bufs[i]
        _wait_s(ds, rw, ss)

    def _run_block(gidx_v, dst_v, first):
        def g(c, i):
            ds, rw, sg, _ = bufs[i]
            _prep_g(gidx_v, dst_v, c, ds, rw, sg)

        def wg_s(c, i):
            ds, rw, sg, ss = bufs[i]
            _wait_g(gidx_v, rw, sg)
            _start_s(ds, rw, ss)

        ws = _ws

        if not first:
            ws(0)
        g(0, 0)
        if not first:
            ws(1)
        g(1, 1)
        wg_s(0, 0)
        if not first:
            ws(2)
        g(2, 2)
        wg_s(1, 1)
        ws(0)
        g(3, 0)

        def _pipe(k, c2):
            c = 2 + 3 * k
            wg_s(c, 2)
            ws(1)
            g(c + 2, 1)
            wg_s(c + 1, 0)
            ws(2)
            g(c + 3, 2)
            wg_s(c + 2, 1)
            ws(0)
            g(c + 4, 0)
            return c2

        lax.fori_loop(0, (CHUNKS_PER_SBLOCK - 4) // 3, _pipe, None)

        wg_s(CHUNKS_PER_SBLOCK - 2, 2)
        wg_s(CHUNKS_PER_SBLOCK - 1, 0)

    _pwait(src_pa, dst_pa, typ_pa, sem_pa)
    _prefetch(1, src_pb, dst_pb, typ_pb, sem_pb)
    _gidx(src_pa, typ_pa)
    _run_block(src_pa, dst_pa, True)

    def _block_pair(p, carry):
        b1 = 2 * p + 1
        _pwait(src_pb, dst_pb, typ_pb, sem_pb)
        _prefetch(b1 + 1, src_pa, dst_pa, typ_pa, sem_pa)
        _gidx(src_pb, typ_pb)
        _run_block(src_pb, dst_pb, False)

        _pwait(src_pa, dst_pa, typ_pa, sem_pa)

        @pl.when(b1 + 2 < NBLOCKS)
        def _():
            _prefetch(b1 + 2, src_pb, dst_pb, typ_pb, sem_pb)

        _gidx(src_pa, typ_pa)
        _run_block(src_pa, dst_pa, False)
        return carry

    lax.fori_loop(0, (NBLOCKS - 1) // 2, _block_pair, None)
    _ws(1)
    _ws(2)
    _ws(0)
    plsc.subcore_barrier()

    pltpu.sync_copy(hacc.at[pl.ds(sid * ROWS_PER_SUB, ROWS_PER_SUB)],
                    out_hbm.at[cid, pl.ds(sid * ROWS_PER_SUB, ROWS_PER_SUB)])


def _edge_sc(xw_flat, ei_flat, edge_type):
    call = pl.kernel(
        _edge_body,
        out_type=jax.ShapeDtypeStruct((NC, ACC_ROWS, OUT_FEAT), jnp.float32),
        mesh=plsc.VectorSubcoreMesh(
            core_axis_name="c", subcore_axis_name="s",
            num_cores=NC, num_subcores=NS),
        scratch_types=[
            pltpu.VMEM((SBLOCK,), jnp.int32),
            pltpu.VMEM((SBLOCK,), jnp.int32),
            pltpu.VMEM((SBLOCK,), jnp.int32),
            pltpu.VMEM((SBLOCK,), jnp.int32),
            pltpu.VMEM((SBLOCK,), jnp.int32),
            pltpu.VMEM((SBLOCK,), jnp.int32),
            pltpu.VMEM((CHUNK, OUT_FEAT), jnp.float32),
            pltpu.VMEM((CHUNK, OUT_FEAT), jnp.float32),
            pltpu.VMEM((CHUNK, OUT_FEAT), jnp.float32),
            pltpu.VMEM((CHUNK,), jnp.int32),
            pltpu.VMEM((CHUNK,), jnp.int32),
            pltpu.VMEM((CHUNK,), jnp.int32),
            pltpu.VMEM_SHARED((ACC_ROWS, OUT_FEAT), jnp.float32),
            pltpu.SemaphoreType.DMA,
            pltpu.SemaphoreType.DMA,
            pltpu.SemaphoreType.DMA,
            pltpu.SemaphoreType.DMA,
            pltpu.SemaphoreType.DMA,
            pltpu.SemaphoreType.DMA,
            pltpu.SemaphoreType.DMA,
            pltpu.SemaphoreType.DMA,
        ],
    )
    return call(xw_flat, ei_flat, edge_type)



_CB = 2000


def _combine_body(p_ref, o_ref):
    o_ref[...] = p_ref[0] + p_ref[1]


def _combine(part):
    return pl.pallas_call(
        _combine_body,
        grid=(N // _CB,),
        in_specs=[pl.BlockSpec((NC, _CB, OUT_FEAT), lambda i: (0, i, 0))],
        out_specs=pl.BlockSpec((_CB, OUT_FEAT), lambda i: (i, 0)),
        out_shape=jax.ShapeDtypeStruct((N, OUT_FEAT), jnp.float32),
    )(part)


def kernel(x, edge_index, edge_type, weight, w_comp):
    w2d = weight.reshape(NUM_BASES * IN_FEAT, OUT_FEAT)
    xw = _xw_table(x, w2d, w_comp)
    xw_flat = xw.reshape(NUM_RELS * N, OUT_FEAT)
    ei_flat = edge_index.reshape(2 * E)
    part = _edge_sc(xw_flat, ei_flat, edge_type)
    return _combine(part)

# --- scband reference (transcript-rebuilt; emitter-appended) ---
"""Pipeline reference for scband-rgcnlayer-9182640079550 (READ-ONLY COPY).

The authoritative reference and input builder live on the scoring server;
editing this copy changes nothing except your own understanding.
"""

import jax, jax.numpy as jnp
import numpy as np

N = 10000
E = 320000
IN_FEAT = 128
OUT_FEAT = 128
NUM_RELS = 8
NUM_BASES = 4


def setup_inputs(seed: int = 0) -> dict:
    key = jax.random.key(seed)
    k1, k2, k3, k4, k5 = jax.random.split(key, 5)
    x = jax.random.normal(k1, (N, IN_FEAT), dtype=jnp.float32)
    edge_index = jax.random.randint(k2, (2, E), 0, N, dtype=jnp.int32)
    edge_type = jax.random.randint(k3, (E,), 0, NUM_RELS, dtype=jnp.int32)
    # xavier_uniform-like init (gain for relu)
    gain = float(np.sqrt(2.0))
    fan_in = IN_FEAT * OUT_FEAT
    fan_out = NUM_BASES * OUT_FEAT
    bound = gain * float(np.sqrt(6.0 / (fan_in + fan_out)))
    weight = jax.random.uniform(k4, (NUM_BASES, IN_FEAT, OUT_FEAT), dtype=jnp.float32, minval=-bound, maxval=bound)
    bound2 = gain * float(np.sqrt(6.0 / (NUM_RELS + NUM_BASES)))
    w_comp = jax.random.uniform(k5, (NUM_RELS, NUM_BASES), dtype=jnp.float32, minval=-bound2, maxval=bound2)
    return {"x": x, "edge_index": edge_index, "edge_type": edge_type, "weight": weight, "w_comp": w_comp}


def reference(x, edge_index, edge_type, weight, w_comp):
    # basis decomposition: num_bases < num_rels
    # torch: weight.view(in_feat, num_bases, out_feat) is a memory reinterpretation (reshape)
    w = weight.reshape(IN_FEAT, NUM_BASES, OUT_FEAT)
    # torch.matmul((R,B), (I,B,O)) broadcasts -> (I,R,O); then .view(R,I,O)
    w = jnp.matmul(w_comp, w)  # (IN_FEAT, NUM_RELS, OUT_FEAT)
    w = w.reshape(NUM_RELS, IN_FEAT, OUT_FEAT)
    src = edge_index[0]
    dst = edge_index[1]
    # message: msg_e = x[src_e] @ w[rel_e]; computed as per-(node, rel) matmul then gather
    xw = jnp.einsum('ni,rio->nro', x, w)  # (N, R, OUT_FEAT)
    msg = xw[src, edge_type]  # (E, OUT_FEAT)
    # fn.sum(msg='msg', out='h'): scatter-add into dst nodes (zero-initialized)
    h = jax.ops.segment_sum(msg, dst, num_segments=N)
    # bias=None, activation=None -> apply_func is identity
    return h

if __name__ == "__main__":
    import jax
    _d = setup_inputs()
    print(jax.jit(kernel)(*tuple(_d.values())))

</pallas_src>

<mosaic_0001>
#map = affine_map<(d0, d1) -> (0, 0)>
#map1 = affine_map<(d0, d1) -> (0)>
#map2 = affine_map<(d0, d1) -> (0, 0, 0)>
module attributes {stable_mosaic.version = 14 : i64} {
  func.func @_edge_body(%arg0: i32, %arg1: i32, %arg2: memref<80000x128xf32, #tpu.memory_space<hbm>>, %arg3: memref<640000xi32, #tpu.memory_space<hbm>>, %arg4: memref<320000xi32, #tpu.memory_space<hbm>>, %arg5: memref<2x10240x128xf32, #tpu.memory_space<hbm>>, %arg6: memref<2000xi32, #tpu.memory_space<vmem>>, %arg7: memref<2000xi32, #tpu.memory_space<vmem>>, %arg8: memref<2000xi32, #tpu.memory_space<vmem>>, %arg9: memref<2000xi32, #tpu.memory_space<vmem>>, %arg10: memref<2000xi32, #tpu.memory_space<vmem>>, %arg11: memref<2000xi32, #tpu.memory_space<vmem>>, %arg12: memref<80x128xf32, #tpu.memory_space<vmem>>, %arg13: memref<80x128xf32, #tpu.memory_space<vmem>>, %arg14: memref<80x128xf32, #tpu.memory_space<vmem>>, %arg15: memref<80xi32, #tpu.memory_space<vmem>>, %arg16: memref<80xi32, #tpu.memory_space<vmem>>, %arg17: memref<80xi32, #tpu.memory_space<vmem>>, %arg18: memref<10240x128xf32, #tpu.memory_space<vmem_shared>>, %arg19: memref<!tpu.dma_semaphore, #tpu.memory_space<semaphore_mem>>, %arg20: memref<!tpu.dma_semaphore, #tpu.memory_space<semaphore_mem>>, %arg21: memref<!tpu.dma_semaphore, #tpu.memory_space<semaphore_mem>>, %arg22: memref<!tpu.dma_semaphore, #tpu.memory_space<semaphore_mem>>, %arg23: memref<!tpu.dma_semaphore, #tpu.memory_space<semaphore_mem>>, %arg24: memref<!tpu.dma_semaphore, #tpu.memory_space<semaphore_mem>>, %arg25: memref<!tpu.dma_semaphore, #tpu.memory_space<semaphore_mem>>, %arg26: memref<!tpu.dma_semaphore, #tpu.memory_space<semaphore_mem>>) attributes {dimension_semantics = [#tpu.dimension_semantics<core_parallel>, #tpu.dimension_semantics<subcore_parallel>], iteration_bounds = array<i64: 2, 16>, scalar_prefetch = 0 : i64, scratch_operands = 21 : i64, tpu.core_type = #tpu.core_type<sc_vector_subcore>, window_params = [{transform_indices = #map}, {transform_indices = #map1}, {transform_indices = #map1}, {transform_indices = #map2}]} {
    %mul3A = arith.constant 16 : i32
    %mul3A_0 = arith.muli %arg0, %mul3A : i32
    %add3A = arith.addi %mul3A_0, %arg1 : i32
    %mul3A_1 = arith.constant 10000 : i32
    %mul3A_2 = arith.muli %add3A, %mul3A_1 : i32
    %add3A_3 = arith.constant 0 : i32
    %add3A_4 = arith.addi %mul3A_2, %add3A_3 : i32
    %dma_start3A = tpu.memref_slice %arg3[%add3A_4] : memref<640000xi32, #tpu.memory_space<hbm>> -> memref<2000xi32, #tpu.memory_space<hbm>>
    %dma_start3A_5 = tpu.memref_slice %arg3[%add3A_4] : memref<640000xi32, #tpu.memory_space<hbm>> -> memref<2000xi32, #tpu.memory_space<hbm>>
    tpu.enqueue_dma source(%dma_start3A_5 : memref<2000xi32, #tpu.memory_space<hbm>>) target(%arg6 : memref<2000xi32, #tpu.memory_space<vmem>>) target_semaphore(%arg19 : memref<!tpu.dma_semaphore, #tpu.memory_space<semaphore_mem>>)
    %add3A_6 = arith.constant 320000 : i32
    %add3A_7 = arith.addi %add3A_6, %add3A_4 : i32
    %dma_start3A_8 = tpu.memref_slice %arg3[%add3A_7] : memref<640000xi32, #tpu.memory_space<hbm>> -> memref<2000xi32, #tpu.memory_space<hbm>>
    %dma_start3A_9 = tpu.memref_slice %arg3[%add3A_7] : memref<640000xi32, #tpu.memory_space<hbm>> -> memref<2000xi32, #tpu.memory_space<hbm>>
    tpu.enqueue_dma source(%dma_start3A_9 : memref<2000xi32, #tpu.memory_space<hbm>>) target(%arg8 : memref<2000xi32, #tpu.memory_space<vmem>>) target_semaphore(%arg19 : memref<!tpu.dma_semaphore, #tpu.memory_space<semaphore_mem>>)
    %dma_start3A_10 = tpu.memref_slice %arg4[%add3A_4] : memref<320000xi32, #tpu.memory_space<hbm>> -> memref<2000xi32, #tpu.memory_space<hbm>>
    %dma_start3A_11 = tpu.memref_slice %arg4[%add3A_4] : memref<320000xi32, #tpu.memory_space<hbm>> -> memref<2000xi32, #tpu.memory_space<hbm>>
    tpu.enqueue_dma source(%dma_start3A_11 : memref<2000xi32, #tpu.memory_space<hbm>>) target(%arg10 : memref<2000xi32, #tpu.memory_space<vmem>>) target_semaphore(%arg19 : memref<!tpu.dma_semaphore, #tpu.memory_space<semaphore_mem>>)
    %scan3A = arith.constant 0 : i32
    %scan3A_12 = arith.constant 640 : i32
    %scan3A_13 = arith.addi %scan3A, %scan3A_12 : i32
    %scan3A_14 = arith.constant 1 : i32
    scf.for %scan3A_387 = %scan3A to %scan3A_13 step %scan3A_14  : i32 {
      %jit3A = arith.constant 8 : i32
      %div3A = arith.divsi %scan3A_387, %jit3A : i32
      %sign3A = arith.constant 0 : i32
      %sign3A_388 = arith.cmpi sgt, %scan3A_387, %sign3A : i32
      %sign3A_389 = arith.extui %sign3A_388 : i1 to i32
      %sign3A_390 = arith.constant 0 : i32
      %sign3A_391 = arith.cmpi slt, %scan3A_387, %sign3A_390 : i32
      %sign3A_392 = arith.extui %sign3A_391 : i1 to i32
      %sign3A_393 = arith.subi %sign3A_389, %sign3A_392 : i32
      %sign3A_394 = arith.constant 0 : i32
      %sign3A_395 = arith.cmpi sgt, %jit3A, %sign3A_394 : i32
      %sign3A_396 = arith.extui %sign3A_395 : i1 to i32
      %sign3A_397 = arith.constant 0 : i32
      %sign3A_398 = arith.cmpi slt, %jit3A, %sign3A_397 : i32
      %sign3A_399 = arith.extui %sign3A_398 : i1 to i32
      %sign3A_400 = arith.subi %sign3A_396, %sign3A_399 : i32
      %ne3A = arith.cmpi ne, %sign3A_393, %sign3A_400 : i32
      %rem3A = arith.remsi %scan3A_387, %jit3A : i32
      %ne3A_401 = arith.constant 0 : i32
      %ne3A_402 = arith.cmpi ne, %rem3A, %ne3A_401 : i32
      %and3A = arith.andi %ne3A, %ne3A_402 : i1
      %sub3A = arith.constant 1 : i32
      %sub3A_403 = arith.subi %div3A, %sub3A : i32
      %select_n3A = arith.select %and3A, %sub3A_403, %div3A : i32
      %rem3A_404 = arith.constant 8 : i32
      %rem3A_405 = arith.remsi %scan3A_387, %rem3A_404 : i32
      %broadcast_in_dim3A = arith.constant 0.000000e+00 : f32
      %broadcast_in_dim3A_406 = vector.broadcast %broadcast_in_dim3A : f32 to vector<16xf32>
      %mul3A_407 = arith.constant 16 : i32
      %mul3A_408 = arith.muli %rem3A_405, %mul3A_407 : i32
      %swap3A_409 = arith.index_cast %select_n3A : i32 to index
      %swap3A_410 = arith.index_cast %mul3A_408 : i32 to index
      %swap3A_411 = tpu.vector_load %arg12[%swap3A_409, %swap3A_410] {strides = array<i32>} : memref<80x128xf32, #tpu.memory_space<vmem>>, vector<1x16xf32>,
      %swap3A_412 = vector.shape_cast %swap3A_411 : vector<1x16xf32> to vector<16xf32>
      %swap3A_413 = vector.shape_cast %broadcast_in_dim3A_406 : vector<16xf32> to vector<1x16xf32>
      tpu.vector_store %arg12[%swap3A_409, %swap3A_410], %swap3A_413 {strides = array<i32>} : memref<80x128xf32, #tpu.memory_space<vmem>>, vector<1x16xf32>,
    }
    %scan3A_15 = arith.constant 640 : i32
    %mul3A_16 = arith.constant 640 : i32
    %mul3A_17 = arith.muli %arg1, %mul3A_16 : i32
    %add3A_18 = arith.constant 0 : i32
    %add3A_19 = arith.addi %mul3A_17, %add3A_18 : i32
    %dma_start3A_20 = arith.constant 0 : i32
    %dma_start3A_21 = tpu.memref_slice %arg18[%add3A_19, %dma_start3A_20] : memref<10240x128xf32, #tpu.memory_space<vmem_shared>> -> memref<80x128xf32, #tpu.memory_space<vmem_shared>>
    %dma_start3A_22 = arith.constant 0 : i32
    %dma_start3A_23 = tpu.memref_slice %arg18[%add3A_19, %dma_start3A_22] : memref<10240x128xf32, #tpu.memory_space<vmem_shared>> -> memref<80x128xf32, #tpu.memory_space<vmem_shared>>
    tpu.enqueue_dma source(%arg12 : memref<80x128xf32, #tpu.memory_space<vmem>>) target(%dma_start3A_23 : memref<80x128xf32, #tpu.memory_space<vmem_shared>>) target_semaphore(%arg24 : memref<!tpu.dma_semaphore, #tpu.memory_space<semaphore_mem>>)
    %mul3A_24 = arith.constant 640 : i32
    %mul3A_25 = arith.muli %arg1, %mul3A_24 : i32
    %add3A_26 = arith.constant 80 : i32
    %add3A_27 = arith.addi %mul3A_25, %add3A_26 : i32
    %dma_start3A_28 = arith.constant 0 : i32
    %dma_start3A_29 = tpu.memref_slice %arg18[%add3A_27, %dma_start3A_28] : memref<10240x128xf32, #tpu.memory_space<vmem_shared>> -> memref<80x128xf32, #tpu.memory_space<vmem_shared>>
    %dma_start3A_30 = arith.constant 0 : i32
    %dma_start3A_31 = tpu.memref_slice %arg18[%add3A_27, %dma_start3A_30] : memref<10240x128xf32, #tpu.memory_space<vmem_shared>> -> memref<80x128xf32, #tpu.memory_space<vmem_shared>>
    tpu.enqueue_dma source(%arg12 : memref<80x128xf32, #tpu.memory_space<vmem>>) target(%dma_start3A_31 : memref<80x128xf32, #tpu.memory_space<vmem_shared>>) target_semaphore(%arg24 : memref<!tpu.dma_semaphore, #tpu.memory_space<semaphore_mem>>)
    %mul3A_32 = arith.constant 640 : i32
    %mul3A_33 = arith.muli %arg1, %mul3A_32 : i32
    %add3A_34 = arith.constant 160 : i32
    %add3A_35 = arith.addi %mul3A_33, %add3A_34 : i32
    %dma_start3A_36 = arith.constant 0 : i32
    %dma_start3A_37 = tpu.memref_slice %arg18[%add3A_35, %dma_start3A_36] : memref<10240x128xf32, #tpu.memory_space<vmem_shared>> -> memref<80x128xf32, #tpu.memory_space<vmem_shared>>
    %dma_start3A_38 = arith.constant 0 : i32
    %dma_start3A_39 = tpu.memref_slice %arg18[%add3A_35, %dma_start3A_38] : memref<10240x128xf32, #tpu.memory_space<vmem_shared>> -> memref<80x128xf32, #tpu.memory_space<vmem_shared>>
    tpu.enqueue_dma source(%arg12 : memref<80x128xf32, #tpu.memory_space<vmem>>) target(%dma_start3A_39 : memref<80x128xf32, #tpu.memory_space<vmem_shared>>) target_semaphore(%arg24 : memref<!tpu.dma_semaphore, #tpu.memory_space<semaphore_mem>>)
    %mul3A_40 = arith.constant 640 : i32
    %mul3A_41 = arith.muli %arg1, %mul3A_40 : i32
    %add3A_42 = arith.constant 240 : i32
    %add3A_43 = arith.addi %mul3A_41, %add3A_42 : i32
    %dma_start3A_44 = arith.constant 0 : i32
    %dma_start3A_45 = tpu.memref_slice %arg18[%add3A_43, %dma_start3A_44] : memref<10240x128xf32, #tpu.memory_space<vmem_shared>> -> memref<80x128xf32, #tpu.memory_space<vmem_shared>>
    %dma_start3A_46 = arith.constant 0 : i32
    %dma_start3A_47 = tpu.memref_slice %arg18[%add3A_43, %dma_start3A_46] : memref<10240x128xf32, #tpu.memory_space<vmem_shared>> -> memref<80x128xf32, #tpu.memory_space<vmem_shared>>
    tpu.enqueue_dma source(%arg12 : memref<80x128xf32, #tpu.memory_space<vmem>>) target(%dma_start3A_47 : memref<80x128xf32, #tpu.memory_space<vmem_shared>>) target_semaphore(%arg24 : memref<!tpu.dma_semaphore, #tpu.memory_space<semaphore_mem>>)
    %mul3A_48 = arith.constant 640 : i32
    %mul3A_49 = arith.muli %arg1, %mul3A_48 : i32
    %add3A_50 = arith.constant 320 : i32
    %add3A_51 = arith.addi %mul3A_49, %add3A_50 : i32
    %dma_start3A_52 = arith.constant 0 : i32
    %dma_start3A_53 = tpu.memref_slice %arg18[%add3A_51, %dma_start3A_52] : memref<10240x128xf32, #tpu.memory_space<vmem_shared>> -> memref<80x128xf32, #tpu.memory_space<vmem_shared>>
    %dma_start3A_54 = arith.constant 0 : i32
    %dma_start3A_55 = tpu.memref_slice %arg18[%add3A_51, %dma_start3A_54] : memref<10240x128xf32, #tpu.memory_space<vmem_shared>> -> memref<80x128xf32, #tpu.memory_space<vmem_shared>>
    tpu.enqueue_dma source(%arg12 : memref<80x128xf32, #tpu.memory_space<vmem>>) target(%dma_start3A_55 : memref<80x128xf32, #tpu.memory_space<vmem_shared>>) target_semaphore(%arg24 : memref<!tpu.dma_semaphore, #tpu.memory_space<semaphore_mem>>)
    %mul3A_56 = arith.constant 640 : i32
    %mul3A_57 = arith.muli %arg1, %mul3A_56 : i32
    %add3A_58 = arith.constant 400 : i32
    %add3A_59 = arith.addi %mul3A_57, %add3A_58 : i32
    %dma_start3A_60 = arith.constant 0 : i32
    %dma_start3A_61 = tpu.memref_slice %arg18[%add3A_59, %dma_start3A_60] : memref<10240x128xf32, #tpu.memory_space<vmem_shared>> -> memref<80x128xf32, #tpu.memory_space<vmem_shared>>
    %dma_start3A_62 = arith.constant 0 : i32
    %dma_start3A_63 = tpu.memref_slice %arg18[%add3A_59, %dma_start3A_62] : memref<10240x128xf32, #tpu.memory_space<vmem_shared>> -> memref<80x128xf32, #tpu.memory_space<vmem_shared>>
    tpu.enqueue_dma source(%arg12 : memref<80x128xf32, #tpu.memory_space<vmem>>) target(%dma_start3A_63 : memref<80x128xf32, #tpu.memory_space<vmem_shared>>) target_semaphore(%arg24 : memref<!tpu.dma_semaphore, #tpu.memory_space<semaphore_mem>>)
    %mul3A_64 = arith.constant 640 : i32
    %mul3A_65 = arith.muli %arg1, %mul3A_64 : i32
    %add3A_66 = arith.constant 480 : i32
    %add3A_67 = arith.addi %mul3A_65, %add3A_66 : i32
    %dma_start3A_68 = arith.constant 0 : i32
    %dma_start3A_69 = tpu.memref_slice %arg18[%add3A_67, %dma_start3A_68] : memref<10240x128xf32, #tpu.memory_space<vmem_shared>> -> memref<80x128xf32, #tpu.memory_space<vmem_shared>>
    %dma_start3A_70 = arith.constant 0 : i32
    %dma_start3A_71 = tpu.memref_slice %arg18[%add3A_67, %dma_start3A_70] : memref<10240x128xf32, #tpu.memory_space<vmem_shared>> -> memref<80x128xf32, #tpu.memory_space<vmem_shared>>
    tpu.enqueue_dma source(%arg12 : memref<80x128xf32, #tpu.memory_space<vmem>>) target(%dma_start3A_71 : memref<80x128xf32, #tpu.memory_space<vmem_shared>>) target_semaphore(%arg24 : memref<!tpu.dma_semaphore, #tpu.memory_space<semaphore_mem>>)
    %mul3A_72 = arith.constant 640 : i32
    %mul3A_73 = arith.muli %arg1, %mul3A_72 : i32
    %add3A_74 = arith.constant 560 : i32
    %add3A_75 = arith.addi %mul3A_73, %add3A_74 : i32
    %dma_start3A_76 = arith.constant 0 : i32
    %dma_start3A_77 = tpu.memref_slice %arg18[%add3A_75, %dma_start3A_76] : memref<10240x128xf32, #tpu.memory_space<vmem_shared>> -> memref<80x128xf32, #tpu.memory_space<vmem_shared>>
    %dma_start3A_78 = arith.constant 0 : i32
    %dma_start3A_79 = tpu.memref_slice %arg18[%add3A_75, %dma_start3A_78] : memref<10240x128xf32, #tpu.memory_space<vmem_shared>> -> memref<80x128xf32, #tpu.memory_space<vmem_shared>>
    tpu.enqueue_dma source(%arg12 : memref<80x128xf32, #tpu.memory_space<vmem>>) target(%dma_start3A_79 : memref<80x128xf32, #tpu.memory_space<vmem_shared>>) target_semaphore(%arg24 : memref<!tpu.dma_semaphore, #tpu.memory_space<semaphore_mem>>)
    %mul3A_80 = arith.constant 640 : i32
    %mul3A_81 = arith.muli %arg1, %mul3A_80 : i32
    %add3A_82 = arith.constant 0 : i32
    %add3A_83 = arith.addi %mul3A_81, %add3A_82 : i32
    %dma_wait3A = arith.constant 0 : i32
    %dma_wait3A_84 = tpu.memref_slice %arg18[%add3A_83, %dma_wait3A] : memref<10240x128xf32, #tpu.memory_space<vmem_shared>> -> memref<80x128xf32, #tpu.memory_space<vmem_shared>>
    %dma_wait3A_85 = arith.constant 0 : i32
    %dma_wait3A_86 = tpu.memref_slice %arg18[%add3A_83, %dma_wait3A_85] : memref<10240x128xf32, #tpu.memory_space<vmem_shared>> -> memref<80x128xf32, #tpu.memory_space<vmem_shared>>
    tpu.wait_dma2 semaphore(%arg24 : memref<!tpu.dma_semaphore, #tpu.memory_space<semaphore_mem>>) src(%arg12 : memref<80x128xf32, #tpu.memory_space<vmem>>) dst(%dma_wait3A_86 : memref<80x128xf32, #tpu.memory_space<vmem_shared>>)
    %mul3A_87 = arith.constant 640 : i32
    %mul3A_88 = arith.muli %arg1, %mul3A_87 : i32
    %add3A_89 = arith.constant 80 : i32
    %add3A_90 = arith.addi %mul3A_88, %add3A_89 : i32
    %dma_wait3A_91 = arith.constant 0 : i32
    %dma_wait3A_92 = tpu.memref_slice %arg18[%add3A_90, %dma_wait3A_91] : memref<10240x128xf32, #tpu.memory_space<vmem_shared>> -> memref<80x128xf32, #tpu.memory_space<vmem_shared>>
    %dma_wait3A_93 = arith.constant 0 : i32
    %dma_wait3A_94 = tpu.memref_slice %arg18[%add3A_90, %dma_wait3A_93] : memref<10240x128xf32, #tpu.memory_space<vmem_shared>> -> memref<80x128xf32, #tpu.memory_space<vmem_shared>>
    tpu.wait_dma2 semaphore(%arg24 : memref<!tpu.dma_semaphore, #tpu.memory_space<semaphore_mem>>) src(%arg12 : memref<80x128xf32, #tpu.memory_space<vmem>>) dst(%dma_wait3A_94 : memref<80x128xf32, #tpu.memory_space<vmem_shared>>)
    %mul3A_95 = arith.constant 640 : i32
    %mul3A_96 = arith.muli %arg1, %mul3A_95 : i32
    %add3A_97 = arith.constant 160 : i32
    %add3A_98 = arith.addi %mul3A_96, %add3A_97 : i32
    %dma_wait3A_99 = arith.constant 0 : i32
    %dma_wait3A_100 = tpu.memref_slice %arg18[%add3A_98, %dma_wait3A_99] : memref<10240x128xf32, #tpu.memory_space<vmem_shared>> -> memref<80x128xf32, #tpu.memory_space<vmem_shared>>
    %dma_wait3A_101 = arith.constant 0 : i32
    %dma_wait3A_102 = tpu.memref_slice %arg18[%add3A_98, %dma_wait3A_101] : memref<10240x128xf32, #tpu.memory_space<vmem_shared>> -> memref<80x128xf32, #tpu.memory_space<vmem_shared>>
    tpu.wait_dma2 semaphore(%arg24 : memref<!tpu.dma_semaphore, #tpu.memory_space<semaphore_mem>>) src(%arg12 : memref<80x128xf32, #tpu.memory_space<vmem>>) dst(%dma_wait3A_102 : memref<80x128xf32, #tpu.memory_space<vmem_shared>>)
    %mul3A_103 = arith.constant 640 : i32
    %mul3A_104 = arith.muli %arg1, %mul3A_103 : i32
    %add3A_105 = arith.constant 240 : i32
    %add3A_106 = arith.addi %mul3A_104, %add3A_105 : i32
    %dma_wait3A_107 = arith.constant 0 : i32
    %dma_wait3A_108 = tpu.memref_slice %arg18[%add3A_106, %dma_wait3A_107] : memref<10240x128xf32, #tpu.memory_space<vmem_shared>> -> memref<80x128xf32, #tpu.memory_space<vmem_shared>>
    %dma_wait3A_109 = arith.constant 0 : i32
    %dma_wait3A_110 = tpu.memref_slice %arg18[%add3A_106, %dma_wait3A_109] : memref<10240x128xf32, #tpu.memory_space<vmem_shared>> -> memref<80x128xf32, #tpu.memory_space<vmem_shared>>
    tpu.wait_dma2 semaphore(%arg24 : memref<!tpu.dma_semaphore, #tpu.memory_space<semaphore_mem>>) src(%arg12 : memref<80x128xf32, #tpu.memory_space<vmem>>) dst(%dma_wait3A_110 : memref<80x128xf32, #tpu.memory_space<vmem_shared>>)
    %mul3A_111 = arith.constant 640 : i32
    %mul3A_112 = arith.muli %arg1, %mul3A_111 : i32
    %add3A_113 = arith.constant 320 : i32
    %add3A_114 = arith.addi %mul3A_112, %add3A_113 : i32
    %dma_wait3A_115 = arith.constant 0 : i32
    %dma_wait3A_116 = tpu.memref_slice %arg18[%add3A_114, %dma_wait3A_115] : memref<10240x128xf32, #tpu.memory_space<vmem_shared>> -> memref<80x128xf32, #tpu.memory_space<vmem_shared>>
    %dma_wait3A_117 = arith.constant 0 : i32
    %dma_wait3A_118 = tpu.memref_slice %arg18[%add3A_114, %dma_wait3A_117] : memref<10240x128xf32, #tpu.memory_space<vmem_shared>> -> memref<80x128xf32, #tpu.memory_space<vmem_shared>>
    tpu.wait_dma2 semaphore(%arg24 : memref<!tpu.dma_semaphore, #tpu.memory_space<semaphore_mem>>) src(%arg12 : memref<80x128xf32, #tpu.memory_space<vmem>>) dst(%dma_wait3A_118 : memref<80x128xf32, #tpu.memory_space<vmem_shared>>)
    %mul3A_119 = arith.constant 640 : i32
    %mul3A_120 = arith.muli %arg1, %mul3A_119 : i32
    %add3A_121 = arith.constant 400 : i32
    %add3A_122 = arith.addi %mul3A_120, %add3A_121 : i32
    %dma_wait3A_123 = arith.constant 0 : i32
    %dma_wait3A_124 = tpu.memref_slice %arg18[%add3A_122, %dma_wait3A_123] : memref<10240x128xf32, #tpu.memory_space<vmem_shared>> -> memref<80x128xf32, #tpu.memory_space<vmem_shared>>
    %dma_wait3A_125 = arith.constant 0 : i32
    %dma_wait3A_126 = tpu.memref_slice %arg18[%add3A_122, %dma_wait3A_125] : memref<10240x128xf32, #tpu.memory_space<vmem_shared>> -> memref<80x128xf32, #tpu.memory_space<vmem_shared>>
    tpu.wait_dma2 semaphore(%arg24 : memref<!tpu.dma_semaphore, #tpu.memory_space<semaphore_mem>>) src(%arg12 : memref<80x128xf32, #tpu.memory_space<vmem>>) dst(%dma_wait3A_126 : memref<80x128xf32, #tpu.memory_space<vmem_shared>>)
    %mul3A_127 = arith.constant 640 : i32
    %mul3A_128 = arith.muli %arg1, %mul3A_127 : i32
    %add3A_129 = arith.constant 480 : i32
    %add3A_130 = arith.addi %mul3A_128, %add3A_129 : i32
    %dma_wait3A_131 = arith.constant 0 : i32
    %dma_wait3A_132 = tpu.memref_slice %arg18[%add3A_130, %dma_wait3A_131] : memref<10240x128xf32, #tpu.memory_space<vmem_shared>> -> memref<80x128xf32, #tpu.memory_space<vmem_shared>>
    %dma_wait3A_133 = arith.constant 0 : i32
    %dma_wait3A_134 = tpu.memref_slice %arg18[%add3A_130, %dma_wait3A_133] : memref<10240x128xf32, #tpu.memory_space<vmem_shared>> -> memref<80x128xf32, #tpu.memory_space<vmem_shared>>
    tpu.wait_dma2 semaphore(%arg24 : memref<!tpu.dma_semaphore, #tpu.memory_space<semaphore_mem>>) src(%arg12 : memref<80x128xf32, #tpu.memory_space<vmem>>) dst(%dma_wait3A_134 : memref<80x128xf32, #tpu.memory_space<vmem_shared>>)
    %mul3A_135 = arith.constant 640 : i32
    %mul3A_136 = arith.muli %arg1, %mul3A_135 : i32
    %add3A_137 = arith.constant 560 : i32
    %add3A_138 = arith.addi %mul3A_136, %add3A_137 : i32
    %dma_wait3A_139 = arith.constant 0 : i32
    %dma_wait3A_140 = tpu.memref_slice %arg18[%add3A_138, %dma_wait3A_139] : memref<10240x128xf32, #tpu.memory_space<vmem_shared>> -> memref<80x128xf32, #tpu.memory_space<vmem_shared>>
    %dma_wait3A_141 = arith.constant 0 : i32
    %dma_wait3A_142 = tpu.memref_slice %arg18[%add3A_138, %dma_wait3A_141] : memref<10240x128xf32, #tpu.memory_space<vmem_shared>> -> memref<80x128xf32, #tpu.memory_space<vmem_shared>>
    tpu.wait_dma2 semaphore(%arg24 : memref<!tpu.dma_semaphore, #tpu.memory_space<semaphore_mem>>) src(%arg12 : memref<80x128xf32, #tpu.memory_space<vmem>>) dst(%dma_wait3A_142 : memref<80x128xf32, #tpu.memory_space<vmem_shared>>)
    %barrier3A = arith.constant 0 : index
    tpu.barrier barrier_id(%barrier3A)
    %dma_wait3A_143 = arith.constant 0 : i32
    %dma_wait3A_144 = tpu.memref_slice %arg3[%dma_wait3A_143] : memref<640000xi32, #tpu.memory_space<hbm>> -> memref<2000xi32, #tpu.memory_space<hbm>>
    %dma_wait3A_145 = arith.constant 0 : i32
    %dma_wait3A_146 = tpu.memref_slice %arg3[%dma_wait3A_145] : memref<640000xi32, #tpu.memory_space<hbm>> -> memref<2000xi32, #tpu.memory_space<hbm>>
    tpu.wait_dma2 semaphore(%arg19 : memref<!tpu.dma_semaphore, #tpu.memory_space<semaphore_mem>>) src(%dma_wait3A_146 : memref<2000xi32, #tpu.memory_space<hbm>>) dst(%arg6 : memref<2000xi32, #tpu.memory_space<vmem>>)
    %dma_wait3A_147 = arith.constant 0 : i32
    %dma_wait3A_148 = tpu.memref_slice %arg3[%dma_wait3A_147] : memref<640000xi32, #tpu.memory_space<hbm>> -> memref<2000xi32, #tpu.memory_space<hbm>>
    %dma_wait3A_149 = arith.constant 0 : i32
    %dma_wait3A_150 = tpu.memref_slice %arg3[%dma_wait3A_149] : memref<640000xi32, #tpu.memory_space<hbm>> -> memref<2000xi32, #tpu.memory_space<hbm>>
    tpu.wait_dma2 semaphore(%arg19 : memref<!tpu.dma_semaphore, #tpu.memory_space<semaphore_mem>>) src(%dma_wait3A_150 : memref<2000xi32, #tpu.memory_space<hbm>>) dst(%arg8 : memref<2000xi32, #tpu.memory_space<vmem>>)
    %dma_wait3A_151 = arith.constant 0 : i32
    %dma_wait3A_152 = tpu.memref_slice %arg4[%dma_wait3A_151] : memref<320000xi32, #tpu.memory_space<hbm>> -> memref<2000xi32, #tpu.memory_space<hbm>>
    %dma_wait3A_153 = arith.constant 0 : i32
    %dma_wait3A_154 = tpu.memref_slice %arg4[%dma_wait3A_153] : memref<320000xi32, #tpu.memory_space<hbm>> -> memref<2000xi32, #tpu.memory_space<hbm>>
    tpu.wait_dma2 semaphore(%arg19 : memref<!tpu.dma_semaphore, #tpu.memory_space<semaphore_mem>>) src(%dma_wait3A_154 : memref<2000xi32, #tpu.memory_space<hbm>>) dst(%arg10 : memref<2000xi32, #tpu.memory_space<vmem>>)
    %add3A_155 = arith.constant 2000 : i32
    %add3A_156 = arith.addi %mul3A_2, %add3A_155 : i32
    %dma_start3A_157 = tpu.memref_slice %arg3[%add3A_156] : memref<640000xi32, #tpu.memory_space<hbm>> -> memref<2000xi32, #tpu.memory_space<hbm>>
    %dma_start3A_158 = tpu.memref_slice %arg3[%add3A_156] : memref<640000xi32, #tpu.memory_space<hbm>> -> memref<2000xi32, #tpu.memory_space<hbm>>
    tpu.enqueue_dma source(%dma_start3A_158 : memref<2000xi32, #tpu.memory_space<hbm>>) target(%arg7 : memref<2000xi32, #tpu.memory_space<vmem>>) target_semaphore(%arg20 : memref<!tpu.dma_semaphore, #tpu.memory_space<semaphore_mem>>)
    %add3A_159 = arith.constant 320000 : i32
    %add3A_160 = arith.addi %add3A_159, %add3A_156 : i32
    %dma_start3A_161 = tpu.memref_slice %arg3[%add3A_160] : memref<640000xi32, #tpu.memory_space<hbm>> -> memref<2000xi32, #tpu.memory_space<hbm>>
    %dma_start3A_162 = tpu.memref_slice %arg3[%add3A_160] : memref<640000xi32, #tpu.memory_space<hbm>> -> memref<2000xi32, #tpu.memory_space<hbm>>
    tpu.enqueue_dma source(%dma_start3A_162 : memref<2000xi32, #tpu.memory_space<hbm>>) target(%arg9 : memref<2000xi32, #tpu.memory_space<vmem>>) target_semaphore(%arg20 : memref<!tpu.dma_semaphore, #tpu.memory_space<semaphore_mem>>)
    %dma_start3A_163 = tpu.memref_slice %arg4[%add3A_156] : memref<320000xi32, #tpu.memory_space<hbm>> -> memref<2000xi32, #tpu.memory_space<hbm>>
    %dma_start3A_164 = tpu.memref_slice %arg4[%add3A_156] : memref<320000xi32, #tpu.memory_space<hbm>> -> memref<2000xi32, #tpu.memory_space<hbm>>
    tpu.enqueue_dma source(%dma_start3A_164 : memref<2000xi32, #tpu.memory_space<hbm>>) target(%arg11 : memref<2000xi32, #tpu.memory_space<vmem>>) target_semaphore(%arg20 : memref<!tpu.dma_semaphore, #tpu.memory_space<semaphore_mem>>)
    %scan3A_165 = arith.constant 0 : i32
    %scan3A_166 = arith.constant 125 : i32
    %scan3A_167 = arith.addi %scan3A_165, %scan3A_166 : i32
    %scan3A_168 = arith.constant 1 : i32
    scf.for %scan3A_387 = %scan3A_165 to %scan3A_167 step %scan3A_168  : i32 {
      %mul3A_388 = arith.constant 16 : i32
      %mul3A_389 = arith.muli %scan3A_387, %mul3A_388 : i32
      %get3A_390 = arith.index_cast %mul3A_389 : i32 to index
      %get3A_391 = tpu.vector_load %arg10[%get3A_390] {strides = array<i32>} : memref<2000xi32, #tpu.memory_space<vmem>>, vector<16xi32>,
      %get3A_392 = vector.shape_cast %get3A_391 : vector<16xi32> to vector<16xi32>
      %mul3A_393 = arith.constant 10000 : i32
      %mul3A_394 = vector.broadcast %mul3A_393 : i32 to vector<16xi32>
      %mul3A_395 = arith.muli %get3A_392, %mul3A_394 : vector<16xi32>
      %get3A_396 = arith.index_cast %mul3A_389 : i32 to index
      %get3A_397 = tpu.vector_load %arg6[%get3A_396] {strides = array<i32>} : memref<2000xi32, #tpu.memory_space<vmem>>, vector<16xi32>,
      %get3A_398 = vector.shape_cast %get3A_397 : vector<16xi32> to vector<16xi32>
      %add3A_399 = arith.addi %mul3A_395, %get3A_398 : vector<16xi32>
      %swap3A_400 = arith.index_cast %mul3A_389 : i32 to index
      %swap3A_401 = tpu.vector_load %arg6[%swap3A_400] {strides = array<i32>} : memref<2000xi32, #tpu.memory_space<vmem>>, vector<16xi32>,
      %swap3A_402 = vector.shape_cast %swap3A_401 : vector<16xi32> to vector<16xi32>
      %swap3A_403 = vector.shape_cast %add3A_399 : vector<16xi32> to vector<16xi32>
      tpu.vector_store %arg6[%swap3A_400], %swap3A_403 {strides = array<i32>} : memref<2000xi32, #tpu.memory_space<vmem>>, vector<16xi32>,
    }
    %scan3A_169 = arith.constant 125 : i32
    %get3A = arith.constant 0 : index
    %get3A_170 = tpu.vector_load %arg8[%get3A] {strides = array<i32>} : memref<2000xi32, #tpu.memory_space<vmem>>, vector<16xi32>,
    %get3A_171 = vector.shape_cast %get3A_170 : vector<16xi32> to vector<16xi32>
    %swap3A = arith.constant 0 : index
    %swap3A_172 = tpu.vector_load %arg15[%swap3A] {strides = array<i32>} : memref<80xi32, #tpu.memory_space<vmem>>, vector<16xi32>,
    %swap3A_173 = vector.shape_cast %swap3A_172 : vector<16xi32> to vector<16xi32>
    %swap3A_174 = vector.shape_cast %get3A_171 : vector<16xi32> to vector<16xi32>
    tpu.vector_store %arg15[%swap3A], %swap3A_174 {strides = array<i32>} : memref<80xi32, #tpu.memory_space<vmem>>, vector<16xi32>,
    %get3A_175 = arith.constant 16 : index
    %get3A_176 = tpu.vector_load %arg8[%get3A_175] {strides = array<i32>} : memref<2000xi32, #tpu.memory_space<vmem>>, vector<16xi32>,
    %get3A_177 = vector.shape_cast %get3A_176 : vector<16xi32> to vector<16xi32>
    %swap3A_178 = arith.constant 16 : index
    %swap3A_179 = tpu.vector_load %arg15[%swap3A_178] {strides = array<i32>} : memref<80xi32, #tpu.memory_space<vmem>>, vector<16xi32>,
    %swap3A_180 = vector.shape_cast %swap3A_179 : vector<16xi32> to vector<16xi32>
    %swap3A_181 = vector.shape_cast %get3A_177 : vector<16xi32> to vector<16xi32>
    tpu.vector_store %arg15[%swap3A_178], %swap3A_181 {strides = array<i32>} : memref<80xi32, #tpu.memory_space<vmem>>, vector<16xi32>,
    %get3A_182 = arith.constant 32 : index
    %get3A_183 = tpu.vector_load %arg8[%get3A_182] {strides = array<i32>} : memref<2000xi32, #tpu.memory_space<vmem>>, vector<16xi32>,
    %get3A_184 = vector.shape_cast %get3A_183 : vector<16xi32> to vector<16xi32>
    %swap3A_185 = arith.constant 32 : index
    %swap3A_186 = tpu.vector_load %arg15[%swap3A_185] {strides = array<i32>} : memref<80xi32, #tpu.memory_space<vmem>>, vector<16xi32>,
    %swap3A_187 = vector.shape_cast %swap3A_186 : vector<16xi32> to vector<16xi32>
    %swap3A_188 = vector.shape_cast %get3A_184 : vector<16xi32> to vector<16xi32>
    tpu.vector_store %arg15[%swap3A_185], %swap3A_188 {strides = array<i32>} : memref<80xi32, #tpu.memory_space<vmem>>, vector<16xi32>,
    %get3A_189 = arith.constant 48 : index
    %get3A_190 = tpu.vector_load %arg8[%get3A_189] {strides = array<i32>} : memref<2000xi32, #tpu.memory_space<vmem>>, vector<16xi32>,
    %get3A_191 = vector.shape_cast %get3A_190 : vector<16xi32> to vector<16xi32>
    %swap3A_192 = arith.constant 48 : index
    %swap3A_193 = tpu.vector_load %arg15[%swap3A_192] {strides = array<i32>} : memref<80xi32, #tpu.memory_space<vmem>>, vector<16xi32>,
    %swap3A_194 = vector.shape_cast %swap3A_193 : vector<16xi32> to vector<16xi32>
    %swap3A_195 = vector.shape_cast %get3A_191 : vector<16xi32> to vector<16xi32>
    tpu.vector_store %arg15[%swap3A_192], %swap3A_195 {strides = array<i32>} : memref<80xi32, #tpu.memory_space<vmem>>, vector<16xi32>,
    %get3A_196 = arith.constant 64 : index
    %get3A_197 = tpu.vector_load %arg8[%get3A_196] {strides = array<i32>} : memref<2000xi32, #tpu.memory_space<vmem>>, vector<16xi32>,
    %get3A_198 = vector.shape_cast %get3A_197 : vector<16xi32> to vector<16xi32>
    %swap3A_199 = arith.constant 64 : index
    %swap3A_200 = tpu.vector_load %arg15[%swap3A_199] {strides = array<i32>} : memref<80xi32, #tpu.memory_space<vmem>>, vector<16xi32>,
    %swap3A_201 = vector.shape_cast %swap3A_200 : vector<16xi32> to vector<16xi32>
    %swap3A_202 = vector.shape_cast %get3A_198 : vector<16xi32> to vector<16xi32>
    tpu.vector_store %arg15[%swap3A_199], %swap3A_202 {strides = array<i32>} : memref<80xi32, #tpu.memory_space<vmem>>, vector<16xi32>,
    %dma_start3A_203 = arith.constant 0 : i32
    %dma_start3A_204 = tpu.memref_slice %arg6[%dma_start3A_203] : memref<2000xi32, #tpu.memory_space<vmem>> -> memref<80xi32, #tpu.memory_space<vmem>>
    %dma_start3A_205 = arith.constant 0 : i32
    %dma_start3A_206 = arith.constant 0 : i32
    %dma_start3A_207 = tpu.memref_slice %arg2[%dma_start3A_205, %dma_start3A_206] : memref<80000x128xf32, #tpu.memory_space<hbm>> -> memref<80000x128xf32, #tpu.memory_space<hbm>>
    tpu.enqueue_indirect_dma source(%dma_start3A_207 : memref<80000x128xf32, #tpu.memory_space<hbm>>) target(%arg12 : memref<80x128xf32, #tpu.memory_space<vmem>>) offsets(%dma_start3A_204 : memref<80xi32, #tpu.memory_space<vmem>>) semaphore(%arg21 : memref<!tpu.dma_semaphore, #tpu.memory_space<semaphore_mem>>)
    %get3A_208 = arith.constant 80 : index
    %get3A_209 = tpu.vector_load %arg8[%get3A_208] {strides = array<i32>} : memref<2000xi32, #tpu.memory_space<vmem>>, vector<16xi32>,
    %get3A_210 = vector.shape_cast %get3A_209 : vector<16xi32> to vector<16xi32>
    %swap3A_211 = arith.constant 0 : index
    %swap3A_212 = tpu.vector_load %arg16[%swap3A_211] {strides = array<i32>} : memref<80xi32, #tpu.memory_space<vmem>>, vector<16xi32>,
    %swap3A_213 = vector.shape_cast %swap3A_212 : vector<16xi32> to vector<16xi32>
    %swap3A_214 = vector.shape_cast %get3A_210 : vector<16xi32> to vector<16xi32>
    tpu.vector_store %arg16[%swap3A_211], %swap3A_214 {strides = array<i32>} : memref<80xi32, #tpu.memory_space<vmem>>, vector<16xi32>,
    %get3A_215 = arith.constant 96 : index
    %get3A_216 = tpu.vector_load %arg8[%get3A_215] {strides = array<i32>} : memref<2000xi32, #tpu.memory_space<vmem>>, vector<16xi32>,
    %get3A_217 = vector.shape_cast %get3A_216 : vector<16xi32> to vector<16xi32>
    %swap3A_218 = arith.constant 16 : index
    %swap3A_219 = tpu.vector_load %arg16[%swap3A_218] {strides = array<i32>} : memref<80xi32, #tpu.memory_space<vmem>>, vector<16xi32>,
    %swap3A_220 = vector.shape_cast %swap3A_219 : vector<16xi32> to vector<16xi32>
    %swap3A_221 = vector.shape_cast %get3A_217 : vector<16xi32> to vector<16xi32>
    tpu.vector_store %arg16[%swap3A_218], %swap3A_221 {strides = array<i32>} : memref<80xi32, #tpu.memory_space<vmem>>, vector<16xi32>,
    %get3A_222 = arith.constant 112 : index
    %get3A_223 = tpu.vector_load %arg8[%get3A_222] {strides = array<i32>} : memref<2000xi32, #tpu.memory_space<vmem>>, vector<16xi32>,
    %get3A_224 = vector.shape_cast %get3A_223 : vector<16xi32> to vector<16xi32>
    %swap3A_225 = arith.constant 32 : index
    %swap3A_226 = tpu.vector_load %arg16[%swap3A_225] {strides = array<i32>} : memref<80xi32, #tpu.memory_space<vmem>>, vector<16xi32>,
    %swap3A_227 = vector.shape_cast %swap3A_226 : vector<16xi32> to vector<16xi32>
    %swap3A_228 = vector.shape_cast %get3A_224 : vector<16xi32> to vector<16xi32>
    tpu.vector_store %arg16[%swap3A_225], %swap3A_228 {strides = array<i32>} : memref<80xi32, #tpu.memory_space<vmem>>, vector<16xi32>,
    %get3A_229 = arith.constant 128 : index
    %get3A_230 = tpu.vector_load %arg8[%get3A_229] {strides = array<i32>} : memref<2000xi32, #tpu.memory_space<vmem>>, vector<16xi32>,
    %get3A_231 = vector.shape_cast %get3A_230 : vector<16xi32> to vector<16xi32>
    %swap3A_232 = arith.constant 48 : index
    %swap3A_233 = tpu.vector_load %arg16[%swap3A_232] {strides = array<i32>} : memref<80xi32, #tpu.memory_space<vmem>>, vector<16xi32>,
    %swap3A_234 = vector.shape_cast %swap3A_233 : vector<16xi32> to vector<16xi32>
    %swap3A_235 = vector.shape_cast %get3A_231 : vector<16xi32> to vector<16xi32>
    tpu.vector_store %arg16[%swap3A_232], %swap3A_235 {strides = array<i32>} : memref<80xi32, #tpu.memory_space<vmem>>, vector<16xi32>,
    %get3A_236 = arith.constant 144 : index
    %get3A_237 = tpu.vector_load %arg8[%get3A_236] {strides = array<i32>} : memref<2000xi32, #tpu.memory_space<vmem>>, vector<16xi32>,
    %get3A_238 = vector.shape_cast %get3A_237 : vector<16xi32> to vector<16xi32>
    %swap3A_239 = arith.constant 64 : index
    %swap3A_240 = tpu.vector_load %arg16[%swap3A_239] {strides = array<i32>} : memref<80xi32, #tpu.memory_space<vmem>>, vector<16xi32>,
    %swap3A_241 = vector.shape_cast %swap3A_240 : vector<16xi32> to vector<16xi32>
    %swap3A_242 = vector.shape_cast %get3A_238 : vector<16xi32> to vector<16xi32>
    tpu.vector_store %arg16[%swap3A_239], %swap3A_242 {strides = array<i32>} : memref<80xi32, #tpu.memory_space<vmem>>, vector<16xi32>,
    %dma_start3A_243 = arith.constant 80 : i32
    %dma_start3A_244 = tpu.memref_slice %arg6[%dma_start3A_243] : memref<2000xi32, #tpu.memory_space<vmem>> -> memref<80xi32, #tpu.memory_space<vmem>>
    %dma_start3A_245 = arith.constant 0 : i32
    %dma_start3A_246 = arith.constant 0 : i32
    %dma_start3A_247 = tpu.memref_slice %arg2[%dma_start3A_245, %dma_start3A_246] : memref<80000x128xf32, #tpu.memory_space<hbm>> -> memref<80000x128xf32, #tpu.memory_space<hbm>>
    tpu.enqueue_indirect_dma source(%dma_start3A_247 : memref<80000x128xf32, #tpu.memory_space<hbm>>) target(%arg13 : memref<80x128xf32, #tpu.memory_space<vmem>>) offsets(%dma_start3A_244 : memref<80xi32, #tpu.memory_space<vmem>>) semaphore(%arg22 : memref<!tpu.dma_semaphore, #tpu.memory_space<semaphore_mem>>)
    %dma_wait3A_248 = arith.constant 0 : i32
    %dma_wait3A_249 = tpu.memref_slice %arg6[%dma_wait3A_248] : memref<2000xi32, #tpu.memory_space<vmem>> -> memref<80xi32, #tpu.memory_space<vmem>>
    %dma_wait3A_250 = arith.constant 0 : i32
    %dma_wait3A_251 = arith.constant 0 : i32
    %dma_wait3A_252 = tpu.memref_slice %arg2[%dma_wait3A_250, %dma_wait3A_251] : memref<80000x128xf32, #tpu.memory_space<hbm>> -> memref<80000x128xf32, #tpu.memory_space<hbm>>
    tpu.wait_indirect_dma semaphore(%arg21 : memref<!tpu.dma_semaphore, #tpu.memory_space<semaphore_mem>>) src(%dma_wait3A_252 : memref<80000x128xf32, #tpu.memory_space<hbm>>) dst(%arg12 : memref<80x128xf32, #tpu.memory_space<vmem>>)
    %dma_start3A_253 = arith.constant 0 : i32
    %dma_start3A_254 = arith.constant 0 : i32
    %dma_start3A_255 = tpu.memref_slice %arg18[%dma_start3A_253, %dma_start3A_254] : memref<10240x128xf32, #tpu.memory_space<vmem_shared>> -> memref<10240x128xf32, #tpu.memory_space<vmem_shared>>
    tpu.enqueue_indirect_dma source(%arg12 : memref<80x128xf32, #tpu.memory_space<vmem>>) target(%dma_start3A_255 : memref<10240x128xf32, #tpu.memory_space<vmem_shared>>) offsets(%arg15 : memref<80xi32, #tpu.memory_space<vmem>>) semaphore(%arg24 : memref<!tpu.dma_semaphore, #tpu.memory_space<semaphore_mem>>) {add = true}
    %get3A_256 = arith.constant 160 : index
    %get3A_257 = tpu.vector_load %arg8[%get3A_256] {strides = array<i32>} : memref<2000xi32, #tpu.memory_space<vmem>>, vector<16xi32>,
    %get3A_258 = vector.shape_cast %get3A_257 : vector<16xi32> to vector<16xi32>
    %swap3A_259 = arith.constant 0 : index
    %swap3A_260 = tpu.vector_load %arg17[%swap3A_259] {strides = array<i32>} : memref<80xi32, #tpu.memory_space<vmem>>, vector<16xi32>,
    %swap3A_261 = vector.shape_cast %swap3A_260 : vector<16xi32> to vector<16xi32>
    %swap3A_262 = vector.shape_cast %get3A_258 : vector<16xi32> to vector<16xi32>
    tpu.vector_store %arg17[%swap3A_259], %swap3A_262 {strides = array<i32>} : memref<80xi32, #tpu.memory_space<vmem>>, vector<16xi32>,
    %get3A_263 = arith.constant 176 : index
    %get3A_264 = tpu.vector_load %arg8[%get3A_263] {strides = array<i32>} : memref<2000xi32, #tpu.memory_space<vmem>>, vector<16xi32>,
    %get3A_265 = vector.shape_cast %get3A_264 : vector<16xi32> to vector<16xi32>
    %swap3A_266 = arith.constant 16 : index
    %swap3A_267 = tpu.vector_load %arg17[%swap3A_266] {strides = array<i32>} : memref<80xi32, #tpu.memory_space<vmem>>, vector<16xi32>,
    %swap3A_268 = vector.shape_cast %swap3A_267 : vector<16xi32> to vector<16xi32>
    %swap3A_269 = vector.shape_cast %get3A_265 : vector<16xi32> to vector<16xi32>
    tpu.vector_store %arg17[%swap3A_266], %swap3A_269 {strides = array<i32>} : memref<80xi32, #tpu.memory_space<vmem>>, vector<16xi32>,
    %get3A_270 = arith.constant 192 : index
    %get3A_271 = tpu.vector_load %arg8[%get3A_270] {strides = array<i32>} : memref<2000xi32, #tpu.memory_space<vmem>>, vector<16xi32>,
    %get3A_272 = vector.shape_cast %get3A_271 : vector<16xi32> to vector<16xi32>
    %swap3A_273 = arith.constant 32 : index
    %swap3A_274 = tpu.vector_load %arg17[%swap3A_273] {strides = array<i32>} : memref<80xi32, #tpu.memory_space<vmem>>, vector<16xi32>,
    %swap3A_275 = vector.shape_cast %swap3A_274 : vector<16xi32> to vector<16xi32>
    %swap3A_276 = vector.shape_cast %get3A_272 : vector<16xi32> to vector<16xi32>
    tpu.vector_store %arg17[%swap3A_273], %swap3A_276 {strides = array<i32>} : memref<80xi32, #tpu.memory_space<vmem>>, vector<16xi32>,
    %get3A_277 = arith.constant 208 : index
    %get3A_278 = tpu.vector_load %arg8[%get3A_277] {strides = array<i32>} : memref<2000xi32, #tpu.memory_space<vmem>>, vector<16xi32>,
    %get3A_279 = vector.shape_cast %get3A_278 : vector<16xi32> to vector<16xi32>
    %swap3A_280 = arith.constant 48 : index
    %swap3A_281 = tpu.vector_load %arg17[%swap3A_280] {strides = array<i32>} : memref<80xi32, #tpu.memory_space<vmem>>, vector<16xi32>,
    %swap3A_282 = vector.shape_cast %swap3A_281 : vector<16xi32> to vector<16xi32>
    %swap3A_283 = vector.shape_cast %get3A_279 : vector<16xi32> to vector<16xi32>
    tpu.vector_store %arg17[%swap3A_280], %swap3A_283 {strides = array<i32>} : memref<80xi32, #tpu.memory_space<vmem>>, vector<16xi32>,
    %get3A_284 = arith.constant 224 : index
    %get3A_285 = tpu.vector_load %arg8[%get3A_284] {strides = array<i32>} : memref<2000xi32, #tpu.memory_space<vmem>>, vector<16xi32>,
    %get3A_286 = vector.shape_cast %get3A_285 : vector<16xi32> to vector<16xi32>
    %swap3A_287 = arith.constant 64 : index
    %swap3A_288 = tpu.vector_load %arg17[%swap3A_287] {strides = array<i32>} : memref<80xi32, #tpu.memory_space<vmem>>, vector<16xi32>,
    %swap3A_289 = vector.shape_cast %swap3A_288 : vector<16xi32> to vector<16xi32>
    %swap3A_290 = vector.shape_cast %get3A_286 : vector<16xi32> to vector<16xi32>
    tpu.vector_store %arg17[%swap3A_287], %swap3A_290 {strides = array<i32>} : memref<80xi32, #tpu.memory_space<vmem>>, vector<16xi32>,
    %dma_start3A_291 = arith.constant 160 : i32
    %dma_start3A_292 = tpu.memref_slice %arg6[%dma_start3A_291] : memref<2000xi32, #tpu.memory_space<vmem>> -> memref<80xi32, #tpu.memory_space<vmem>>
    %dma_start3A_293 = arith.constant 0 : i32
    %dma_start3A_294 = arith.constant 0 : i32
    %dma_start3A_295 = tpu.memref_slice %arg2[%dma_start3A_293, %dma_start3A_294] : memref<80000x128xf32, #tpu.memory_space<hbm>> -> memref<80000x128xf32, #tpu.memory_space<hbm>>
    tpu.enqueue_indirect_dma source(%dma_start3A_295 : memref<80000x128xf32, #tpu.memory_space<hbm>>) target(%arg14 : memref<80x128xf32, #tpu.memory_space<vmem>>) offsets(%dma_start3A_292 : memref<80xi32, #tpu.memory_space<vmem>>) semaphore(%arg23 : memref<!tpu.dma_semaphore, #tpu.memory_space<semaphore_mem>>)
    %dma_wait3A_296 = arith.constant 0 : i32
    %dma_wait3A_297 = tpu.memref_slice %arg6[%dma_wait3A_296] : memref<2000xi32, #tpu.memory_space<vmem>> -> memref<80xi32, #tpu.memory_space<vmem>>
    %dma_wait3A_298 = arith.constant 0 : i32
    %dma_wait3A_299 = arith.constant 0 : i32
    %dma_wait3A_300 = tpu.memref_slice %arg2[%dma_wait3A_298, %dma_wait3A_299] : memref<80000x128xf32, #tpu.memory_space<hbm>> -> memref<80000x128xf32, #tpu.memory_space<hbm>>
    tpu.wait_indirect_dma semaphore(%arg22 : memref<!tpu.dma_semaphore, #tpu.memory_space<semaphore_mem>>) src(%dma_wait3A_300 : memref<80000x128xf32, #tpu.memory_space<hbm>>) dst(%arg13 : memref<80x128xf32, #tpu.memory_space<vmem>>)
    %dma_start3A_301 = arith.constant 0 : i32
    %dma_start3A_302 = arith.constant 0 : i32
    %dma_start3A_303 = tpu.memref_slice %arg18[%dma_start3A_301, %dma_start3A_302] : memref<10240x128xf32, #tpu.memory_space<vmem_shared>> -> memref<10240x128xf32, #tpu.memory_space<vmem_shared>>
    tpu.enqueue_indirect_dma source(%arg13 : memref<80x128xf32, #tpu.memory_space<vmem>>) target(%dma_start3A_303 : memref<10240x128xf32, #tpu.memory_space<vmem_shared>>) offsets(%arg16 : memref<80xi32, #tpu.memory_space<vmem>>) semaphore(%arg25 : memref<!tpu.dma_semaphore, #tpu.memory_space<semaphore_mem>>) {add = true}
    %dma_wait3A_304 = arith.constant 0 : i32
    %dma_wait3A_305 = arith.constant 0 : i32
    %dma_wait3A_306 = tpu.memref_slice %arg18[%dma_wait3A_304, %dma_wait3A_305] : memref<10240x128xf32, #tpu.memory_space<vmem_shared>> -> memref<10240x128xf32, #tpu.memory_space<vmem_shared>>
    tpu.wait_indirect_dma semaphore(%arg24 : memref<!tpu.dma_semaphore, #tpu.memory_space<semaphore_mem>>) src(%arg12 : memref<80x128xf32, #tpu.memory_space<vmem>>) dst(%dma_wait3A_306 : memref<10240x128xf32, #tpu.memory_space<vmem_shared>>)
    %get3A_307 = arith.constant 240 : index
    %get3A_308 = tpu.vector_load %arg8[%get3A_307] {strides = array<i32>} : memref<2000xi32, #tpu.memory_space<vmem>>, vector<16xi32>,
    %get3A_309 = vector.shape_cast %get3A_308 : vector<16xi32> to vector<16xi32>
    %swap3A_310 = arith.constant 0 : index
    %swap3A_311 = tpu.vector_load %arg15[%swap3A_310] {strides = array<i32>} : memref<80xi32, #tpu.memory_space<vmem>>, vector<16xi32>,
    %swap3A_312 = vector.shape_cast %swap3A_311 : vector<16xi32> to vector<16xi32>
    %swap3A_313 = vector.shape_cast %get3A_309 : vector<16xi32> to vector<16xi32>
    tpu.vector_store %arg15[%swap3A_310], %swap3A_313 {strides = array<i32>} : memref<80xi32, #tpu.memory_space<vmem>>, vector<16xi32>,
    %get3A_314 = arith.constant 256 : index
    %get3A_315 = tpu.vector_load %arg8[%get3A_314] {strides = array<i32>} : memref<2000xi32, #tpu.memory_space<vmem>>, vector<16xi32>,
    %get3A_316 = vector.shape_cast %get3A_315 : vector<16xi32> to vector<16xi32>
    %swap3A_317 = arith.constant 16 : index
    %swap3A_318 = tpu.vector_load %arg15[%swap3A_317] {strides = array<i32>} : memref<80xi32, #tpu.memory_space<vmem>>, vector<16xi32>,
    %swap3A_319 = vector.shape_cast %swap3A_318 : vector<16xi32> to vector<16xi32>
    %swap3A_320 = vector.shape_cast %get3A_316 : vector<16xi32> to vector<16xi32>
    tpu.vector_store %arg15[%swap3A_317], %swap3A_320 {strides = array<i32>} : memref<80xi32, #tpu.memory_space<vmem>>, vector<16xi32>,
    %get3A_321 = arith.constant 272 : index
    %get3A_322 = tpu.vector_load %arg8[%get3A_321] {strides = array<i32>} : memref<2000xi32, #tpu.memory_space<vmem>>, vector<16xi32>,
    %get3A_323 = vector.shape_cast %get3A_322 : vector<16xi32> to vector<16xi32>
    %swap3A_324 = arith.constant 32 : index
    %swap3A_325 = tpu.vector_load %arg15[%swap3A_324] {strides = array<i32>} : memref<80xi32, #tpu.memory_space<vmem>>, vector<16xi32>,
    %swap3A_326 = vector.shape_cast %swap3A_325 : vector<16xi32> to vector<16xi32>
    %swap3A_327 = vector.shape_cast %get3A_323 : vector<16xi32> to vector<16xi32>
    tpu.vector_store %arg15[%swap3A_324], %swap3A_327 {strides = array<i32>} : memref<80xi32, #tpu.memory_space<vmem>>, vector<16xi32>,
    %get3A_328 = arith.constant 288 : index
    %get3A_329 = tpu.vector_load %arg8[%get3A_328] {strides = array<i32>} : memref<2000xi32, #tpu.memory_space<vmem>>, vector<16xi32>,
    %get3A_330 = vector.shape_cast %get3A_329 : vector<16xi32> to vector<16xi32>
    %swap3A_331 = arith.constant 48 : index
    %swap3A_332 = tpu.vector_load %arg15[%swap3A_331] {strides = array<i32>} : memref<80xi32, #tpu.memory_space<vmem>>, vector<16xi32>,
    %swap3A_333 = vector.shape_cast %swap3A_332 : vector<16xi32> to vector<16xi32>
    %swap3A_334 = vector.shape_cast %get3A_330 : vector<16xi32> to vector<16xi32>
    tpu.vector_store %arg15[%swap3A_331], %swap3A_334 {strides = array<i32>} : memref<80xi32, #tpu.memory_space<vmem>>, vector<16xi32>,
    %get3A_335 = arith.constant 304 : index
    %get3A_336 = tpu.vector_load %arg8[%get3A_335] {strides = array<i32>} : memref<2000xi32, #tpu.memory_space<vmem>>, vector<16xi32>,
    %get3A_337 = vector.shape_cast %get3A_336 : vector<16xi32> to vector<16xi32>
    %swap3A_338 = arith.constant 64 : index
    %swap3A_339 = tpu.vector_load %arg15[%swap3A_338] {strides = array<i32>} : memref<80xi32, #tpu.memory_space<vmem>>, vector<16xi32>,
    %swap3A_340 = vector.shape_cast %swap3A_339 : vector<16xi32> to vector<16xi32>
    %swap3A_341 = vector.shape_cast %get3A_337 : vector<16xi32> to vector<16xi32>
    tpu.vector_store %arg15[%swap3A_338], %swap3A_341 {strides = array<i32>} : memref<80xi32, #tpu.memory_space<vmem>>, vector<16xi32>,
    %dma_start3A_342 = arith.constant 240 : i32
    %dma_start3A_343 = tpu.memref_slice %arg6[%dma_start3A_342] : memref<2000xi32, #tpu.memory_space<vmem>> -> memref<80xi32, #tpu.memory_space<vmem>>
    %dma_start3A_344 = arith.constant 0 : i32
    %dma_start3A_345 = arith.constant 0 : i32
    %dma_start3A_346 = tpu.memref_slice %arg2[%dma_start3A_344, %dma_start3A_345] : memref<80000x128xf32, #tpu.memory_space<hbm>> -> memref<80000x128xf32, #tpu.memory_space<hbm>>
    tpu.enqueue_indirect_dma source(%dma_start3A_346 : memref<80000x128xf32, #tpu.memory_space<hbm>>) target(%arg12 : memref<80x128xf32, #tpu.memory_space<vmem>>) offsets(%dma_start3A_343 : memref<80xi32, #tpu.memory_space<vmem>>) semaphore(%arg21 : memref<!tpu.dma_semaphore, #tpu.memory_space<semaphore_mem>>)
    %scan3A_347 = arith.constant 0 : i32
    %scan3A_348 = arith.constant 7 : i32
    %scan3A_349 = arith.addi %scan3A_347, %scan3A_348 : i32
    %scan3A_350 = arith.constant 1 : i32
    scf.for %scan3A_387 = %scan3A_347 to %scan3A_349 step %scan3A_350  : i32 {
      %mul3A_388 = arith.constant 3 : i32
      %mul3A_389 = arith.muli %mul3A_388, %scan3A_387 : i32
      %add3A_390 = arith.constant 2 : i32
      %add3A_391 = arith.addi %add3A_390, %mul3A_389 : i32
      %dma_wait3A_392 = arith.constant 0 : i32
      %dma_wait3A_393 = tpu.memref_slice %arg6[%dma_wait3A_392] : memref<2000xi32, #tpu.memory_space<vmem>> -> memref<80xi32, #tpu.memory_space<vmem>>
      %dma_wait3A_394 = arith.constant 0 : i32
      %dma_wait3A_395 = arith.constant 0 : i32
      %dma_wait3A_396 = tpu.memref_slice %arg2[%dma_wait3A_394, %dma_wait3A_395] : memref<80000x128xf32, #tpu.memory_space<hbm>> -> memref<80000x128xf32, #tpu.memory_space<hbm>>
      tpu.wait_indirect_dma semaphore(%arg23 : memref<!tpu.dma_semaphore, #tpu.memory_space<semaphore_mem>>) src(%dma_wait3A_396 : memref<80000x128xf32, #tpu.memory_space<hbm>>) dst(%arg14 : memref<80x128xf32, #tpu.memory_space<vmem>>)
      %dma_start3A_397 = arith.constant 0 : i32
      %dma_start3A_398 = arith.constant 0 : i32
      %dma_start3A_399 = tpu.memref_slice %arg18[%dma_start3A_397, %dma_start3A_398] : memref<10240x128xf32, #tpu.memory_space<vmem_shared>> -> memref<10240x128xf32, #tpu.memory_space<vmem_shared>>
      tpu.enqueue_indirect_dma source(%arg14 : memref<80x128xf32, #tpu.memory_space<vmem>>) target(%dma_start3A_399 : memref<10240x128xf32, #tpu.memory_space<vmem_shared>>) offsets(%arg17 : memref<80xi32, #tpu.memory_space<vmem>>) semaphore(%arg26 : memref<!tpu.dma_semaphore, #tpu.memory_space<semaphore_mem>>) {add = true}
      %dma_wait3A_400 = arith.constant 0 : i32
      %dma_wait3A_401 = arith.constant 0 : i32
      %dma_wait3A_402 = tpu.memref_slice %arg18[%dma_wait3A_400, %dma_wait3A_401] : memref<10240x128xf32, #tpu.memory_space<vmem_shared>> -> memref<10240x128xf32, #tpu.memory_space<vmem_shared>>
      tpu.wait_indirect_dma semaphore(%arg25 : memref<!tpu.dma_semaphore, #tpu.memory_space<semaphore_mem>>) src(%arg13 : memref<80x128xf32, #tpu.memory_space<vmem>>) dst(%dma_wait3A_402 : memref<10240x128xf32, #tpu.memory_space<vmem_shared>>)
      %add3A_403 = arith.constant 2 : i32
      %add3A_404 = arith.addi %add3A_391, %add3A_403 : i32
      %mul3A_405 = arith.constant 80 : i32
      %mul3A_406 = arith.muli %add3A_404, %mul3A_405 : i32
      %add3A_407 = arith.constant 0 : i32
      %add3A_408 = arith.addi %mul3A_406, %add3A_407 : i32
      %get3A_409 = arith.index_cast %add3A_408 : i32 to index
      %get3A_410 = tpu.vector_load %arg8[%get3A_409] {strides = array<i32>} : memref<2000xi32, #tpu.memory_space<vmem>>, vector<16xi32>,
      %get3A_411 = vector.shape_cast %get3A_410 : vector<16xi32> to vector<16xi32>
      %swap3A_412 = arith.constant 0 : index
      %swap3A_413 = tpu.vector_load %arg16[%swap3A_412] {strides = array<i32>} : memref<80xi32, #tpu.memory_space<vmem>>, vector<16xi32>,
      %swap3A_414 = vector.shape_cast %swap3A_413 : vector<16xi32> to vector<16xi32>
      %swap3A_415 = vector.shape_cast %get3A_411 : vector<16xi32> to vector<16xi32>
      tpu.vector_store %arg16[%swap3A_412], %swap3A_415 {strides = array<i32>} : memref<80xi32, #tpu.memory_space<vmem>>, vector<16xi32>,
      %mul3A_416 = arith.constant 80 : i32
      %mul3A_417 = arith.muli %add3A_404, %mul3A_416 : i32
      %add3A_418 = arith.constant 16 : i32
      %add3A_419 = arith.addi %mul3A_417, %add3A_418 : i32
      %get3A_420 = arith.index_cast %add3A_419 : i32 to index
      %get3A_421 = tpu.vector_load %arg8[%get3A_420] {strides = array<i32>} : memref<2000xi32, #tpu.memory_space<vmem>>, vector<16xi32>,
      %get3A_422 = vector.shape_cast %get3A_421 : vector<16xi32> to vector<16xi32>
      %swap3A_423 = arith.constant 16 : index
      %swap3A_424 = tpu.vector_load %arg16[%swap3A_423] {strides = array<i32>} : memref<80xi32, #tpu.memory_space<vmem>>, vector<16xi32>,
      %swap3A_425 = vector.shape_cast %swap3A_424 : vector<16xi32> to vector<16xi32>
      %swap3A_426 = vector.shape_cast %get3A_422 : vector<16xi32> to vector<16xi32>
      tpu.vector_store %arg16[%swap3A_423], %swap3A_426 {strides = array<i32>} : memref<80xi32, #tpu.memory_space<vmem>>, vector<16xi32>,
      %mul3A_427 = arith.constant 80 : i32
      %mul3A_428 = arith.muli %add3A_404, %mul3A_427 : i32
      %add3A_429 = arith.constant 32 : i32
      %add3A_430 = arith.addi %mul3A_428, %add3A_429 : i32
      %get3A_431 = arith.index_cast %add3A_430 : i32 to index
      %get3A_432 = tpu.vector_load %arg8[%get3A_431] {strides = array<i32>} : memref<2000xi32, #tpu.memory_space<vmem>>, vector<16xi32>,
      %get3A_433 = vector.shape_cast %get3A_432 : vector<16xi32> to vector<16xi32>
      %swap3A_434 = arith.constant 32 : index
      %swap3A_435 = tpu.vector_load %arg16[%swap3A_434] {strides = array<i32>} : memref<80xi32, #tpu.memory_space<vmem>>, vector<16xi32>,
      %swap3A_436 = vector.shape_cast %swap3A_435 : vector<16xi32> to vector<16xi32>
      %swap3A_437 = vector.shape_cast %get3A_433 : vector<16xi32> to vector<16xi32>
      tpu.vector_store %arg16[%swap3A_434], %swap3A_437 {strides = array<i32>} : memref<80xi32, #tpu.memory_space<vmem>>, vector<16xi32>,
      %mul3A_438 = arith.constant 80 : i32
      %mul3A_439 = arith.muli %add3A_404, %mul3A_438 : i32
      %add3A_440 = arith.constant 48 : i32
      %add3A_441 = arith.addi %mul3A_439, %add3A_440 : i32
      %get3A_442 = arith.index_cast %add3A_441 : i32 to index
      %get3A_443 = tpu.vector_load %arg8[%get3A_442] {strides = array<i32>} : memref<2000xi32, #tpu.memory_space<vmem>>, vector<16xi32>,
      %get3A_444 = vector.shape_cast %get3A_443 : vector<16xi32> to vector<16xi32>
      %swap3A_445 = arith.constant 48 : index
      %swap3A_446 = tpu.vector_load %arg16[%swap3A_445] {strides = array<i32>} : memref<80xi32, #tpu.memory_space<vmem>>, vector<16xi32>,
      %swap3A_447 = vector.shape_cast %swap3A_446 : vector<16xi32> to vector<16xi32>
      %swap3A_448 = vector.shape_cast %get3A_444 : vector<16xi32> to vector<16xi32>
      tpu.vector_store %arg16[%swap3A_445], %swap3A_448 {strides = array<i32>} : memref<80xi32, #tpu.memory_space<vmem>>, vector<16xi32>,
      %mul3A_449 = arith.constant 80 : i32
      %mul3A_450 = arith.muli %add3A_404, %mul3A_449 : i32
      %add3A_451 = arith.constant 64 : i32
      %add3A_452 = arith.addi %mul3A_450, %add3A_451 : i32
      %get3A_453 = arith.index_cast %add3A_452 : i32 to index
      %get3A_454 = tpu.vector_load %arg8[%get3A_453] {strides = array<i32>} : memref<2000xi32, #tpu.memory_space<vmem>>, vector<16xi32>,
      %get3A_455 = vector.shape_cast %get3A_454 : vector<16xi32> to vector<16xi32>
      %swap3A_456 = arith.constant 64 : index
      %swap3A_457 = tpu.vector_load %arg16[%swap3A_456] {strides = array<i32>} : memref<80xi32, #tpu.memory_space<vmem>>, vector<16xi32>,
      %swap3A_458 = vector.shape_cast %swap3A_457 : vector<16xi32> to vector<16xi32>
      %swap3A_459 = vector.shape_cast %get3A_455 : vector<16xi32> to vector<16xi32>
      tpu.vector_store %arg16[%swap3A_456], %swap3A_459 {strides = array<i32>} : memref<80xi32, #tpu.memory_space<vmem>>, vector<16xi32>,
      %mul3A_460 = arith.constant 80 : i32
      %mul3A_461 = arith.muli %add3A_404, %mul3A_460 : i32
      %dma_start3A_462 = tpu.memref_slice %arg6[%mul3A_461] : memref<2000xi32, #tpu.memory_space<vmem>> -> memref<80xi32, #tpu.memory_space<vmem>>
      %dma_start3A_463 = arith.constant 0 : i32
      %dma_start3A_464 = arith.constant 0 : i32
      %dma_start3A_465 = tpu.memref_slice %arg2[%dma_start3A_463, %dma_start3A_464] : memref<80000x128xf32, #tpu.memory_space<hbm>> -> memref<80000x128xf32, #tpu.memory_space<hbm>>
      tpu.enqueue_indirect_dma source(%dma_start3A_465 : memref<80000x128xf32, #tpu.memory_space<hbm>>) target(%arg13 : memref<80x128xf32, #tpu.memory_space<vmem>>) offsets(%dma_start3A_462 : memref<80xi32, #tpu.memory_space<vmem>>) semaphore(%arg22 : memref<!tpu.dma_semaphore, #tpu.memory_space<semaphore_mem>>)
      %add3A_466 = arith.constant 1 : i32
      %add3A_467 = arith.addi %add3A_391, %add3A_466 : i32
      %dma_wait3A_468 = arith.constant 0 : i32
      %dma_wait3A_469 = tpu.memref_slice %arg6[%dma_wait3A_468] : memref<2000xi32, #tpu.memory_space<vmem>> -> memref<80xi32, #tpu.memory_space<vmem>>
      %dma_wait3A_470 = arith.constant 0 : i32
      %dma_wait3A_471 = arith.constant 0 : i32
      %dma_wait3A_472 = tpu.memref_slice %arg2[%dma_wait3A_470, %dma_wait3A_471] : memref<80000x128xf32, #tpu.memory_space<hbm>> -> memref<80000x128xf32, #tpu.memory_space<hbm>>
      tpu.wait_indirect_dma semaphore(%arg21 : memref<!tpu.dma_semaphore, #tpu.memory_space<semaphore_mem>>) src(%dma_wait3A_472 : memref<80000x128xf32, #tpu.memory_space<hbm>>) dst(%arg12 : memref<80x128xf32, #tpu.memory_space<vmem>>)
      %dma_start3A_473 = arith.constant 0 : i32
      %dma_start3A_474 = arith.constant 0 : i32
      %dma_start3A_475 = tpu.memref_slice %arg18[%dma_start3A_473, %dma_start3A_474] : memref<10240x128xf32, #tpu.memory_space<vmem_shared>> -> memref<10240x128xf32, #tpu.memory_space<vmem_shared>>
      tpu.enqueue_indirect_dma source(%arg12 : memref<80x128xf32, #tpu.memory_space<vmem>>) target(%dma_start3A_475 : memref<10240x128xf32, #tpu.memory_space<vmem_shared>>) offsets(%arg15 : memref<80xi32, #tpu.memory_space<vmem>>) semaphore(%arg24 : memref<!tpu.dma_semaphore, #tpu.memory_space<semaphore_mem>>) {add = true}
      %dma_wait3A_476 = arith.constant 0 : i32
      %dma_wait3A_477 = arith.constant 0 : i32
      %dma_wait3A_478 = tpu.memref_slice %arg18[%dma_wait3A_476, %dma_wait3A_477] : memref<10240x128xf32, #tpu.memory_space<vmem_shared>> -> memref<10240x128xf32, #tpu.memory_space<vmem_shared>>
      tpu.wait_indirect_dma semaphore(%arg26 : memref<!tpu.dma_semaphore, #tpu.memory_space<semaphore_mem>>) src(%arg14 : memref<80x128xf32, #tpu.memory_space<vmem>>) dst(%dma_wait3A_478 : memref<10240x128xf32, #tpu.memory_space<vmem_shared>>)
      %add3A_479 = arith.constant 3 : i32
      %add3A_480 = arith.addi %add3A_391, %add3A_479 : i32
      %mul3A_481 = arith.constant 80 : i32
      %mul3A_482 = arith.muli %add3A_480, %mul3A_481 : i32
      %add3A_483 = arith.constant 0 : i32
      %add3A_484 = arith.addi %mul3A_482, %add3A_483 : i32
      %get3A_485 = arith.index_cast %add3A_484 : i32 to index
      %get3A_486 = tpu.vector_load %arg8[%get3A_485] {strides = array<i32>} : memref<2000xi32, #tpu.memory_space<vmem>>, vector<16xi32>,
      %get3A_487 = vector.shape_cast %get3A_486 : vector<16xi32> to vector<16xi32>
      %swap3A_488 = arith.constant 0 : index
      %swap3A_489 = tpu.vector_load %arg17[%swap3A_488] {strides = array<i32>} : memref<80xi32, #tpu.memory_space<vmem>>, vector<16xi32>,
      %swap3A_490 = vector.shape_cast %swap3A_489 : vector<16xi32> to vector<16xi32>
      %swap3A_491 = vector.shape_cast %get3A_487 : vector<16xi32> to vector<16xi32>
      tpu.vector_store %arg17[%swap3A_488], %swap3A_491 {strides = array<i32>} : memref<80xi32, #tpu.memory_space<vmem>>, vector<16xi32>,
      %mul3A_492 = arith.constant 80 : i32
      %mul3A_493 = arith.muli %add3A_480, %mul3A_492 : i32
      %add3A_494 = arith.constant 16 : i32
      %add3A_495 = arith.addi %mul3A_493, %add3A_494 : i32
      %get3A_496 = arith.index_cast %add3A_495 : i32 to index
      %get3A_497 = tpu.vector_load %arg8[%get3A_496] {strides = array<i32>} : memref<2000xi32, #tpu.memory_space<vmem>>, vector<16xi32>,
      %get3A_498 = vector.shape_cast %get3A_497 : vector<16xi32> to vector<16xi32>
      %swap3A_499 = arith.constant 16 : index
      %swap3A_500 = tpu.vector_load %arg17[%swap3A_499] {strides = array<i32>} : memref<80xi32, #tpu.memory_space<vmem>>, vector<16xi32>,
      %swap3A_501 = vector.shape_cast %swap3A_500 : vector<16xi32> to vector<16xi32>
      %swap3A_502 = vector.shape_cast %get3A_498 : vector<16xi32> to vector<16xi32>
      tpu.vector_store %arg17[%swap3A_499], %swap3A_502 {strides = array<i32>} : memref<80xi32, #tpu.memory_space<vmem>>, vector<16xi32>,
      %mul3A_503 = arith.constant 80 : i32
      %mul3A_504 = arith.muli %add3A_480, %mul3A_503 : i32
      %add3A_505 = arith.constant 32 : i32
      %add3A_506 = arith.addi %mul3A_504, %add3A_505 : i32
      %get3A_507 = arith.index_cast %add3A_506 : i32 to index
      %get3A_508 = tpu.vector_load %arg8[%get3A_507] {strides = array<i32>} : memref<2000xi32, #tpu.memory_space<vmem>>, vector<16xi32>,
      %get3A_509 = vector.shape_cast %get3A_508 : vector<16xi32> to vector<16xi32>
      %swap3A_510 = arith.constant 32 : index
      %swap3A_511 = tpu.vector_load %arg17[%swap3A_510] {strides = array<i32>} : memref<80xi32, #tpu.memory_space<vmem>>, vector<16xi32>,
      %swap3A_512 = vector.shape_cast %swap3A_511 : vector<16xi32> to vector<16xi32>
      %swap3A_513 = vector.shape_cast %get3A_509 : vector<16xi32> to vector<16xi32>
      tpu.vector_store %arg17[%swap3A_510], %swap3A_513 {strides = array<i32>} : memref<80xi32, #tpu.memory_space<vmem>>, vector<16xi32>,
      %mul3A_514 = arith.constant 80 : i32
      %mul3A_515 = arith.muli %add3A_480, %mul3A_514 : i32
      %add3A_516 = arith.constant 48 : i32
      %add3A_517 = arith.addi %mul3A_515, %add3A_516 : i32
      %get3A_518 = arith.index_cast %add3A_517 : i32 to index
      %get3A_519 = tpu.vector_load %arg8[%get3A_518] {strides = array<i32>} : memref<2000xi32, #tpu.memory_space<vmem>>, vector<16xi32>,
      %get3A_520 = vector.shape_cast %get3A_519 : vector<16xi32> to vector<16xi32>
      %swap3A_521 = arith.constant 48 : index
      %swap3A_522 = tpu.vector_load %arg17[%swap3A_521] {strides = array<i32>} : memref<80xi32, #tpu.memory_space<vmem>>, vector<16xi32>,
      %swap3A_523 = vector.shape_cast %swap3A_522 : vector<16xi32> to vector<16xi32>
      %swap3A_524 = vector.shape_cast %get3A_520 : vector<16xi32> to vector<16xi32>
      tpu.vector_store %arg17[%swap3A_521], %swap3A_524 {strides = array<i32>} : memref<80xi32, #tpu.memory_space<vmem>>, vector<16xi32>,
      %mul3A_525 = arith.constant 80 : i32
      %mul3A_526 = arith.muli %add3A_480, %mul3A_525 : i32
      %add3A_527 = arith.constant 64 : i32
      %add3A_528 = arith.addi %mul3A_526, %add3A_527 : i32
      %get3A_529 = arith.index_cast %add3A_528 : i32 to index
      %get3A_530 = tpu.vector_load %arg8[%get3A_529] {strides = array<i32>} : memref<2000xi32, #tpu.memory_space<vmem>>, vector<16xi32>,
      %get3A_531 = vector.shape_cast %get3A_530 : vector<16xi32> to vector<16xi32>
      %swap3A_532 = arith.constant 64 : index
      %swap3A_533 = tpu.vector_load %arg17[%swap3A_532] {strides = array<i32>} : memref<80xi32, #tpu.memory_space<vmem>>, vector<16xi32>,
      %swap3A_534 = vector.shape_cast %swap3A_533 : vector<16xi32> to vector<16xi32>
      %swap3A_535 = vector.shape_cast %get3A_531 : vector<16xi32> to vector<16xi32>
      tpu.vector_store %arg17[%swap3A_532], %swap3A_535 {strides = array<i32>} : memref<80xi32, #tpu.memory_space<vmem>>, vector<16xi32>,
      %mul3A_536 = arith.constant 80 : i32
      %mul3A_537 = arith.muli %add3A_480, %mul3A_536 : i32
      %dma_start3A_538 = tpu.memref_slice %arg6[%mul3A_537] : memref<2000xi32, #tpu.memory_space<vmem>> -> memref<80xi32, #tpu.memory_space<vmem>>
      %dma_start3A_539 = arith.constant 0 : i32
      %dma_start3A_540 = arith.constant 0 : i32
      %dma_start3A_541 = tpu.memref_slice %arg2[%dma_start3A_539, %dma_start3A_540] : memref<80000x128xf32, #tpu.memory_space<hbm>> -> memref<80000x128xf32, #tpu.memory_space<hbm>>
      tpu.enqueue_indirect_dma source(%dma_start3A_541 : memref<80000x128xf32, #tpu.memory_space<hbm>>) target(%arg14 : memref<80x128xf32, #tpu.memory_space<vmem>>) offsets(%dma_start3A_538 : memref<80xi32, #tpu.memory_space<vmem>>) semaphore(%arg23 : memref<!tpu.dma_semaphore, #tpu.memory_space<semaphore_mem>>)
      %add3A_542 = arith.constant 2 : i32
      %add3A_543 = arith.addi %add3A_391, %add3A_542 : i32
      %dma_wait3A_544 = arith.constant 0 : i32
      %dma_wait3A_545 = tpu.memref_slice %arg6[%dma_wait3A_544] : memref<2000xi32, #tpu.memory_space<vmem>> -> memref<80xi32, #tpu.memory_space<vmem>>
      %dma_wait3A_546 = arith.constant 0 : i32
      %dma_wait3A_547 = arith.constant 0 : i32
      %dma_wait3A_548 = tpu.memref_slice %arg2[%dma_wait3A_546, %dma_wait3A_547] : memref<80000x128xf32, #tpu.memory_space<hbm>> -> memref<80000x128xf32, #tpu.memory_space<hbm>>
      tpu.wait_indirect_dma semaphore(%arg22 : memref<!tpu.dma_semaphore, #tpu.memory_space<semaphore_mem>>) src(%dma_wait3A_548 : memref<80000x128xf32, #tpu.memory_space<hbm>>) dst(%arg13 : memref<80x128xf32, #tpu.memory_space<vmem>>)
      %dma_start3A_549 = arith.constant 0 : i32
      %dma_start3A_550 = arith.constant 0 : i32
      %dma_start3A_551 = tpu.memref_slice %arg18[%dma_start3A_549, %dma_start3A_550] : memref<10240x128xf32, #tpu.memory_space<vmem_shared>> -> memref<10240x128xf32, #tpu.memory_space<vmem_shared>>
      tpu.enqueue_indirect_dma source(%arg13 : memref<80x128xf32, #tpu.memory_space<vmem>>) target(%dma_start3A_551 : memref<10240x128xf32, #tpu.memory_space<vmem_shared>>) offsets(%arg16 : memref<80xi32, #tpu.memory_space<vmem>>) semaphore(%arg25 : memref<!tpu.dma_semaphore, #tpu.memory_space<semaphore_mem>>) {add = true}
      %dma_wait3A_552 = arith.constant 0 : i32
      %dma_wait3A_553 = arith.constant 0 : i32
      %dma_wait3A_554 = tpu.memref_slice %arg18[%dma_wait3A_552, %dma_wait3A_553] : memref<10240x128xf32, #tpu.memory_space<vmem_shared>> -> memref<10240x128xf32, #tpu.memory_space<vmem_shared>>
      tpu.wait_indirect_dma semaphore(%arg24 : memref<!tpu.dma_semaphore, #tpu.memory_space<semaphore_mem>>) src(%arg12 : memref<80x128xf32, #tpu.memory_space<vmem>>) dst(%dma_wait3A_554 : memref<10240x128xf32, #tpu.memory_space<vmem_shared>>)
      %add3A_555 = arith.constant 4 : i32
      %add3A_556 = arith.addi %add3A_391, %add3A_555 : i32
      %mul3A_557 = arith.constant 80 : i32
      %mul3A_558 = arith.muli %add3A_556, %mul3A_557 : i32
      %add3A_559 = arith.constant 0 : i32
      %add3A_560 = arith.addi %mul3A_558, %add3A_559 : i32
      %get3A_561 = arith.index_cast %add3A_560 : i32 to index
      %get3A_562 = tpu.vector_load %arg8[%get3A_561] {strides = array<i32>} : memref<2000xi32, #tpu.memory_space<vmem>>, vector<16xi32>,
      %get3A_563 = vector.shape_cast %get3A_562 : vector<16xi32> to vector<16xi32>
      %swap3A_564 = arith.constant 0 : index
      %swap3A_565 = tpu.vector_load %arg15[%swap3A_564] {strides = array<i32>} : memref<80xi32, #tpu.memory_space<vmem>>, vector<16xi32>,
      %swap3A_566 = vector.shape_cast %swap3A_565 : vector<16xi32> to vector<16xi32>
      %swap3A_567 = vector.shape_cast %get3A_563 : vector<16xi32> to vector<16xi32>
      tpu.vector_store %arg15[%swap3A_564], %swap3A_567 {strides = array<i32>} : memref<80xi32, #tpu.memory_space<vmem>>, vector<16xi32>,
      %mul3A_568 = arith.constant 80 : i32
      %mul3A_569 = arith.muli %add3A_556, %mul3A_568 : i32
      %add3A_570 = arith.constant 16 : i32
      %add3A_571 = arith.addi %mul3A_569, %add3A_570 : i32
      %get3A_572 = arith.index_cast %add3A_571 : i32 to index
      %get3A_573 = tpu.vector_load %arg8[%get3A_572] {strides = array<i32>} : memref<2000xi32, #tpu.memory_space<vmem>>, vector<16xi32>,
      %get3A_574 = vector.shape_cast %get3A_573 : vector<16xi32> to vector<16xi32>
      %swap3A_575 = arith.constant 16 : index
      %swap3A_576 = tpu.vector_load %arg15[%swap3A_575] {strides = array<i32>} : memref<80xi32, #tpu.memory_space<vmem>>, vector<16xi32>,
      %swap3A_577 = vector.shape_cast %swap3A_576 : vector<16xi32> to vector<16xi32>
      %swap3A_578 = vector.shape_cast %get3A_574 : vector<16xi32> to vector<16xi32>
      tpu.vector_store %arg15[%swap3A_575], %swap3A_578 {strides = array<i32>} : memref<80xi32, #tpu.memory_space<vmem>>, vector<16xi32>,
      %mul3A_579 = arith.constant 80 : i32
      %mul3A_580 = arith.muli %add3A_556, %mul3A_579 : i32
      %add3A_581 = arith.constant 32 : i32
      %add3A_582 = arith.addi %mul3A_580, %add3A_581 : i32
      %get3A_583 = arith.index_cast %add3A_582 : i32 to index
      %get3A_584 = tpu.vector_load %arg8[%get3A_583] {strides = array<i32>} : memref<2000xi32, #tpu.memory_space<vmem>>, vector<16xi32>,
      %get3A_585 = vector.shape_cast %get3A_584 : vector<16xi32> to vector<16xi32>
      %swap3A_586 = arith.constant 32 : index
      %swap3A_587 = tpu.vector_load %arg15[%swap3A_586] {strides = array<i32>} : memref<80xi32, #tpu.memory_space<vmem>>, vector<16xi32>,
      %swap3A_588 = vector.shape_cast %swap3A_587 : vector<16xi32> to vector<16xi32>
      %swap3A_589 = vector.shape_cast %get3A_585 : vector<16xi32> to vector<16xi32>
      tpu.vector_store %arg15[%swap3A_586], %swap3A_589 {strides = array<i32>} : memref<80xi32, #tpu.memory_space<vmem>>, vector<16xi32>,
      %mul3A_590 = arith.constant 80 : i32
      %mul3A_591 = arith.muli %add3A_556, %mul3A_590 : i32
      %add3A_592 = arith.constant 48 : i32
      %add3A_593 = arith.addi %mul3A_591, %add3A_592 : i32
      %get3A_594 = arith.index_cast %add3A_593 : i32 to index
      %get3A_595 = tpu.vector_load %arg8[%get3A_594] {strides = array<i32>} : memref<2000xi32, #tpu.memory_space<vmem>>, vector<16xi32>,
      %get3A_596 = vector.shape_cast %get3A_595 : vector<16xi32> to vector<16xi32>
      %swap3A_597 = arith.constant 48 : index
      %swap3A_598 = tpu.vector_load %arg15[%swap3A_597] {strides = array<i32>} : memref<80xi32, #tpu.memory_space<vmem>>, vector<16xi32>,
      %swap3A_599 = vector.shape_cast %swap3A_598 : vector<16xi32> to vector<16xi32>
      %swap3A_600 = vector.shape_cast %get3A_596 : vector<16xi32> to vector<16xi32>
      tpu.vector_store %arg15[%swap3A_597], %swap3A_600 {strides = array<i32>} : memref<80xi32, #tpu.memory_space<vmem>>, vector<16xi32>,
      %mul3A_601 = arith.constant 80 : i32
      %mul3A_602 = arith.muli %add3A_556, %mul3A_601 : i32
      %add3A_603 = arith.constant 64 : i32
      %add3A_604 = arith.addi %mul3A_602, %add3A_603 : i32
      %get3A_605 = arith.index_cast %add3A_604 : i32 to index
      %get3A_606 = tpu.vector_load %arg8[%get3A_605] {strides = array<i32>} : memref<2000xi32, #tpu.memory_space<vmem>>, vector<16xi32>,
      %get3A_607 = vector.shape_cast %get3A_606 : vector<16xi32> to vector<16xi32>
      %swap3A_608 = arith.constant 64 : index
      %swap3A_609 = tpu.vector_load %arg15[%swap3A_608] {strides = array<i32>} : memref<80xi32, #tpu.memory_space<vmem>>, vector<16xi32>,
      %swap3A_610 = vector.shape_cast %swap3A_609 : vector<16xi32> to vector<16xi32>
      %swap3A_611 = vector.shape_cast %get3A_607 : vector<16xi32> to vector<16xi32>
      tpu.vector_store %arg15[%swap3A_608], %swap3A_611 {strides = array<i32>} : memref<80xi32, #tpu.memory_space<vmem>>, vector<16xi32>,
      %mul3A_612 = arith.constant 80 : i32
      %mul3A_613 = arith.muli %add3A_556, %mul3A_612 : i32
      %dma_start3A_614 = tpu.memref_slice %arg6[%mul3A_613] : memref<2000xi32, #tpu.memory_space<vmem>> -> memref<80xi32, #tpu.memory_space<vmem>>
      %dma_start3A_615 = arith.constant 0 : i32
      %dma_start3A_616 = arith.constant 0 : i32
      %dma_start3A_617 = tpu.memref_slice %arg2[%dma_start3A_615, %dma_start3A_616] : memref<80000x128xf32, #tpu.memory_space<hbm>> -> memref<80000x128xf32, #tpu.memory_space<hbm>>
      tpu.enqueue_indirect_dma source(%dma_start3A_617 : memref<80000x128xf32, #tpu.memory_space<hbm>>) target(%arg12 : memref<80x128xf32, #tpu.memory_space<vmem>>) offsets(%dma_start3A_614 : memref<80xi32, #tpu.memory_space<vmem>>) semaphore(%arg21 : memref<!tpu.dma_semaphore, #tpu.memory_space<semaphore_mem>>)
    }
    %scan3A_351 = arith.constant 7 : i32
    %dma_wait3A_352 = arith.constant 0 : i32
    %dma_wait3A_353 = tpu.memref_slice %arg6[%dma_wait3A_352] : memref<2000xi32, #tpu.memory_space<vmem>> -> memref<80xi32, #tpu.memory_space<vmem>>
    %dma_wait3A_354 = arith.constant 0 : i32
    %dma_wait3A_355 = arith.constant 0 : i32
    %dma_wait3A_356 = tpu.memref_slice %arg2[%dma_wait3A_354, %dma_wait3A_355] : memref<80000x128xf32, #tpu.memory_space<hbm>> -> memref<80000x128xf32, #tpu.memory_space<hbm>>
    tpu.wait_indirect_dma semaphore(%arg23 : memref<!tpu.dma_semaphore, #tpu.memory_space<semaphore_mem>>) src(%dma_wait3A_356 : memref<80000x128xf32, #tpu.memory_space<hbm>>) dst(%arg14 : memref<80x128xf32, #tpu.memory_space<vmem>>)
    %dma_start3A_357 = arith.constant 0 : i32
    %dma_start3A_358 = arith.constant 0 : i32
    %dma_start3A_359 = tpu.memref_slice %arg18[%dma_start3A_357, %dma_start3A_358] : memref<10240x128xf32, #tpu.memory_space<vmem_shared>> -> memref<10240x128xf32, #tpu.memory_space<vmem_shared>>
    tpu.enqueue_indirect_dma source(%arg14 : memref<80x128xf32, #tpu.memory_space<vmem>>) target(%dma_start3A_359 : memref<10240x128xf32, #tpu.memory_space<vmem_shared>>) offsets(%arg17 : memref<80xi32, #tpu.memory_space<vmem>>) semaphore(%arg26 : memref<!tpu.dma_semaphore, #tpu.memory_space<semaphore_mem>>) {add = true}
    %dma_wait3A_360 = arith.constant 0 : i32
    %dma_wait3A_361 = tpu.memref_slice %arg6[%dma_wait3A_360] : memref<2000xi32, #tpu.memory_space<vmem>> -> memref<80xi32, #tpu.memory_space<vmem>>
    %dma_wait3A_362 = arith.constant 0 : i32
    %dma_wait3A_363 = arith.constant 0 : i32
    %dma_wait3A_364 = tpu.memref_slice %arg2[%dma_wait3A_362, %dma_wait3A_363] : memref<80000x128xf32, #tpu.memory_space<hbm>> -> memref<80000x128xf32, #tpu.memory_space<hbm>>
    tpu.wait_indirect_dma semaphore(%arg21 : memref<!tpu.dma_semaphore, #tpu.memory_space<semaphore_mem>>) src(%dma_wait3A_364 : memref<80000x128xf32, #tpu.memory_space<hbm>>) dst(%arg12 : memref<80x128xf32, #tpu.memory_space<vmem>>)
    %dma_start3A_365 = arith.constant 0 : i32
    %dma_start3A_366 = arith.constant 0 : i32
    %dma_start3A_367 = tpu.memref_slice %arg18[%dma_start3A_365, %dma_start3A_366] : memref<10240x128xf32, #tpu.memory_space<vmem_shared>> -> memref<10240x128xf32, #tpu.memory_space<vmem_shared>>
    tpu.enqueue_indirect_dma source(%arg12 : memref<80x128xf32, #tpu.memory_space<vmem>>) target(%dma_start3A_367 : memref<10240x128xf32, #tpu.memory_space<vmem_shared>>) offsets(%arg15 : memref<80xi32, #tpu.memory_space<vmem>>) semaphore(%arg24 : memref<!tpu.dma_semaphore, #tpu.memory_space<semaphore_mem>>) {add = true}
    %scan3A_368 = arith.constant 0 : i32
    %scan3A_369 = arith.constant 2 : i32
    %scan3A_370 = arith.addi %scan3A_368, %scan3A_369 : i32
    %scan3A_371 = arith.constant 1 : i32
    scf.for %scan3A_387 = %scan3A_368 to %scan3A_370 step %scan3A_371  : i32 {
      %mul3A_388 = arith.constant 2 : i32
      %mul3A_389 = arith.muli %mul3A_388, %scan3A_387 : i32
      %add3A_390 = arith.constant 1 : i32
      %add3A_391 = arith.addi %mul3A_389, %add3A_390 : i32
      %dma_wait3A_392 = arith.constant 0 : i32
      %dma_wait3A_393 = tpu.memref_slice %arg3[%dma_wait3A_392] : memref<640000xi32, #tpu.memory_space<hbm>> -> memref<2000xi32, #tpu.memory_space<hbm>>
      %dma_wait3A_394 = arith.constant 0 : i32
      %dma_wait3A_395 = tpu.memref_slice %arg3[%dma_wait3A_394] : memref<640000xi32, #tpu.memory_space<hbm>> -> memref<2000xi32, #tpu.memory_space<hbm>>
      tpu.wait_dma2 semaphore(%arg20 : memref<!tpu.dma_semaphore, #tpu.memory_space<semaphore_mem>>) src(%dma_wait3A_395 : memref<2000xi32, #tpu.memory_space<hbm>>) dst(%arg7 : memref<2000xi32, #tpu.memory_space<vmem>>)
      %dma_wait3A_396 = arith.constant 0 : i32
      %dma_wait3A_397 = tpu.memref_slice %arg3[%dma_wait3A_396] : memref<640000xi32, #tpu.memory_space<hbm>> -> memref<2000xi32, #tpu.memory_space<hbm>>
      %dma_wait3A_398 = arith.constant 0 : i32
      %dma_wait3A_399 = tpu.memref_slice %arg3[%dma_wait3A_398] : memref<640000xi32, #tpu.memory_space<hbm>> -> memref<2000xi32, #tpu.memory_space<hbm>>
      tpu.wait_dma2 semaphore(%arg20 : memref<!tpu.dma_semaphore, #tpu.memory_space<semaphore_mem>>) src(%dma_wait3A_399 : memref<2000xi32, #tpu.memory_space<hbm>>) dst(%arg9 : memref<2000xi32, #tpu.memory_space<vmem>>)
      %dma_wait3A_400 = arith.constant 0 : i32
      %dma_wait3A_401 = tpu.memref_slice %arg4[%dma_wait3A_400] : memref<320000xi32, #tpu.memory_space<hbm>> -> memref<2000xi32, #tpu.memory_space<hbm>>
      %dma_wait3A_402 = arith.constant 0 : i32
      %dma_wait3A_403 = tpu.memref_slice %arg4[%dma_wait3A_402] : memref<320000xi32, #tpu.memory_space<hbm>> -> memref<2000xi32, #tpu.memory_space<hbm>>
      tpu.wait_dma2 semaphore(%arg20 : memref<!tpu.dma_semaphore, #tpu.memory_space<semaphore_mem>>) src(%dma_wait3A_403 : memref<2000xi32, #tpu.memory_space<hbm>>) dst(%arg11 : memref<2000xi32, #tpu.memory_space<vmem>>)
      %add3A_404 = arith.constant 1 : i32
      %add3A_405 = arith.addi %add3A_391, %add3A_404 : i32
      %mul3A_406 = arith.constant 2000 : i32
      %mul3A_407 = arith.muli %add3A_405, %mul3A_406 : i32
      %add3A_408 = arith.addi %mul3A_2, %mul3A_407 : i32
      %dma_start3A_409 = tpu.memref_slice %arg3[%add3A_408] : memref<640000xi32, #tpu.memory_space<hbm>> -> memref<2000xi32, #tpu.memory_space<hbm>>
      %dma_start3A_410 = tpu.memref_slice %arg3[%add3A_408] : memref<640000xi32, #tpu.memory_space<hbm>> -> memref<2000xi32, #tpu.memory_space<hbm>>
      tpu.enqueue_dma source(%dma_start3A_410 : memref<2000xi32, #tpu.memory_space<hbm>>) target(%arg6 : memref<2000xi32, #tpu.memory_space<vmem>>) target_semaphore(%arg19 : memref<!tpu.dma_semaphore, #tpu.memory_space<semaphore_mem>>)
      %add3A_411 = arith.constant 320000 : i32
      %add3A_412 = arith.addi %add3A_411, %add3A_408 : i32
      %dma_start3A_413 = tpu.memref_slice %arg3[%add3A_412] : memref<640000xi32, #tpu.memory_space<hbm>> -> memref<2000xi32, #tpu.memory_space<hbm>>
      %dma_start3A_414 = tpu.memref_slice %arg3[%add3A_412] : memref<640000xi32, #tpu.memory_space<hbm>> -> memref<2000xi32, #tpu.memory_space<hbm>>
      tpu.enqueue_dma source(%dma_start3A_414 : memref<2000xi32, #tpu.memory_space<hbm>>) target(%arg8 : memref<2000xi32, #tpu.memory_space<vmem>>) target_semaphore(%arg19 : memref<!tpu.dma_semaphore, #tpu.memory_space<semaphore_mem>>)
      %dma_start3A_415 = tpu.memref_slice %arg4[%add3A_408] : memref<320000xi32, #tpu.memory_space<hbm>> -> memref<2000xi32, #tpu.memory_space<hbm>>
      %dma_start3A_416 = tpu.memref_slice %arg4[%add3A_408] : memref<320000xi32, #tpu.memory_space<hbm>> -> memref<2000xi32, #tpu.memory_space<hbm>>
      tpu.enqueue_dma source(%dma_start3A_416 : memref<2000xi32, #tpu.memory_space<hbm>>) target(%arg10 : memref<2000xi32, #tpu.memory_space<vmem>>) target_semaphore(%arg19 : memref<!tpu.dma_semaphore, #tpu.memory_space<semaphore_mem>>)
      %scan3A_417 = arith.constant 0 : i32
      %scan3A_418 = arith.constant 125 : i32
      %scan3A_419 = arith.addi %scan3A_417, %scan3A_418 : i32
      %scan3A_420 = arith.constant 1 : i32
      scf.for %scan3A_861 = %scan3A_417 to %scan3A_419 step %scan3A_420  : i32 {
        %mul3A_862 = arith.constant 16 : i32
        %mul3A_863 = arith.muli %scan3A_861, %mul3A_862 : i32
        %get3A_864 = arith.index_cast %mul3A_863 : i32 to index
        %get3A_865 = tpu.vector_load %arg11[%get3A_864] {strides = array<i32>} : memref<2000xi32, #tpu.memory_space<vmem>>, vector<16xi32>,
        %get3A_866 = vector.shape_cast %get3A_865 : vector<16xi32> to vector<16xi32>
        %mul3A_867 = arith.constant 10000 : i32
        %mul3A_868 = vector.broadcast %mul3A_867 : i32 to vector<16xi32>
        %mul3A_869 = arith.muli %get3A_866, %mul3A_868 : vector<16xi32>
        %get3A_870 = arith.index_cast %mul3A_863 : i32 to index
        %get3A_871 = tpu.vector_load %arg7[%get3A_870] {strides = array<i32>} : memref<2000xi32, #tpu.memory_space<vmem>>, vector<16xi32>,
        %get3A_872 = vector.shape_cast %get3A_871 : vector<16xi32> to vector<16xi32>
        %add3A_873 = arith.addi %mul3A_869, %get3A_872 : vector<16xi32>
        %swap3A_874 = arith.index_cast %mul3A_863 : i32 to index
        %swap3A_875 = tpu.vector_load %arg7[%swap3A_874] {strides = array<i32>} : memref<2000xi32, #tpu.memory_space<vmem>>, vector<16xi32>,
        %swap3A_876 = vector.shape_cast %swap3A_875 : vector<16xi32> to vector<16xi32>
        %swap3A_877 = vector.shape_cast %add3A_873 : vector<16xi32> to vector<16xi32>
        tpu.vector_store %arg7[%swap3A_874], %swap3A_877 {strides = array<i32>} : memref<2000xi32, #tpu.memory_space<vmem>>, vector<16xi32>,
      }
      %scan3A_421 = arith.constant 125 : i32
      %dma_wait3A_422 = arith.constant 0 : i32
      %dma_wait3A_423 = arith.constant 0 : i32
      %dma_wait3A_424 = tpu.memref_slice %arg18[%dma_wait3A_422, %dma_wait3A_423] : memref<10240x128xf32, #tpu.memory_space<vmem_shared>> -> memref<10240x128xf32, #tpu.memory_space<vmem_shared>>
      tpu.wait_indirect_dma semaphore(%arg24 : memref<!tpu.dma_semaphore, #tpu.memory_space<semaphore_mem>>) src(%arg12 : memref<80x128xf32, #tpu.memory_space<vmem>>) dst(%dma_wait3A_424 : memref<10240x128xf32, #tpu.memory_space<vmem_shared>>)
      %get3A_425 = arith.constant 0 : index
      %get3A_426 = tpu.vector_load %arg9[%get3A_425] {strides = array<i32>} : memref<2000xi32, #tpu.memory_space<vmem>>, vector<16xi32>,
      %get3A_427 = vector.shape_cast %get3A_426 : vector<16xi32> to vector<16xi32>
      %swap3A_428 = arith.constant 0 : index
      %swap3A_429 = tpu.vector_load %arg15[%swap3A_428] {strides = array<i32>} : memref<80xi32, #tpu.memory_space<vmem>>, vector<16xi32>,
      %swap3A_430 = vector.shape_cast %swap3A_429 : vector<16xi32> to vector<16xi32>
      %swap3A_431 = vector.shape_cast %get3A_427 : vector<16xi32> to vector<16xi32>
      tpu.vector_store %arg15[%swap3A_428], %swap3A_431 {strides = array<i32>} : memref<80xi32, #tpu.memory_space<vmem>>, vector<16xi32>,
      %get3A_432 = arith.constant 16 : index
      %get3A_433 = tpu.vector_load %arg9[%get3A_432] {strides = array<i32>} : memref<2000xi32, #tpu.memory_space<vmem>>, vector<16xi32>,
      %get3A_434 = vector.shape_cast %get3A_433 : vector<16xi32> to vector<16xi32>
      %swap3A_435 = arith.constant 16 : index
      %swap3A_436 = tpu.vector_load %arg15[%swap3A_435] {strides = array<i32>} : memref<80xi32, #tpu.memory_space<vmem>>, vector<16xi32>,
      %swap3A_437 = vector.shape_cast %swap3A_436 : vector<16xi32> to vector<16xi32>
      %swap3A_438 = vector.shape_cast %get3A_434 : vector<16xi32> to vector<16xi32>
      tpu.vector_store %arg15[%swap3A_435], %swap3A_438 {strides = array<i32>} : memref<80xi32, #tpu.memory_space<vmem>>, vector<16xi32>,
      %get3A_439 = arith.constant 32 : index
      %get3A_440 = tpu.vector_load %arg9[%get3A_439] {strides = array<i32>} : memref<2000xi32, #tpu.memory_space<vmem>>, vector<16xi32>,
      %get3A_441 = vector.shape_cast %get3A_440 : vector<16xi32> to vector<16xi32>
      %swap3A_442 = arith.constant 32 : index
      %swap3A_443 = tpu.vector_load %arg15[%swap3A_442] {strides = array<i32>} : memref<80xi32, #tpu.memory_space<vmem>>, vector<16xi32>,
      %swap3A_444 = vector.shape_cast %swap3A_443 : vector<16xi32> to vector<16xi32>
      %swap3A_445 = vector.shape_cast %get3A_441 : vector<16xi32> to vector<16xi32>
      tpu.vector_store %arg15[%swap3A_442], %swap3A_445 {strides = array<i32>} : memref<80xi32, #tpu.memory_space<vmem>>, vector<16xi32>,
      %get3A_446 = arith.constant 48 : index
      %get3A_447 = tpu.vector_load %arg9[%get3A_446] {strides = array<i32>} : memref<2000xi32, #tpu.memory_space<vmem>>, vector<16xi32>,
      %get3A_448 = vector.shape_cast %get3A_447 : vector<16xi32> to vector<16xi32>
      %swap3A_449 = arith.constant 48 : index
      %swap3A_450 = tpu.vector_load %arg15[%swap3A_449] {strides = array<i32>} : memref<80xi32, #tpu.memory_space<vmem>>, vector<16xi32>,
      %swap3A_451 = vector.shape_cast %swap3A_450 : vector<16xi32> to vector<16xi32>
      %swap3A_452 = vector.shape_cast %get3A_448 : vector<16xi32> to vector<16xi32>
      tpu.vector_store %arg15[%swap3A_449], %swap3A_452 {strides = array<i32>} : memref<80xi32, #tpu.memory_space<vmem>>, vector<16xi32>,
      %get3A_453 = arith.constant 64 : index
      %get3A_454 = tpu.vector_load %arg9[%get3A_453] {strides = array<i32>} : memref<2000xi32, #tpu.memory_space<vmem>>, vector<16xi32>,
      %get3A_455 = vector.shape_cast %get3A_454 : vector<16xi32> to vector<16xi32>
      %swap3A_456 = arith.constant 64 : index
      %swap3A_457 = tpu.vector_load %arg15[%swap3A_456] {strides = array<i32>} : memref<80xi32, #tpu.memory_space<vmem>>, vector<16xi32>,
      %swap3A_458 = vector.shape_cast %swap3A_457 : vector<16xi32> to vector<16xi32>
      %swap3A_459 = vector.shape_cast %get3A_455 : vector<16xi32> to vector<16xi32>
      tpu.vector_store %arg15[%swap3A_456], %swap3A_459 {strides = array<i32>} : memref<80xi32, #tpu.memory_space<vmem>>, vector<16xi32>,
      %dma_start3A_460 = arith.constant 0 : i32
      %dma_start3A_461 = tpu.memref_slice %arg7[%dma_start3A_460] : memref<2000xi32, #tpu.memory_space<vmem>> -> memref<80xi32, #tpu.memory_space<vmem>>
      %dma_start3A_462 = arith.constant 0 : i32
      %dma_start3A_463 = arith.constant 0 : i32
      %dma_start3A_464 = tpu.memref_slice %arg2[%dma_start3A_462, %dma_start3A_463] : memref<80000x128xf32, #tpu.memory_space<hbm>> -> memref<80000x128xf32, #tpu.memory_space<hbm>>
      tpu.enqueue_indirect_dma source(%dma_start3A_464 : memref<80000x128xf32, #tpu.memory_space<hbm>>) target(%arg12 : memref<80x128xf32, #tpu.memory_space<vmem>>) offsets(%dma_start3A_461 : memref<80xi32, #tpu.memory_space<vmem>>) semaphore(%arg21 : memref<!tpu.dma_semaphore, #tpu.memory_space<semaphore_mem>>)
      %dma_wait3A_465 = arith.constant 0 : i32
      %dma_wait3A_466 = arith.constant 0 : i32
      %dma_wait3A_467 = tpu.memref_slice %arg18[%dma_wait3A_465, %dma_wait3A_466] : memref<10240x128xf32, #tpu.memory_space<vmem_shared>> -> memref<10240x128xf32, #tpu.memory_space<vmem_shared>>
      tpu.wait_indirect_dma semaphore(%arg25 : memref<!tpu.dma_semaphore, #tpu.memory_space<semaphore_mem>>) src(%arg13 : memref<80x128xf32, #tpu.memory_space<vmem>>) dst(%dma_wait3A_467 : memref<10240x128xf32, #tpu.memory_space<vmem_shared>>)
      %get3A_468 = arith.constant 80 : index
      %get3A_469 = tpu.vector_load %arg9[%get3A_468] {strides = array<i32>} : memref<2000xi32, #tpu.memory_space<vmem>>, vector<16xi32>,
      %get3A_470 = vector.shape_cast %get3A_469 : vector<16xi32> to vector<16xi32>
      %swap3A_471 = arith.constant 0 : index
      %swap3A_472 = tpu.vector_load %arg16[%swap3A_471] {strides = array<i32>} : memref<80xi32, #tpu.memory_space<vmem>>, vector<16xi32>,
      %swap3A_473 = vector.shape_cast %swap3A_472 : vector<16xi32> to vector<16xi32>
      %swap3A_474 = vector.shape_cast %get3A_470 : vector<16xi32> to vector<16xi32>
      tpu.vector_store %arg16[%swap3A_471], %swap3A_474 {strides = array<i32>} : memref<80xi32, #tpu.memory_space<vmem>>, vector<16xi32>,
      %get3A_475 = arith.constant 96 : index
      %get3A_476 = tpu.vector_load %arg9[%get3A_475] {strides = array<i32>} : memref<2000xi32, #tpu.memory_space<vmem>>, vector<16xi32>,
      %get3A_477 = vector.shape_cast %get3A_476 : vector<16xi32> to vector<16xi32>
      %swap3A_478 = arith.constant 16 : index
      %swap3A_479 = tpu.vector_load %arg16[%swap3A_478] {strides = array<i32>} : memref<80xi32, #tpu.memory_space<vmem>>, vector<16xi32>,
      %swap3A_480 = vector.shape_cast %swap3A_479 : vector<16xi32> to vector<16xi32>
      %swap3A_481 = vector.shape_cast %get3A_477 : vector<16xi32> to vector<16xi32>
      tpu.vector_store %arg16[%swap3A_478], %swap3A_481 {strides = array<i32>} : memref<80xi32, #tpu.memory_space<vmem>>, vector<16xi32>,
      %get3A_482 = arith.constant 112 : index
      %get3A_483 = tpu.vector_load %arg9[%get3A_482] {strides = array<i32>} : memref<2000xi32, #tpu.memory_space<vmem>>, vector<16xi32>,
      %get3A_484 = vector.shape_cast %get3A_483 : vector<16xi32> to vector<16xi32>
      %swap3A_485 = arith.constant 32 : index
      %swap3A_486 = tpu.vector_load %arg16[%swap3A_485] {strides = array<i32>} : memref<80xi32, #tpu.memory_space<vmem>>, vector<16xi32>,
      %swap3A_487 = vector.shape_cast %swap3A_486 : vector<16xi32> to vector<16xi32>
      %swap3A_488 = vector.shape_cast %get3A_484 : vector<16xi32> to vector<16xi32>
      tpu.vector_store %arg16[%swap3A_485], %swap3A_488 {strides = array<i32>} : memref<80xi32, #tpu.memory_space<vmem>>, vector<16xi32>,
      %get3A_489 = arith.constant 128 : index
      %get3A_490 = tpu.vector_load %arg9[%get3A_489] {strides = array<i32>} : memref<2000xi32, #tpu.memory_space<vmem>>, vector<16xi32>,
      %get3A_491 = vector.shape_cast %get3A_490 : vector<16xi32> to vector<16xi32>
      %swap3A_492 = arith.constant 48 : index
      %swap3A_493 = tpu.vector_load %arg16[%swap3A_492] {strides = array<i32>} : memref<80xi32, #tpu.memory_space<vmem>>, vector<16xi32>,
      %swap3A_494 = vector.shape_cast %swap3A_493 : vector<16xi32> to vector<16xi32>
      %swap3A_495 = vector.shape_cast %get3A_491 : vector<16xi32> to vector<16xi32>
      tpu.vector_store %arg16[%swap3A_492], %swap3A_495 {strides = array<i32>} : memref<80xi32, #tpu.memory_space<vmem>>, vector<16xi32>,
      %get3A_496 = arith.constant 144 : index
      %get3A_497 = tpu.vector_load %arg9[%get3A_496] {strides = array<i32>} : memref<2000xi32, #tpu.memory_space<vmem>>, vector<16xi32>,
      %get3A_498 = vector.shape_cast %get3A_497 : vector<16xi32> to vector<16xi32>
      %swap3A_499 = arith.constant 64 : index
      %swap3A_500 = tpu.vector_load %arg16[%swap3A_499] {strides = array<i32>} : memref<80xi32, #tpu.memory_space<vmem>>, vector<16xi32>,
      %swap3A_501 = vector.shape_cast %swap3A_500 : vector<16xi32> to vector<16xi32>
      %swap3A_502 = vector.shape_cast %get3A_498 : vector<16xi32> to vector<16xi32>
      tpu.vector_store %arg16[%swap3A_499], %swap3A_502 {strides = array<i32>} : memref<80xi32, #tpu.memory_space<vmem>>, vector<16xi32>,
      %dma_start3A_503 = arith.constant 80 : i32
      %dma_start3A_504 = tpu.memref_slice %arg7[%dma_start3A_503] : memref<2000xi32, #tpu.memory_space<vmem>> -> memref<80xi32, #tpu.memory_space<vmem>>
      %dma_start3A_505 = arith.constant 0 : i32
      %dma_start3A_506 = arith.constant 0 : i32
      %dma_start3A_507 = tpu.memref_slice %arg2[%dma_start3A_505, %dma_start3A_506] : memref<80000x128xf32, #tpu.memory_space<hbm>> -> memref<80000x128xf32, #tpu.memory_space<hbm>>
      tpu.enqueue_indirect_dma source(%dma_start3A_507 : memref<80000x128xf32, #tpu.memory_space<hbm>>) target(%arg13 : memref<80x128xf32, #tpu.memory_space<vmem>>) offsets(%dma_start3A_504 : memref<80xi32, #tpu.memory_space<vmem>>) semaphore(%arg22 : memref<!tpu.dma_semaphore, #tpu.memory_space<semaphore_mem>>)
      %dma_wait3A_508 = arith.constant 0 : i32
      %dma_wait3A_509 = tpu.memref_slice %arg7[%dma_wait3A_508] : memref<2000xi32, #tpu.memory_space<vmem>> -> memref<80xi32, #tpu.memory_space<vmem>>
      %dma_wait3A_510 = arith.constant 0 : i32
      %dma_wait3A_511 = arith.constant 0 : i32
      %dma_wait3A_512 = tpu.memref_slice %arg2[%dma_wait3A_510, %dma_wait3A_511] : memref<80000x128xf32, #tpu.memory_space<hbm>> -> memref<80000x128xf32, #tpu.memory_space<hbm>>
      tpu.wait_indirect_dma semaphore(%arg21 : memref<!tpu.dma_semaphore, #tpu.memory_space<semaphore_mem>>) src(%dma_wait3A_512 : memref<80000x128xf32, #tpu.memory_space<hbm>>) dst(%arg12 : memref<80x128xf32, #tpu.memory_space<vmem>>)
      %dma_start3A_513 = arith.constant 0 : i32
      %dma_start3A_514 = arith.constant 0 : i32
      %dma_start3A_515 = tpu.memref_slice %arg18[%dma_start3A_513, %dma_start3A_514] : memref<10240x128xf32, #tpu.memory_space<vmem_shared>> -> memref<10240x128xf32, #tpu.memory_space<vmem_shared>>
      tpu.enqueue_indirect_dma source(%arg12 : memref<80x128xf32, #tpu.memory_space<vmem>>) target(%dma_start3A_515 : memref<10240x128xf32, #tpu.memory_space<vmem_shared>>) offsets(%arg15 : memref<80xi32, #tpu.memory_space<vmem>>) semaphore(%arg24 : memref<!tpu.dma_semaphore, #tpu.memory_space<semaphore_mem>>) {add = true}
      %dma_wait3A_516 = arith.constant 0 : i32
      %dma_wait3A_517 = arith.constant 0 : i32
      %dma_wait3A_518 = tpu.memref_slice %arg18[%dma_wait3A_516, %dma_wait3A_517] : memref<10240x128xf32, #tpu.memory_space<vmem_shared>> -> memref<10240x128xf32, #tpu.memory_space<vmem_shared>>
      tpu.wait_indirect_dma semaphore(%arg26 : memref<!tpu.dma_semaphore, #tpu.memory_space<semaphore_mem>>) src(%arg14 : memref<80x128xf32, #tpu.memory_space<vmem>>) dst(%dma_wait3A_518 : memref<10240x128xf32, #tpu.memory_space<vmem_shared>>)
      %get3A_519 = arith.constant 160 : index
      %get3A_520 = tpu.vector_load %arg9[%get3A_519] {strides = array<i32>} : memref<2000xi32, #tpu.memory_space<vmem>>, vector<16xi32>,
      %get3A_521 = vector.shape_cast %get3A_520 : vector<16xi32> to vector<16xi32>
      %swap3A_522 = arith.constant 0 : index
      %swap3A_523 = tpu.vector_load %arg17[%swap3A_522] {strides = array<i32>} : memref<80xi32, #tpu.memory_space<vmem>>, vector<16xi32>,
      %swap3A_524 = vector.shape_cast %swap3A_523 : vector<16xi32> to vector<16xi32>
      %swap3A_525 = vector.shape_cast %get3A_521 : vector<16xi32> to vector<16xi32>
      tpu.vector_store %arg17[%swap3A_522], %swap3A_525 {strides = array<i32>} : memref<80xi32, #tpu.memory_space<vmem>>, vector<16xi32>,
      %get3A_526 = arith.constant 176 : index
      %get3A_527 = tpu.vector_load %arg9[%get3A_526] {strides = array<i32>} : memref<2000xi32, #tpu.memory_space<vmem>>, vector<16xi32>,
      %get3A_528 = vector.shape_cast %get3A_527 : vector<16xi32> to vector<16xi32>
      %swap3A_529 = arith.constant 16 : index
      %swap3A_530 = tpu.vector_load %arg17[%swap3A_529] {strides = array<i32>} : memref<80xi32, #tpu.memory_space<vmem>>, vector<16xi32>,
      %swap3A_531 = vector.shape_cast %swap3A_530 : vector<16xi32> to vector<16xi32>
      %swap3A_532 = vector.shape_cast %get3A_528 : vector<16xi32> to vector<16xi32>
      tpu.vector_store %arg17[%swap3A_529], %swap3A_532 {strides = array<i32>} : memref<80xi32, #tpu.memory_space<vmem>>, vector<16xi32>,
      %get3A_533 = arith.constant 192 : index
      %get3A_534 = tpu.vector_load %arg9[%get3A_533] {strides = array<i32>} : memref<2000xi32, #tpu.memory_space<vmem>>, vector<16xi32>,
      %get3A_535 = vector.shape_cast %get3A_534 : vector<16xi32> to vector<16xi32>
      %swap3A_536 = arith.constant 32 : index
      %swap3A_537 = tpu.vector_load %arg17[%swap3A_536] {strides = array<i32>} : memref<80xi32, #tpu.memory_space<vmem>>, vector<16xi32>,
      %swap3A_538 = vector.shape_cast %swap3A_537 : vector<16xi32> to vector<16xi32>
      %swap3A_539 = vector.shape_cast %get3A_535 : vector<16xi32> to vector<16xi32>
      tpu.vector_store %arg17[%swap3A_536], %swap3A_539 {strides = array<i32>} : memref<80xi32, #tpu.memory_space<vmem>>, vector<16xi32>,
      %get3A_540 = arith.constant 208 : index
      %get3A_541 = tpu.vector_load %arg9[%get3A_540] {strides = array<i32>} : memref<2000xi32, #tpu.memory_space<vmem>>, vector<16xi32>,
      %get3A_542 = vector.shape_cast %get3A_541 : vector<16xi32> to vector<16xi32>
      %swap3A_543 = arith.constant 48 : index
      %swap3A_544 = tpu.vector_load %arg17[%swap3A_543] {strides = array<i32>} : memref<80xi32, #tpu.memory_space<vmem>>, vector<16xi32>,
      %swap3A_545 = vector.shape_cast %swap3A_544 : vector<16xi32> to vector<16xi32>
      %swap3A_546 = vector.shape_cast %get3A_542 : vector<16xi32> to vector<16xi32>
      tpu.vector_store %arg17[%swap3A_543], %swap3A_546 {strides = array<i32>} : memref<80xi32, #tpu.memory_space<vmem>>, vector<16xi32>,
      %get3A_547 = arith.constant 224 : index
      %get3A_548 = tpu.vector_load %arg9[%get3A_547] {strides = array<i32>} : memref<2000xi32, #tpu.memory_space<vmem>>, vector<16xi32>,
      %get3A_549 = vector.shape_cast %get3A_548 : vector<16xi32> to vector<16xi32>
      %swap3A_550 = arith.constant 64 : index
      %swap3A_551 = tpu.vector_load %arg17[%swap3A_550] {strides = array<i32>} : memref<80xi32, #tpu.memory_space<vmem>>, vector<16xi32>,
      %swap3A_552 = vector.shape_cast %swap3A_551 : vector<16xi32> to vector<16xi32>
      %swap3A_553 = vector.shape_cast %get3A_549 : vector<16xi32> to vector<16xi32>
      tpu.vector_store %arg17[%swap3A_550], %swap3A_553 {strides = array<i32>} : memref<80xi32, #tpu.memory_space<vmem>>, vector<16xi32>,
      %dma_start3A_554 = arith.constant 160 : i32
      %dma_start3A_555 = tpu.memref_slice %arg7[%dma_start3A_554] : memref<2000xi32, #tpu.memory_space<vmem>> -> memref<80xi32, #tpu.memory_space<vmem>>
      %dma_start3A_556 = arith.constant 0 : i32
      %dma_start3A_557 = arith.constant 0 : i32
      %dma_start3A_558 = tpu.memref_slice %arg2[%dma_start3A_556, %dma_start3A_557] : memref<80000x128xf32, #tpu.memory_space<hbm>> -> memref<80000x128xf32, #tpu.memory_space<hbm>>
      tpu.enqueue_indirect_dma source(%dma_start3A_558 : memref<80000x128xf32, #tpu.memory_space<hbm>>) target(%arg14 : memref<80x128xf32, #tpu.memory_space<vmem>>) offsets(%dma_start3A_555 : memref<80xi32, #tpu.memory_space<vmem>>) semaphore(%arg23 : memref<!tpu.dma_semaphore, #tpu.memory_space<semaphore_mem>>)
      %dma_wait3A_559 = arith.constant 0 : i32
      %dma_wait3A_560 = tpu.memref_slice %arg7[%dma_wait3A_559] : memref<2000xi32, #tpu.memory_space<vmem>> -> memref<80xi32, #tpu.memory_space<vmem>>
      %dma_wait3A_561 = arith.constant 0 : i32
      %dma_wait3A_562 = arith.constant 0 : i32
      %dma_wait3A_563 = tpu.memref_slice %arg2[%dma_wait3A_561, %dma_wait3A_562] : memref<80000x128xf32, #tpu.memory_space<hbm>> -> memref<80000x128xf32, #tpu.memory_space<hbm>>
      tpu.wait_indirect_dma semaphore(%arg22 : memref<!tpu.dma_semaphore, #tpu.memory_space<semaphore_mem>>) src(%dma_wait3A_563 : memref<80000x128xf32, #tpu.memory_space<hbm>>) dst(%arg13 : memref<80x128xf32, #tpu.memory_space<vmem>>)
      %dma_start3A_564 = arith.constant 0 : i32
      %dma_start3A_565 = arith.constant 0 : i32
      %dma_start3A_566 = tpu.memref_slice %arg18[%dma_start3A_564, %dma_start3A_565] : memref<10240x128xf32, #tpu.memory_space<vmem_shared>> -> memref<10240x128xf32, #tpu.memory_space<vmem_shared>>
      tpu.enqueue_indirect_dma source(%arg13 : memref<80x128xf32, #tpu.memory_space<vmem>>) target(%dma_start3A_566 : memref<10240x128xf32, #tpu.memory_space<vmem_shared>>) offsets(%arg16 : memref<80xi32, #tpu.memory_space<vmem>>) semaphore(%arg25 : memref<!tpu.dma_semaphore, #tpu.memory_space<semaphore_mem>>) {add = true}
      %dma_wait3A_567 = arith.constant 0 : i32
      %dma_wait3A_568 = arith.constant 0 : i32
      %dma_wait3A_569 = tpu.memref_slice %arg18[%dma_wait3A_567, %dma_wait3A_568] : memref<10240x128xf32, #tpu.memory_space<vmem_shared>> -> memref<10240x128xf32, #tpu.memory_space<vmem_shared>>
      tpu.wait_indirect_dma semaphore(%arg24 : memref<!tpu.dma_semaphore, #tpu.memory_space<semaphore_mem>>) src(%arg12 : memref<80x128xf32, #tpu.memory_space<vmem>>) dst(%dma_wait3A_569 : memref<10240x128xf32, #tpu.memory_space<vmem_shared>>)
      %get3A_570 = arith.constant 240 : index
      %get3A_571 = tpu.vector_load %arg9[%get3A_570] {strides = array<i32>} : memref<2000xi32, #tpu.memory_space<vmem>>, vector<16xi32>,
      %get3A_572 = vector.shape_cast %get3A_571 : vector<16xi32> to vector<16xi32>
      %swap3A_573 = arith.constant 0 : index
      %swap3A_574 = tpu.vector_load %arg15[%swap3A_573] {strides = array<i32>} : memref<80xi32, #tpu.memory_space<vmem>>, vector<16xi32>,
      %swap3A_575 = vector.shape_cast %swap3A_574 : vector<16xi32> to vector<16xi32>
      %swap3A_576 = vector.shape_cast %get3A_572 : vector<16xi32> to vector<16xi32>
      tpu.vector_store %arg15[%swap3A_573], %swap3A_576 {strides = array<i32>} : memref<80xi32, #tpu.memory_space<vmem>>, vector<16xi32>,
      %get3A_577 = arith.constant 256 : index
      %get3A_578 = tpu.vector_load %arg9[%get3A_577] {strides = array<i32>} : memref<2000xi32, #tpu.memory_space<vmem>>, vector<16xi32>,
      %get3A_579 = vector.shape_cast %get3A_578 : vector<16xi32> to vector<16xi32>
      %swap3A_580 = arith.constant 16 : index
      %swap3A_581 = tpu.vector_load %arg15[%swap3A_580] {strides = array<i32>} : memref<80xi32, #tpu.memory_space<vmem>>, vector<16xi32>,
      %swap3A_582 = vector.shape_cast %swap3A_581 : vector<16xi32> to vector<16xi32>
      %swap3A_583 = vector.shape_cast %get3A_579 : vector<16xi32> to vector<16xi32>
      tpu.vector_store %arg15[%swap3A_580], %swap3A_583 {strides = array<i32>} : memref<80xi32, #tpu.memory_space<vmem>>, vector<16xi32>,
      %get3A_584 = arith.constant 272 : index
      %get3A_585 = tpu.vector_load %arg9[%get3A_584] {strides = array<i32>} : memref<2000xi32, #tpu.memory_space<vmem>>, vector<16xi32>,
      %get3A_586 = vector.shape_cast %get3A_585 : vector<16xi32> to vector<16xi32>
      %swap3A_587 = arith.constant 32 : index
      %swap3A_588 = tpu.vector_load %arg15[%swap3A_587] {strides = array<i32>} : memref<80xi32, #tpu.memory_space<vmem>>, vector<16xi32>,
      %swap3A_589 = vector.shape_cast %swap3A_588 : vector<16xi32> to vector<16xi32>
      %swap3A_590 = vector.shape_cast %get3A_586 : vector<16xi32> to vector<16xi32>
      tpu.vector_store %arg15[%swap3A_587], %swap3A_590 {strides = array<i32>} : memref<80xi32, #tpu.memory_space<vmem>>, vector<16xi32>,
      %get3A_591 = arith.constant 288 : index
      %get3A_592 = tpu.vector_load %arg9[%get3A_591] {strides = array<i32>} : memref<2000xi32, #tpu.memory_space<vmem>>, vector<16xi32>,
      %get3A_593 = vector.shape_cast %get3A_592 : vector<16xi32> to vector<16xi32>
      %swap3A_594 = arith.constant 48 : index
      %swap3A_595 = tpu.vector_load %arg15[%swap3A_594] {strides = array<i32>} : memref<80xi32, #tpu.memory_space<vmem>>, vector<16xi32>,
      %swap3A_596 = vector.shape_cast %swap3A_595 : vector<16xi32> to vector<16xi32>
      %swap3A_597 = vector.shape_cast %get3A_593 : vector<16xi32> to vector<16xi32>
      tpu.vector_store %arg15[%swap3A_594], %swap3A_597 {strides = array<i32>} : memref<80xi32, #tpu.memory_space<vmem>>, vector<16xi32>,
      %get3A_598 = arith.constant 304 : index
      %get3A_599 = tpu.vector_load %arg9[%get3A_598] {strides = array<i32>} : memref<2000xi32, #tpu.memory_space<vmem>>, vector<16xi32>,
      %get3A_600 = vector.shape_cast %get3A_599 : vector<16xi32> to vector<16xi32>
      %swap3A_601 = arith.constant 64 : index
      %swap3A_602 = tpu.vector_load %arg15[%swap3A_601] {strides = array<i32>} : memref<80xi32, #tpu.memory_space<vmem>>, vector<16xi32>,
      %swap3A_603 = vector.shape_cast %swap3A_602 : vector<16xi32> to vector<16xi32>
      %swap3A_604 = vector.shape_cast %get3A_600 : vector<16xi32> to vector<16xi32>
      tpu.vector_store %arg15[%swap3A_601], %swap3A_604 {strides = array<i32>} : memref<80xi32, #tpu.memory_space<vmem>>, vector<16xi32>,
      %dma_start3A_605 = arith.constant 240 : i32
      %dma_start3A_606 = tpu.memref_slice %arg7[%dma_start3A_605] : memref<2000xi32, #tpu.memory_space<vmem>> -> memref<80xi32, #tpu.memory_space<vmem>>
      %dma_start3A_607 = arith.constant 0 : i32
      %dma_start3A_608 = arith.constant 0 : i32
      %dma_start3A_609 = tpu.memref_slice %arg2[%dma_start3A_607, %dma_start3A_608] : memref<80000x128xf32, #tpu.memory_space<hbm>> -> memref<80000x128xf32, #tpu.memory_space<hbm>>
      tpu.enqueue_indirect_dma source(%dma_start3A_609 : memref<80000x128xf32, #tpu.memory_space<hbm>>) target(%arg12 : memref<80x128xf32, #tpu.memory_space<vmem>>) offsets(%dma_start3A_606 : memref<80xi32, #tpu.memory_space<vmem>>) semaphore(%arg21 : memref<!tpu.dma_semaphore, #tpu.memory_space<semaphore_mem>>)
      %scan3A_610 = arith.constant 0 : i32
      %scan3A_611 = arith.constant 7 : i32
      %scan3A_612 = arith.addi %scan3A_610, %scan3A_611 : i32
      %scan3A_613 = arith.constant 1 : i32
      scf.for %scan3A_861 = %scan3A_610 to %scan3A_612 step %scan3A_613  : i32 {
        %mul3A_862 = arith.constant 3 : i32
        %mul3A_863 = arith.muli %mul3A_862, %scan3A_861 : i32
        %add3A_864 = arith.constant 2 : i32
        %add3A_865 = arith.addi %add3A_864, %mul3A_863 : i32
        %dma_wait3A_866 = arith.constant 0 : i32
        %dma_wait3A_867 = tpu.memref_slice %arg7[%dma_wait3A_866] : memref<2000xi32, #tpu.memory_space<vmem>> -> memref<80xi32, #tpu.memory_space<vmem>>
        %dma_wait3A_868 = arith.constant 0 : i32
        %dma_wait3A_869 = arith.constant 0 : i32
        %dma_wait3A_870 = tpu.memref_slice %arg2[%dma_wait3A_868, %dma_wait3A_869] : memref<80000x128xf32, #tpu.memory_space<hbm>> -> memref<80000x128xf32, #tpu.memory_space<hbm>>
        tpu.wait_indirect_dma semaphore(%arg23 : memref<!tpu.dma_semaphore, #tpu.memory_space<semaphore_mem>>) src(%dma_wait3A_870 : memref<80000x128xf32, #tpu.memory_space<hbm>>) dst(%arg14 : memref<80x128xf32, #tpu.memory_space<vmem>>)
        %dma_start3A_871 = arith.constant 0 : i32
        %dma_start3A_872 = arith.constant 0 : i32
        %dma_start3A_873 = tpu.memref_slice %arg18[%dma_start3A_871, %dma_start3A_872] : memref<10240x128xf32, #tpu.memory_space<vmem_shared>> -> memref<10240x128xf32, #tpu.memory_space<vmem_shared>>
        tpu.enqueue_indirect_dma source(%arg14 : memref<80x128xf32, #tpu.memory_space<vmem>>) target(%dma_start3A_873 : memref<10240x128xf32, #tpu.memory_space<vmem_shared>>) offsets(%arg17 : memref<80xi32, #tpu.memory_space<vmem>>) semaphore(%arg26 : memref<!tpu.dma_semaphore, #tpu.memory_space<semaphore_mem>>) {add = true}
        %dma_wait3A_874 = arith.constant 0 : i32
        %dma_wait3A_875 = arith.constant 0 : i32
        %dma_wait3A_876 = tpu.memref_slice %arg18[%dma_wait3A_874, %dma_wait3A_875] : memref<10240x128xf32, #tpu.memory_space<vmem_shared>> -> memref<10240x128xf32, #tpu.memory_space<vmem_shared>>
        tpu.wait_indirect_dma semaphore(%arg25 : memref<!tpu.dma_semaphore, #tpu.memory_space<semaphore_mem>>) src(%arg13 : memref<80x128xf32, #tpu.memory_space<vmem>>) dst(%dma_wait3A_876 : memref<10240x128xf32, #tpu.memory_space<vmem_shared>>)
        %add3A_877 = arith.constant 2 : i32
        %add3A_878 = arith.addi %add3A_865, %add3A_877 : i32
        %mul3A_879 = arith.constant 80 : i32
        %mul3A_880 = arith.muli %add3A_878, %mul3A_879 : i32
        %add3A_881 = arith.constant 0 : i32
        %add3A_882 = arith.addi %mul3A_880, %add3A_881 : i32
        %get3A_883 = arith.index_cast %add3A_882 : i32 to index
        %get3A_884 = tpu.vector_load %arg9[%get3A_883] {strides = array<i32>} : memref<2000xi32, #tpu.memory_space<vmem>>, vector<16xi32>,
        %get3A_885 = vector.shape_cast %get3A_884 : vector<16xi32> to vector<16xi32>
        %swap3A_886 = arith.constant 0 : index
        %swap3A_887 = tpu.vector_load %arg16[%swap3A_886] {strides = array<i32>} : memref<80xi32, #tpu.memory_space<vmem>>, vector<16xi32>,
        %swap3A_888 = vector.shape_cast %swap3A_887 : vector<16xi32> to vector<16xi32>
        %swap3A_889 = vector.shape_cast %get3A_885 : vector<16xi32> to vector<16xi32>
        tpu.vector_store %arg16[%swap3A_886], %swap3A_889 {strides = array<i32>} : memref<80xi32, #tpu.memory_space<vmem>>, vector<16xi32>,
        %mul3A_890 = arith.constant 80 : i32
        %mul3A_891 = arith.muli %add3A_878, %mul3A_890 : i32
        %add3A_892 = arith.constant 16 : i32
        %add3A_893 = arith.addi %mul3A_891, %add3A_892 : i32
        %get3A_894 = arith.index_cast %add3A_893 : i32 to index
        %get3A_895 = tpu.vector_load %arg9[%get3A_894] {strides = array<i32>} : memref<2000xi32, #tpu.memory_space<vmem>>, vector<16xi32>,
        %get3A_896 = vector.shape_cast %get3A_895 : vector<16xi32> to vector<16xi32>
        %swap3A_897 = arith.constant 16 : index
        %swap3A_898 = tpu.vector_load %arg16[%swap3A_897] {strides = array<i32>} : memref<80xi32, #tpu.memory_space<vmem>>, vector<16xi32>,
        %swap3A_899 = vector.shape_cast %swap3A_898 : vector<16xi32> to vector<16xi32>
        %swap3A_900 = vector.shape_cast %get3A_896 : vector<16xi32> to vector<16xi32>
        tpu.vector_store %arg16[%swap3A_897], %swap3A_900 {strides = array<i32>} : memref<80xi32, #tpu.memory_space<vmem>>, vector<16xi32>,
        %mul3A_901 = arith.constant 80 : i32
        %mul3A_902 = arith.muli %add3A_878, %mul3A_901 : i32
        %add3A_903 = arith.constant 32 : i32
        %add3A_904 = arith.addi %mul3A_902, %add3A_903 : i32
        %get3A_905 = arith.index_cast %add3A_904 : i32 to index
        %get3A_906 = tpu.vector_load %arg9[%get3A_905] {strides = array<i32>} : memref<2000xi32, #tpu.memory_space<vmem>>, vector<16xi32>,
        %get3A_907 = vector.shape_cast %get3A_906 : vector<16xi32> to vector<16xi32>
        %swap3A_908 = arith.constant 32 : index
        %swap3A_909 = tpu.vector_load %arg16[%swap3A_908] {strides = array<i32>} : memref<80xi32, #tpu.memory_space<vmem>>, vector<16xi32>,
        %swap3A_910 = vector.shape_cast %swap3A_909 : vector<16xi32> to vector<16xi32>
        %swap3A_911 = vector.shape_cast %get3A_907 : vector<16xi32> to vector<16xi32>
        tpu.vector_store %arg16[%swap3A_908], %swap3A_911 {strides = array<i32>} : memref<80xi32, #tpu.memory_space<vmem>>, vector<16xi32>,
        %mul3A_912 = arith.constant 80 : i32
        %mul3A_913 = arith.muli %add3A_878, %mul3A_912 : i32
        %add3A_914 = arith.constant 48 : i32
        %add3A_915 = arith.addi %mul3A_913, %add3A_914 : i32
        %get3A_916 = arith.index_cast %add3A_915 : i32 to index
        %get3A_917 = tpu.vector_load %arg9[%get3A_916] {strides = array<i32>} : memref<2000xi32, #tpu.memory_space<vmem>>, vector<16xi32>,
        %get3A_918 = vector.shape_cast %get3A_917 : vector<16xi32> to vector<16xi32>
        %swap3A_919 = arith.constant 48 : index
        %swap3A_920 = tpu.vector_load %arg16[%swap3A_919] {strides = array<i32>} : memref<80xi32, #tpu.memory_space<vmem>>, vector<16xi32>,
        %swap3A_921 = vector.shape_cast %swap3A_920 : vector<16xi32> to vector<16xi32>
        %swap3A_922 = vector.shape_cast %get3A_918 : vector<16xi32> to vector<16xi32>
        tpu.vector_store %arg16[%swap3A_919], %swap3A_922 {strides = array<i32>} : memref<80xi32, #tpu.memory_space<vmem>>, vector<16xi32>,
        %mul3A_923 = arith.constant 80 : i32
        %mul3A_924 = arith.muli %add3A_878, %mul3A_923 : i32
        %add3A_925 = arith.constant 64 : i32
        %add3A_926 = arith.addi %mul3A_924, %add3A_925 : i32
        %get3A_927 = arith.index_cast %add3A_926 : i32 to index
        %get3A_928 = tpu.vector_load %arg9[%get3A_927] {strides = array<i32>} : memref<2000xi32, #tpu.memory_space<vmem>>, vector<16xi32>,
        %get3A_929 = vector.shape_cast %get3A_928 : vector<16xi32> to vector<16xi32>
        %swap3A_930 = arith.constant 64 : index
        %swap3A_931 = tpu.vector_load %arg16[%swap3A_930] {strides = array<i32>} : memref<80xi32, #tpu.memory_space<vmem>>, vector<16xi32>,
        %swap3A_932 = vector.shape_cast %swap3A_931 : vector<16xi32> to vector<16xi32>
        %swap3A_933 = vector.shape_cast %get3A_929 : vector<16xi32> to vector<16xi32>
        tpu.vector_store %arg16[%swap3A_930], %swap3A_933 {strides = array<i32>} : memref<80xi32, #tpu.memory_space<vmem>>, vector<16xi32>,
        %mul3A_934 = arith.constant 80 : i32
        %mul3A_935 = arith.muli %add3A_878, %mul3A_934 : i32
        %dma_start3A_936 = tpu.memref_slice %arg7[%mul3A_935] : memref<2000xi32, #tpu.memory_space<vmem>> -> memref<80xi32, #tpu.memory_space<vmem>>
        %dma_start3A_937 = arith.constant 0 : i32
        %dma_start3A_938 = arith.constant 0 : i32
        %dma_start3A_939 = tpu.memref_slice %arg2[%dma_start3A_937, %dma_start3A_938] : memref<80000x128xf32, #tpu.memory_space<hbm>> -> memref<80000x128xf32, #tpu.memory_space<hbm>>
        tpu.enqueue_indirect_dma source(%dma_start3A_939 : memref<80000x128xf32, #tpu.memory_space<hbm>>) target(%arg13 : memref<80x128xf32, #tpu.memory_space<vmem>>) offsets(%dma_start3A_936 : memref<80xi32, #tpu.memory_space<vmem>>) semaphore(%arg22 : memref<!tpu.dma_semaphore, #tpu.memory_space<semaphore_mem>>)
        %add3A_940 = arith.constant 1 : i32
        %add3A_941 = arith.addi %add3A_865, %add3A_940 : i32
        %dma_wait3A_942 = arith.constant 0 : i32
        %dma_wait3A_943 = tpu.memref_slice %arg7[%dma_wait3A_942] : memref<2000xi32, #tpu.memory_space<vmem>> -> memref<80xi32, #tpu.memory_space<vmem>>
        %dma_wait3A_944 = arith.constant 0 : i32
        %dma_wait3A_945 = arith.constant 0 : i32
        %dma_wait3A_946 = tpu.memref_slice %arg2[%dma_wait3A_944, %dma_wait3A_945] : memref<80000x128xf32, #tpu.memory_space<hbm>> -> memref<80000x128xf32, #tpu.memory_space<hbm>>
        tpu.wait_indirect_dma semaphore(%arg21 : memref<!tpu.dma_semaphore, #tpu.memory_space<semaphore_mem>>) src(%dma_wait3A_946 : memref<80000x128xf32, #tpu.memory_space<hbm>>) dst(%arg12 : memref<80x128xf32, #tpu.memory_space<vmem>>)
        %dma_start3A_947 = arith.constant 0 : i32
        %dma_start3A_948 = arith.constant 0 : i32
        %dma_start3A_949 = tpu.memref_slice %arg18[%dma_start3A_947, %dma_start3A_948] : memref<10240x128xf32, #tpu.memory_space<vmem_shared>> -> memref<10240x128xf32, #tpu.memory_space<vmem_shared>>
        tpu.enqueue_indirect_dma source(%arg12 : memref<80x128xf32, #tpu.memory_space<vmem>>) target(%dma_start3A_949 : memref<10240x128xf32, #tpu.memory_space<vmem_shared>>) offsets(%arg15 : memref<80xi32, #tpu.memory_space<vmem>>) semaphore(%arg24 : memref<!tpu.dma_semaphore, #tpu.memory_space<semaphore_mem>>) {add = true}
        %dma_wait3A_950 = arith.constant 0 : i32
        %dma_wait3A_951 = arith.constant 0 : i32
        %dma_wait3A_952 = tpu.memref_slice %arg18[%dma_wait3A_950, %dma_wait3A_951] : memref<10240x128xf32, #tpu.memory_space<vmem_shared>> -> memref<10240x128xf32, #tpu.memory_space<vmem_shared>>
        tpu.wait_indirect_dma semaphore(%arg26 : memref<!tpu.dma_semaphore, #tpu.memory_space<semaphore_mem>>) src(%arg14 : memref<80x128xf32, #tpu.memory_space<vmem>>) dst(%dma_wait3A_952 : memref<10240x128xf32, #tpu.memory_space<vmem_shared>>)
        %add3A_953 = arith.constant 3 : i32
        %add3A_954 = arith.addi %add3A_865, %add3A_953 : i32
        %mul3A_955 = arith.constant 80 : i32
        %mul3A_956 = arith.muli %add3A_954, %mul3A_955 : i32
        %add3A_957 = arith.constant 0 : i32
        %add3A_958 = arith.addi %mul3A_956, %add3A_957 : i32
        %get3A_959 = arith.index_cast %add3A_958 : i32 to index
        %get3A_960 = tpu.vector_load %arg9[%get3A_959] {strides = array<i32>} : memref<2000xi32, #tpu.memory_space<vmem>>, vector<16xi32>,
        %get3A_961 = vector.shape_cast %get3A_960 : vector<16xi32> to vector<16xi32>
        %swap3A_962 = arith.constant 0 : index
        %swap3A_963 = tpu.vector_load %arg17[%swap3A_962] {strides = array<i32>} : memref<80xi32, #tpu.memory_space<vmem>>, vector<16xi32>,
        %swap3A_964 = vector.shape_cast %swap3A_963 : vector<16xi32> to vector<16xi32>
        %swap3A_965 = vector.shape_cast %get3A_961 : vector<16xi32> to vector<16xi32>
        tpu.vector_store %arg17[%swap3A_962], %swap3A_965 {strides = array<i32>} : memref<80xi32, #tpu.memory_space<vmem>>, vector<16xi32>,
        %mul3A_966 = arith.constant 80 : i32
        %mul3A_967 = arith.muli %add3A_954, %mul3A_966 : i32
        %add3A_968 = arith.constant 16 : i32
        %add3A_969 = arith.addi %mul3A_967, %add3A_968 : i32
        %get3A_970 = arith.index_cast %add3A_969 : i32 to index
        %get3A_971 = tpu.vector_load %arg9[%get3A_970] {strides = array<i32>} : memref<2000xi32, #tpu.memory_space<vmem>>, vector<16xi32>,
        %get3A_972 = vector.shape_cast %get3A_971 : vector<16xi32> to vector<16xi32>
        %swap3A_973 = arith.constant 16 : index
        %swap3A_974 = tpu.vector_load %arg17[%swap3A_973] {strides = array<i32>} : memref<80xi32, #tpu.memory_space<vmem>>, vector<16xi32>,
        %swap3A_975 = vector.shape_cast %swap3A_974 : vector<16xi32> to vector<16xi32>
        %swap3A_976 = vector.shape_cast %get3A_972 : vector<16xi32> to vector<16xi32>
        tpu.vector_store %arg17[%swap3A_973], %swap3A_976 {strides = array<i32>} : memref<80xi32, #tpu.memory_space<vmem>>, vector<16xi32>,
        %mul3A_977 = arith.constant 80 : i32
        %mul3A_978 = arith.muli %add3A_954, %mul3A_977 : i32
        %add3A_979 = arith.constant 32 : i32
        %add3A_980 = arith.addi %mul3A_978, %add3A_979 : i32
        %get3A_981 = arith.index_cast %add3A_980 : i32 to index
        %get3A_982 = tpu.vector_load %arg9[%get3A_981] {strides = array<i32>} : memref<2000xi32, #tpu.memory_space<vmem>>, vector<16xi32>,
        %get3A_983 = vector.shape_cast %get3A_982 : vector<16xi32> to vector<16xi32>
        %swap3A_984 = arith.constant 32 : index
        %swap3A_985 = tpu.vector_load %arg17[%swap3A_984] {strides = array<i32>} : memref<80xi32, #tpu.memory_space<vmem>>, vector<16xi32>,
        %swap3A_986 = vector.shape_cast %swap3A_985 : vector<16xi32> to vector<16xi32>
        %swap3A_987 = vector.shape_cast %get3A_983 : vector<16xi32> to vector<16xi32>
        tpu.vector_store %arg17[%swap3A_984], %swap3A_987 {strides = array<i32>} : memref<80xi32, #tpu.memory_space<vmem>>, vector<16xi32>,
        %mul3A_988 = arith.constant 80 : i32
        %mul3A_989 = arith.muli %add3A_954, %mul3A_988 : i32
        %add3A_990 = arith.constant 48 : i32
        %add3A_991 = arith.addi %mul3A_989, %add3A_990 : i32
        %get3A_992 = arith.index_cast %add3A_991 : i32 to index
        %get3A_993 = tpu.vector_load %arg9[%get3A_992] {strides = array<i32>} : memref<2000xi32, #tpu.memory_space<vmem>>, vector<16xi32>,
        %get3A_994 = vector.shape_cast %get3A_993 : vector<16xi32> to vector<16xi32>
        %swap3A_995 = arith.constant 48 : index
        %swap3A_996 = tpu.vector_load %arg17[%swap3A_995] {strides = array<i32>} : memref<80xi32, #tpu.memory_space<vmem>>, vector<16xi32>,
        %swap3A_997 = vector.shape_cast %swap3A_996 : vector<16xi32> to vector<16xi32>
        %swap3A_998 = vector.shape_cast %get3A_994 : vector<16xi32> to vector<16xi32>
        tpu.vector_store %arg17[%swap3A_995], %swap3A_998 {strides = array<i32>} : memref<80xi32, #tpu.memory_space<vmem>>, vector<16xi32>,
        %mul3A_999 = arith.constant 80 : i32
        %mul3A_1000 = arith.muli %add3A_954, %mul3A_999 : i32
        %add3A_1001 = arith.constant 64 : i32
        %add3A_1002 = arith.addi %mul3A_1000, %add3A_1001 : i32
        %get3A_1003 = arith.index_cast %add3A_1002 : i32 to index
        %get3A_1004 = tpu.vector_load %arg9[%get3A_1003] {strides = array<i32>} : memref<2000xi32, #tpu.memory_space<vmem>>, vector<16xi32>,
        %get3A_1005 = vector.shape_cast %get3A_1004 : vector<16xi32> to vector<16xi32>
        %swap3A_1006 = arith.constant 64 : index
        %swap3A_1007 = tpu.vector_load %arg17[%swap3A_1006] {strides = array<i32>} : memref<80xi32, #tpu.memory_space<vmem>>, vector<16xi32>,
        %swap3A_1008 = vector.shape_cast %swap3A_1007 : vector<16xi32> to vector<16xi32>
        %swap3A_1009 = vector.shape_cast %get3A_1005 : vector<16xi32> to vector<16xi32>
        tpu.vector_store %arg17[%swap3A_1006], %swap3A_1009 {strides = array<i32>} : memref<80xi32, #tpu.memory_space<vmem>>, vector<16xi32>,
        %mul3A_1010 = arith.constant 80 : i32
        %mul3A_1011 = arith.muli %add3A_954, %mul3A_1010 : i32
        %dma_start3A_1012 = tpu.memref_slice %arg7[%mul3A_1011] : memref<2000xi32, #tpu.memory_space<vmem>> -> memref<80xi32, #tpu.memory_space<vmem>>
        %dma_start3A_1013 = arith.constant 0 : i32
        %dma_start3A_1014 = arith.constant 0 : i32
        %dma_start3A_1015 = tpu.memref_slice %arg2[%dma_start3A_1013, %dma_start3A_1014] : memref<80000x128xf32, #tpu.memory_space<hbm>> -> memref<80000x128xf32, #tpu.memory_space<hbm>>
        tpu.enqueue_indirect_dma source(%dma_start3A_1015 : memref<80000x128xf32, #tpu.memory_space<hbm>>) target(%arg14 : memref<80x128xf32, #tpu.memory_space<vmem>>) offsets(%dma_start3A_1012 : memref<80xi32, #tpu.memory_space<vmem>>) semaphore(%arg23 : memref<!tpu.dma_semaphore, #tpu.memory_space<semaphore_mem>>)
        %add3A_1016 = arith.constant 2 : i32
        %add3A_1017 = arith.addi %add3A_865, %add3A_1016 : i32
        %dma_wait3A_1018 = arith.constant 0 : i32
        %dma_wait3A_1019 = tpu.memref_slice %arg7[%dma_wait3A_1018] : memref<2000xi32, #tpu.memory_space<vmem>> -> memref<80xi32, #tpu.memory_space<vmem>>
        %dma_wait3A_1020 = arith.constant 0 : i32
        %dma_wait3A_1021 = arith.constant 0 : i32
        %dma_wait3A_1022 = tpu.memref_slice %arg2[%dma_wait3A_1020, %dma_wait3A_1021] : memref<80000x128xf32, #tpu.memory_space<hbm>> -> memref<80000x128xf32, #tpu.memory_space<hbm>>
        tpu.wait_indirect_dma semaphore(%arg22 : memref<!tpu.dma_semaphore, #tpu.memory_space<semaphore_mem>>) src(%dma_wait3A_1022 : memref<80000x128xf32, #tpu.memory_space<hbm>>) dst(%arg13 : memref<80x128xf32, #tpu.memory_space<vmem>>)
        %dma_start3A_1023 = arith.constant 0 : i32
        %dma_start3A_1024 = arith.constant 0 : i32
        %dma_start3A_1025 = tpu.memref_slice %arg18[%dma_start3A_1023, %dma_start3A_1024] : memref<10240x128xf32, #tpu.memory_space<vmem_shared>> -> memref<10240x128xf32, #tpu.memory_space<vmem_shared>>
        tpu.enqueue_indirect_dma source(%arg13 : memref<80x128xf32, #tpu.memory_space<vmem>>) target(%dma_start3A_1025 : memref<10240x128xf32, #tpu.memory_space<vmem_shared>>) offsets(%arg16 : memref<80xi32, #tpu.memory_space<vmem>>) semaphore(%arg25 : memref<!tpu.dma_semaphore, #tpu.memory_space<semaphore_mem>>) {add = true}
        %dma_wait3A_1026 = arith.constant 0 : i32
        %dma_wait3A_1027 = arith.constant 0 : i32
        %dma_wait3A_1028 = tpu.memref_slice %arg18[%dma_wait3A_1026, %dma_wait3A_1027] : memref<10240x128xf32, #tpu.memory_space<vmem_shared>> -> memref<10240x128xf32, #tpu.memory_space<vmem_shared>>
        tpu.wait_indirect_dma semaphore(%arg24 : memref<!tpu.dma_semaphore, #tpu.memory_space<semaphore_mem>>) src(%arg12 : memref<80x128xf32, #tpu.memory_space<vmem>>) dst(%dma_wait3A_1028 : memref<10240x128xf32, #tpu.memory_space<vmem_shared>>)
        %add3A_1029 = arith.constant 4 : i32
        %add3A_1030 = arith.addi %add3A_865, %add3A_1029 : i32
        %mul3A_1031 = arith.constant 80 : i32
        %mul3A_1032 = arith.muli %add3A_1030, %mul3A_1031 : i32
        %add3A_1033 = arith.constant 0 : i32
        %add3A_1034 = arith.addi %mul3A_1032, %add3A_1033 : i32
        %get3A_1035 = arith.index_cast %add3A_1034 : i32 to index
        %get3A_1036 = tpu.vector_load %arg9[%get3A_1035] {strides = array<i32>} : memref<2000xi32, #tpu.memory_space<vmem>>, vector<16xi32>,
        %get3A_1037 = vector.shape_cast %get3A_1036 : vector<16xi32> to vector<16xi32>
        %swap3A_1038 = arith.constant 0 : index
        %swap3A_1039 = tpu.vector_load %arg15[%swap3A_1038] {strides = array<i32>} : memref<80xi32, #tpu.memory_space<vmem>>, vector<16xi32>,
        %swap3A_1040 = vector.shape_cast %swap3A_1039 : vector<16xi32> to vector<16xi32>
        %swap3A_1041 = vector.shape_cast %get3A_1037 : vector<16xi32> to vector<16xi32>
        tpu.vector_store %arg15[%swap3A_1038], %swap3A_1041 {strides = array<i32>} : memref<80xi32, #tpu.memory_space<vmem>>, vector<16xi32>,
        %mul3A_1042 = arith.constant 80 : i32
        %mul3A_1043 = arith.muli %add3A_1030, %mul3A_1042 : i32
        %add3A_1044 = arith.constant 16 : i32
        %add3A_1045 = arith.addi %mul3A_1043, %add3A_1044 : i32
        %get3A_1046 = arith.index_cast %add3A_1045 : i32 to index
        %get3A_1047 = tpu.vector_load %arg9[%get3A_1046] {strides = array<i32>} : memref<2000xi32, #tpu.memory_space<vmem>>, vector<16xi32>,
        %get3A_1048 = vector.shape_cast %get3A_1047 : vector<16xi32> to vector<16xi32>
        %swap3A_1049 = arith.constant 16 : index
        %swap3A_1050 = tpu.vector_load %arg15[%swap3A_1049] {strides = array<i32>} : memref<80xi32, #tpu.memory_space<vmem>>, vector<16xi32>,
        %swap3A_1051 = vector.shape_cast %swap3A_1050 : vector<16xi32> to vector<16xi32>
        %swap3A_1052 = vector.shape_cast %get3A_1048 : vector<16xi32> to vector<16xi32>
        tpu.vector_store %arg15[%swap3A_1049], %swap3A_1052 {strides = array<i32>} : memref<80xi32, #tpu.memory_space<vmem>>, vector<16xi32>,
        %mul3A_1053 = arith.constant 80 : i32
        %mul3A_1054 = arith.muli %add3A_1030, %mul3A_1053 : i32
        %add3A_1055 = arith.constant 32 : i32
        %add3A_1056 = arith.addi %mul3A_1054, %add3A_1055 : i32
        %get3A_1057 = arith.index_cast %add3A_1056 : i32 to index
        %get3A_1058 = tpu.vector_load %arg9[%get3A_1057] {strides = array<i32>} : memref<2000xi32, #tpu.memory_space<vmem>>, vector<16xi32>,
        %get3A_1059 = vector.shape_cast %get3A_1058 : vector<16xi32> to vector<16xi32>
        %swap3A_1060 = arith.constant 32 : index
        %swap3A_1061 = tpu.vector_load %arg15[%swap3A_1060] {strides = array<i32>} : memref<80xi32, #tpu.memory_space<vmem>>, vector<16xi32>,
        %swap3A_1062 = vector.shape_cast %swap3A_1061 : vector<16xi32> to vector<16xi32>
        %swap3A_1063 = vector.shape_cast %get3A_1059 : vector<16xi32> to vector<16xi32>
        tpu.vector_store %arg15[%swap3A_1060], %swap3A_1063 {strides = array<i32>} : memref<80xi32, #tpu.memory_space<vmem>>, vector<16xi32>,
        %mul3A_1064 = arith.constant 80 : i32
        %mul3A_1065 = arith.muli %add3A_1030, %mul3A_1064 : i32
        %add3A_1066 = arith.constant 48 : i32
        %add3A_1067 = arith.addi %mul3A_1065, %add3A_1066 : i32
        %get3A_1068 = arith.index_cast %add3A_1067 : i32 to index
        %get3A_1069 = tpu.vector_load %arg9[%get3A_1068] {strides = array<i32>} : memref<2000xi32, #tpu.memory_space<vmem>>, vector<16xi32>,
        %get3A_1070 = vector.shape_cast %get3A_1069 : vector<16xi32> to vector<16xi32>
        %swap3A_1071 = arith.constant 48 : index
        %swap3A_1072 = tpu.vector_load %arg15[%swap3A_1071] {strides = array<i32>} : memref<80xi32, #tpu.memory_space<vmem>>, vector<16xi32>,
        %swap3A_1073 = vector.shape_cast %swap3A_1072 : vector<16xi32> to vector<16xi32>
        %swap3A_1074 = vector.shape_cast %get3A_1070 : vector<16xi32> to vector<16xi32>
        tpu.vector_store %arg15[%swap3A_1071], %swap3A_1074 {strides = array<i32>} : memref<80xi32, #tpu.memory_space<vmem>>, vector<16xi32>,
        %mul3A_1075 = arith.constant 80 : i32
        %mul3A_1076 = arith.muli %add3A_1030, %mul3A_1075 : i32
        %add3A_1077 = arith.constant 64 : i32
        %add3A_1078 = arith.addi %mul3A_1076, %add3A_1077 : i32
        %get3A_1079 = arith.index_cast %add3A_1078 : i32 to index
        %get3A_1080 = tpu.vector_load %arg9[%get3A_1079] {strides = array<i32>} : memref<2000xi32, #tpu.memory_space<vmem>>, vector<16xi32>,
        %get3A_1081 = vector.shape_cast %get3A_1080 : vector<16xi32> to vector<16xi32>
        %swap3A_1082 = arith.constant 64 : index
        %swap3A_1083 = tpu.vector_load %arg15[%swap3A_1082] {strides = array<i32>} : memref<80xi32, #tpu.memory_space<vmem>>, vector<16xi32>,
        %swap3A_1084 = vector.shape_cast %swap3A_1083 : vector<16xi32> to vector<16xi32>
        %swap3A_1085 = vector.shape_cast %get3A_1081 : vector<16xi32> to vector<16xi32>
        tpu.vector_store %arg15[%swap3A_1082], %swap3A_1085 {strides = array<i32>} : memref<80xi32, #tpu.memory_space<vmem>>, vector<16xi32>,
        %mul3A_1086 = arith.constant 80 : i32
        %mul3A_1087 = arith.muli %add3A_1030, %mul3A_1086 : i32
        %dma_start3A_1088 = tpu.memref_slice %arg7[%mul3A_1087] : memref<2000xi32, #tpu.memory_space<vmem>> -> memref<80xi32, #tpu.memory_space<vmem>>
        %dma_start3A_1089 = arith.constant 0 : i32
        %dma_start3A_1090 = arith.constant 0 : i32
        %dma_start3A_1091 = tpu.memref_slice %arg2[%dma_start3A_1089, %dma_start3A_1090] : memref<80000x128xf32, #tpu.memory_space<hbm>> -> memref<80000x128xf32, #tpu.memory_space<hbm>>
        tpu.enqueue_indirect_dma source(%dma_start3A_1091 : memref<80000x128xf32, #tpu.memory_space<hbm>>) target(%arg12 : memref<80x128xf32, #tpu.memory_space<vmem>>) offsets(%dma_start3A_1088 : memref<80xi32, #tpu.memory_space<vmem>>) semaphore(%arg21 : memref<!tpu.dma_semaphore, #tpu.memory_space<semaphore_mem>>)
      }
      %scan3A_614 = arith.constant 7 : i32
      %dma_wait3A_615 = arith.constant 0 : i32
      %dma_wait3A_616 = tpu.memref_slice %arg7[%dma_wait3A_615] : memref<2000xi32, #tpu.memory_space<vmem>> -> memref<80xi32, #tpu.memory_space<vmem>>
      %dma_wait3A_617 = arith.constant 0 : i32
      %dma_wait3A_618 = arith.constant 0 : i32
      %dma_wait3A_619 = tpu.memref_slice %arg2[%dma_wait3A_617, %dma_wait3A_618] : memref<80000x128xf32, #tpu.memory_space<hbm>> -> memref<80000x128xf32, #tpu.memory_space<hbm>>
      tpu.wait_indirect_dma semaphore(%arg23 : memref<!tpu.dma_semaphore, #tpu.memory_space<semaphore_mem>>) src(%dma_wait3A_619 : memref<80000x128xf32, #tpu.memory_space<hbm>>) dst(%arg14 : memref<80x128xf32, #tpu.memory_space<vmem>>)
      %dma_start3A_620 = arith.constant 0 : i32
      %dma_start3A_621 = arith.constant 0 : i32
      %dma_start3A_622 = tpu.memref_slice %arg18[%dma_start3A_620, %dma_start3A_621] : memref<10240x128xf32, #tpu.memory_space<vmem_shared>> -> memref<10240x128xf32, #tpu.memory_space<vmem_shared>>
      tpu.enqueue_indirect_dma source(%arg14 : memref<80x128xf32, #tpu.memory_space<vmem>>) target(%dma_start3A_622 : memref<10240x128xf32, #tpu.memory_space<vmem_shared>>) offsets(%arg17 : memref<80xi32, #tpu.memory_space<vmem>>) semaphore(%arg26 : memref<!tpu.dma_semaphore, #tpu.memory_space<semaphore_mem>>) {add = true}
      %dma_wait3A_623 = arith.constant 0 : i32
      %dma_wait3A_624 = tpu.memref_slice %arg7[%dma_wait3A_623] : memref<2000xi32, #tpu.memory_space<vmem>> -> memref<80xi32, #tpu.memory_space<vmem>>
      %dma_wait3A_625 = arith.constant 0 : i32
      %dma_wait3A_626 = arith.constant 0 : i32
      %dma_wait3A_627 = tpu.memref_slice %arg2[%dma_wait3A_625, %dma_wait3A_626] : memref<80000x128xf32, #tpu.memory_space<hbm>> -> memref<80000x128xf32, #tpu.memory_space<hbm>>
      tpu.wait_indirect_dma semaphore(%arg21 : memref<!tpu.dma_semaphore, #tpu.memory_space<semaphore_mem>>) src(%dma_wait3A_627 : memref<80000x128xf32, #tpu.memory_space<hbm>>) dst(%arg12 : memref<80x128xf32, #tpu.memory_space<vmem>>)
      %dma_start3A_628 = arith.constant 0 : i32
      %dma_start3A_629 = arith.constant 0 : i32
      %dma_start3A_630 = tpu.memref_slice %arg18[%dma_start3A_628, %dma_start3A_629] : memref<10240x128xf32, #tpu.memory_space<vmem_shared>> -> memref<10240x128xf32, #tpu.memory_space<vmem_shared>>
      tpu.enqueue_indirect_dma source(%arg12 : memref<80x128xf32, #tpu.memory_space<vmem>>) target(%dma_start3A_630 : memref<10240x128xf32, #tpu.memory_space<vmem_shared>>) offsets(%arg15 : memref<80xi32, #tpu.memory_space<vmem>>) semaphore(%arg24 : memref<!tpu.dma_semaphore, #tpu.memory_space<semaphore_mem>>) {add = true}
      %dma_wait3A_631 = arith.constant 0 : i32
      %dma_wait3A_632 = tpu.memref_slice %arg3[%dma_wait3A_631] : memref<640000xi32, #tpu.memory_space<hbm>> -> memref<2000xi32, #tpu.memory_space<hbm>>
      %dma_wait3A_633 = arith.constant 0 : i32
      %dma_wait3A_634 = tpu.memref_slice %arg3[%dma_wait3A_633] : memref<640000xi32, #tpu.memory_space<hbm>> -> memref<2000xi32, #tpu.memory_space<hbm>>
      tpu.wait_dma2 semaphore(%arg19 : memref<!tpu.dma_semaphore, #tpu.memory_space<semaphore_mem>>) src(%dma_wait3A_634 : memref<2000xi32, #tpu.memory_space<hbm>>) dst(%arg6 : memref<2000xi32, #tpu.memory_space<vmem>>)
      %dma_wait3A_635 = arith.constant 0 : i32
      %dma_wait3A_636 = tpu.memref_slice %arg3[%dma_wait3A_635] : memref<640000xi32, #tpu.memory_space<hbm>> -> memref<2000xi32, #tpu.memory_space<hbm>>
      %dma_wait3A_637 = arith.constant 0 : i32
      %dma_wait3A_638 = tpu.memref_slice %arg3[%dma_wait3A_637] : memref<640000xi32, #tpu.memory_space<hbm>> -> memref<2000xi32, #tpu.memory_space<hbm>>
      tpu.wait_dma2 semaphore(%arg19 : memref<!tpu.dma_semaphore, #tpu.memory_space<semaphore_mem>>) src(%dma_wait3A_638 : memref<2000xi32, #tpu.memory_space<hbm>>) dst(%arg8 : memref<2000xi32, #tpu.memory_space<vmem>>)
      %dma_wait3A_639 = arith.constant 0 : i32
      %dma_wait3A_640 = tpu.memref_slice %arg4[%dma_wait3A_639] : memref<320000xi32, #tpu.memory_space<hbm>> -> memref<2000xi32, #tpu.memory_space<hbm>>
      %dma_wait3A_641 = arith.constant 0 : i32
      %dma_wait3A_642 = tpu.memref_slice %arg4[%dma_wait3A_641] : memref<320000xi32, #tpu.memory_space<hbm>> -> memref<2000xi32, #tpu.memory_space<hbm>>
      tpu.wait_dma2 semaphore(%arg19 : memref<!tpu.dma_semaphore, #tpu.memory_space<semaphore_mem>>) src(%dma_wait3A_642 : memref<2000xi32, #tpu.memory_space<hbm>>) dst(%arg10 : memref<2000xi32, #tpu.memory_space<vmem>>)
      %add3A_643 = arith.constant 2 : i32
      %add3A_644 = arith.addi %add3A_391, %add3A_643 : i32
      %lt3A = arith.constant 5 : i32
      %lt3A_645 = arith.cmpi slt, %add3A_644, %lt3A : i32
      %convert_element_type3A = arith.extui %lt3A_645 : i1 to i32
      %cond3A = arith.constant 0 : i32
      %cond3A_646 = arith.cmpi ne, %convert_element_type3A, %cond3A : i32
      scf.if %cond3A_646 {
        %add3A_861 = arith.constant 2 : i32
        %add3A_862 = arith.addi %add3A_391, %add3A_861 : i32
        %mul3A_863 = arith.constant 2000 : i32
        %mul3A_864 = arith.muli %add3A_862, %mul3A_863 : i32
        %add3A_865 = arith.addi %mul3A_2, %mul3A_864 : i32
        %dma_start3A_866 = tpu.memref_slice %arg3[%add3A_865] : memref<640000xi32, #tpu.memory_space<hbm>> -> memref<2000xi32, #tpu.memory_space<hbm>>
        %dma_start3A_867 = tpu.memref_slice %arg3[%add3A_865] : memref<640000xi32, #tpu.memory_space<hbm>> -> memref<2000xi32, #tpu.memory_space<hbm>>
        tpu.enqueue_dma source(%dma_start3A_867 : memref<2000xi32, #tpu.memory_space<hbm>>) target(%arg7 : memref<2000xi32, #tpu.memory_space<vmem>>) target_semaphore(%arg20 : memref<!tpu.dma_semaphore, #tpu.memory_space<semaphore_mem>>)
        %add3A_868 = arith.constant 320000 : i32
        %add3A_869 = arith.addi %add3A_868, %add3A_865 : i32
        %dma_start3A_870 = tpu.memref_slice %arg3[%add3A_869] : memref<640000xi32, #tpu.memory_space<hbm>> -> memref<2000xi32, #tpu.memory_space<hbm>>
        %dma_start3A_871 = tpu.memref_slice %arg3[%add3A_869] : memref<640000xi32, #tpu.memory_space<hbm>> -> memref<2000xi32, #tpu.memory_space<hbm>>
        tpu.enqueue_dma source(%dma_start3A_871 : memref<2000xi32, #tpu.memory_space<hbm>>) target(%arg9 : memref<2000xi32, #tpu.memory_space<vmem>>) target_semaphore(%arg20 : memref<!tpu.dma_semaphore, #tpu.memory_space<semaphore_mem>>)
        %dma_start3A_872 = tpu.memref_slice %arg4[%add3A_865] : memref<320000xi32, #tpu.memory_space<hbm>> -> memref<2000xi32, #tpu.memory_space<hbm>>
        %dma_start3A_873 = tpu.memref_slice %arg4[%add3A_865] : memref<320000xi32, #tpu.memory_space<hbm>> -> memref<2000xi32, #tpu.memory_space<hbm>>
        tpu.enqueue_dma source(%dma_start3A_873 : memref<2000xi32, #tpu.memory_space<hbm>>) target(%arg11 : memref<2000xi32, #tpu.memory_space<vmem>>) target_semaphore(%arg20 : memref<!tpu.dma_semaphore, #tpu.memory_space<semaphore_mem>>)
      } else {
      }
      %scan3A_647 = arith.constant 0 : i32
      %scan3A_648 = arith.constant 125 : i32
      %scan3A_649 = arith.addi %scan3A_647, %scan3A_648 : i32
      %scan3A_650 = arith.constant 1 : i32
      scf.for %scan3A_861 = %scan3A_647 to %scan3A_649 step %scan3A_650  : i32 {
        %mul3A_862 = arith.constant 16 : i32
        %mul3A_863 = arith.muli %scan3A_861, %mul3A_862 : i32
        %get3A_864 = arith.index_cast %mul3A_863 : i32 to index
        %get3A_865 = tpu.vector_load %arg10[%get3A_864] {strides = array<i32>} : memref<2000xi32, #tpu.memory_space<vmem>>, vector<16xi32>,
        %get3A_866 = vector.shape_cast %get3A_865 : vector<16xi32> to vector<16xi32>
        %mul3A_867 = arith.constant 10000 : i32
        %mul3A_868 = vector.broadcast %mul3A_867 : i32 to vector<16xi32>
        %mul3A_869 = arith.muli %get3A_866, %mul3A_868 : vector<16xi32>
        %get3A_870 = arith.index_cast %mul3A_863 : i32 to index
        %get3A_871 = tpu.vector_load %arg6[%get3A_870] {strides = array<i32>} : memref<2000xi32, #tpu.memory_space<vmem>>, vector<16xi32>,
        %get3A_872 = vector.shape_cast %get3A_871 : vector<16xi32> to vector<16xi32>
        %add3A_873 = arith.addi %mul3A_869, %get3A_872 : vector<16xi32>
        %swap3A_874 = arith.index_cast %mul3A_863 : i32 to index
        %swap3A_875 = tpu.vector_load %arg6[%swap3A_874] {strides = array<i32>} : memref<2000xi32, #tpu.memory_space<vmem>>, vector<16xi32>,
        %swap3A_876 = vector.shape_cast %swap3A_875 : vector<16xi32> to vector<16xi32>
        %swap3A_877 = vector.shape_cast %add3A_873 : vector<16xi32> to vector<16xi32>
        tpu.vector_store %arg6[%swap3A_874], %swap3A_877 {strides = array<i32>} : memref<2000xi32, #tpu.memory_space<vmem>>, vector<16xi32>,
      }
      %scan3A_651 = arith.constant 125 : i32
      %dma_wait3A_652 = arith.constant 0 : i32
      %dma_wait3A_653 = arith.constant 0 : i32
      %dma_wait3A_654 = tpu.memref_slice %arg18[%dma_wait3A_652, %dma_wait3A_653] : memref<10240x128xf32, #tpu.memory_space<vmem_shared>> -> memref<10240x128xf32, #tpu.memory_space<vmem_shared>>
      tpu.wait_indirect_dma semaphore(%arg24 : memref<!tpu.dma_semaphore, #tpu.memory_space<semaphore_mem>>) src(%arg12 : memref<80x128xf32, #tpu.memory_space<vmem>>) dst(%dma_wait3A_654 : memref<10240x128xf32, #tpu.memory_space<vmem_shared>>)
      %get3A_655 = arith.constant 0 : index
      %get3A_656 = tpu.vector_load %arg8[%get3A_655] {strides = array<i32>} : memref<2000xi32, #tpu.memory_space<vmem>>, vector<16xi32>,
      %get3A_657 = vector.shape_cast %get3A_656 : vector<16xi32> to vector<16xi32>
      %swap3A_658 = arith.constant 0 : index
      %swap3A_659 = tpu.vector_load %arg15[%swap3A_658] {strides = array<i32>} : memref<80xi32, #tpu.memory_space<vmem>>, vector<16xi32>,
      %swap3A_660 = vector.shape_cast %swap3A_659 : vector<16xi32> to vector<16xi32>
      %swap3A_661 = vector.shape_cast %get3A_657 : vector<16xi32> to vector<16xi32>
      tpu.vector_store %arg15[%swap3A_658], %swap3A_661 {strides = array<i32>} : memref<80xi32, #tpu.memory_space<vmem>>, vector<16xi32>,
      %get3A_662 = arith.constant 16 : index
      %get3A_663 = tpu.vector_load %arg8[%get3A_662] {strides = array<i32>} : memref<2000xi32, #tpu.memory_space<vmem>>, vector<16xi32>,
      %get3A_664 = vector.shape_cast %get3A_663 : vector<16xi32> to vector<16xi32>
      %swap3A_665 = arith.constant 16 : index
      %swap3A_666 = tpu.vector_load %arg15[%swap3A_665] {strides = array<i32>} : memref<80xi32, #tpu.memory_space<vmem>>, vector<16xi32>,
      %swap3A_667 = vector.shape_cast %swap3A_666 : vector<16xi32> to vector<16xi32>
      %swap3A_668 = vector.shape_cast %get3A_664 : vector<16xi32> to vector<16xi32>
      tpu.vector_store %arg15[%swap3A_665], %swap3A_668 {strides = array<i32>} : memref<80xi32, #tpu.memory_space<vmem>>, vector<16xi32>,
      %get3A_669 = arith.constant 32 : index
      %get3A_670 = tpu.vector_load %arg8[%get3A_669] {strides = array<i32>} : memref<2000xi32, #tpu.memory_space<vmem>>, vector<16xi32>,
      %get3A_671 = vector.shape_cast %get3A_670 : vector<16xi32> to vector<16xi32>
      %swap3A_672 = arith.constant 32 : index
      %swap3A_673 = tpu.vector_load %arg15[%swap3A_672] {strides = array<i32>} : memref<80xi32, #tpu.memory_space<vmem>>, vector<16xi32>,
      %swap3A_674 = vector.shape_cast %swap3A_673 : vector<16xi32> to vector<16xi32>
      %swap3A_675 = vector.shape_cast %get3A_671 : vector<16xi32> to vector<16xi32>
      tpu.vector_store %arg15[%swap3A_672], %swap3A_675 {strides = array<i32>} : memref<80xi32, #tpu.memory_space<vmem>>, vector<16xi32>,
      %get3A_676 = arith.constant 48 : index
      %get3A_677 = tpu.vector_load %arg8[%get3A_676] {strides = array<i32>} : memref<2000xi32, #tpu.memory_space<vmem>>, vector<16xi32>,
      %get3A_678 = vector.shape_cast %get3A_677 : vector<16xi32> to vector<16xi32>
      %swap3A_679 = arith.constant 48 : index
      %swap3A_680 = tpu.vector_load %arg15[%swap3A_679] {strides = array<i32>} : memref<80xi32, #tpu.memory_space<vmem>>, vector<16xi32>,
      %swap3A_681 = vector.shape_cast %swap3A_680 : vector<16xi32> to vector<16xi32>
      %swap3A_682 = vector.shape_cast %get3A_678 : vector<16xi32> to vector<16xi32>
      tpu.vector_store %arg15[%swap3A_679], %swap3A_682 {strides = array<i32>} : memref<80xi32, #tpu.memory_space<vmem>>, vector<16xi32>,
      %get3A_683 = arith.constant 64 : index
      %get3A_684 = tpu.vector_load %arg8[%get3A_683] {strides = array<i32>} : memref<2000xi32, #tpu.memory_space<vmem>>, vector<16xi32>,
      %get3A_685 = vector.shape_cast %get3A_684 : vector<16xi32> to vector<16xi32>
      %swap3A_686 = arith.constant 64 : index
      %swap3A_687 = tpu.vector_load %arg15[%swap3A_686] {strides = array<i32>} : memref<80xi32, #tpu.memory_space<vmem>>, vector<16xi32>,
      %swap3A_688 = vector.shape_cast %swap3A_687 : vector<16xi32> to vector<16xi32>
      %swap3A_689 = vector.shape_cast %get3A_685 : vector<16xi32> to vector<16xi32>
      tpu.vector_store %arg15[%swap3A_686], %swap3A_689 {strides = array<i32>} : memref<80xi32, #tpu.memory_space<vmem>>, vector<16xi32>,
      %dma_start3A_690 = arith.constant 0 : i32
      %dma_start3A_691 = tpu.memref_slice %arg6[%dma_start3A_690] : memref<2000xi32, #tpu.memory_space<vmem>> -> memref<80xi32, #tpu.memory_space<vmem>>
      %dma_start3A_692 = arith.constant 0 : i32
      %dma_start3A_693 = arith.constant 0 : i32
      %dma_start3A_694 = tpu.memref_slice %arg2[%dma_start3A_692, %dma_start3A_693] : memref<80000x128xf32, #tpu.memory_space<hbm>> -> memref<80000x128xf32, #tpu.memory_space<hbm>>
      tpu.enqueue_indirect_dma source(%dma_start3A_694 : memref<80000x128xf32, #tpu.memory_space<hbm>>) target(%arg12 : memref<80x128xf32, #tpu.memory_space<vmem>>) offsets(%dma_start3A_691 : memref<80xi32, #tpu.memory_space<vmem>>) semaphore(%arg21 : memref<!tpu.dma_semaphore, #tpu.memory_space<semaphore_mem>>)
      %dma_wait3A_695 = arith.constant 0 : i32
      %dma_wait3A_696 = arith.constant 0 : i32
      %dma_wait3A_697 = tpu.memref_slice %arg18[%dma_wait3A_695, %dma_wait3A_696] : memref<10240x128xf32, #tpu.memory_space<vmem_shared>> -> memref<10240x128xf32, #tpu.memory_space<vmem_shared>>
      tpu.wait_indirect_dma semaphore(%arg25 : memref<!tpu.dma_semaphore, #tpu.memory_space<semaphore_mem>>) src(%arg13 : memref<80x128xf32, #tpu.memory_space<vmem>>) dst(%dma_wait3A_697 : memref<10240x128xf32, #tpu.memory_space<vmem_shared>>)
      %get3A_698 = arith.constant 80 : index
      %get3A_699 = tpu.vector_load %arg8[%get3A_698] {strides = array<i32>} : memref<2000xi32, #tpu.memory_space<vmem>>, vector<16xi32>,
      %get3A_700 = vector.shape_cast %get3A_699 : vector<16xi32> to vector<16xi32>
      %swap3A_701 = arith.constant 0 : index
      %swap3A_702 = tpu.vector_load %arg16[%swap3A_701] {strides = array<i32>} : memref<80xi32, #tpu.memory_space<vmem>>, vector<16xi32>,
      %swap3A_703 = vector.shape_cast %swap3A_702 : vector<16xi32> to vector<16xi32>
      %swap3A_704 = vector.shape_cast %get3A_700 : vector<16xi32> to vector<16xi32>
      tpu.vector_store %arg16[%swap3A_701], %swap3A_704 {strides = array<i32>} : memref<80xi32, #tpu.memory_space<vmem>>, vector<16xi32>,
      %get3A_705 = arith.constant 96 : index
      %get3A_706 = tpu.vector_load %arg8[%get3A_705] {strides = array<i32>} : memref<2000xi32, #tpu.memory_space<vmem>>, vector<16xi32>,
      %get3A_707 = vector.shape_cast %get3A_706 : vector<16xi32> to vector<16xi32>
      %swap3A_708 = arith.constant 16 : index
      %swap3A_709 = tpu.vector_load %arg16[%swap3A_708] {strides = array<i32>} : memref<80xi32, #tpu.memory_space<vmem>>, vector<16xi32>,
      %swap3A_710 = vector.shape_cast %swap3A_709 : vector<16xi32> to vector<16xi32>
      %swap3A_711 = vector.shape_cast %get3A_707 : vector<16xi32> to vector<16xi32>
      tpu.vector_store %arg16[%swap3A_708], %swap3A_711 {strides = array<i32>} : memref<80xi32, #tpu.memory_space<vmem>>, vector<16xi32>,
      %get3A_712 = arith.constant 112 : index
      %get3A_713 = tpu.vector_load %arg8[%get3A_712] {strides = array<i32>} : memref<2000xi32, #tpu.memory_space<vmem>>, vector<16xi32>,
      %get3A_714 = vector.shape_cast %get3A_713 : vector<16xi32> to vector<16xi32>
      %swap3A_715 = arith.constant 32 : index
      %swap3A_716 = tpu.vector_load %arg16[%swap3A_715] {strides = array<i32>} : memref<80xi32, #tpu.memory_space<vmem>>, vector<16xi32>,
      %swap3A_717 = vector.shape_cast %swap3A_716 : vector<16xi32> to vector<16xi32>
      %swap3A_718 = vector.shape_cast %get3A_714 : vector<16xi32> to vector<16xi32>
      tpu.vector_store %arg16[%swap3A_715], %swap3A_718 {strides = array<i32>} : memref<80xi32, #tpu.memory_space<vmem>>, vector<16xi32>,
      %get3A_719 = arith.constant 128 : index
      %get3A_720 = tpu.vector_load %arg8[%get3A_719] {strides = array<i32>} : memref<2000xi32, #tpu.memory_space<vmem>>, vector<16xi32>,
      %get3A_721 = vector.shape_cast %get3A_720 : vector<16xi32> to vector<16xi32>
      %swap3A_722 = arith.constant 48 : index
      %swap3A_723 = tpu.vector_load %arg16[%swap3A_722] {strides = array<i32>} : memref<80xi32, #tpu.memory_space<vmem>>, vector<16xi32>,
      %swap3A_724 = vector.shape_cast %swap3A_723 : vector<16xi32> to vector<16xi32>
      %swap3A_725 = vector.shape_cast %get3A_721 : vector<16xi32> to vector<16xi32>
      tpu.vector_store %arg16[%swap3A_722], %swap3A_725 {strides = array<i32>} : memref<80xi32, #tpu.memory_space<vmem>>, vector<16xi32>,
      %get3A_726 = arith.constant 144 : index
      %get3A_727 = tpu.vector_load %arg8[%get3A_726] {strides = array<i32>} : memref<2000xi32, #tpu.memory_space<vmem>>, vector<16xi32>,
      %get3A_728 = vector.shape_cast %get3A_727 : vector<16xi32> to vector<16xi32>
      %swap3A_729 = arith.constant 64 : index
      %swap3A_730 = tpu.vector_load %arg16[%swap3A_729] {strides = array<i32>} : memref<80xi32, #tpu.memory_space<vmem>>, vector<16xi32>,
      %swap3A_731 = vector.shape_cast %swap3A_730 : vector<16xi32> to vector<16xi32>
      %swap3A_732 = vector.shape_cast %get3A_728 : vector<16xi32> to vector<16xi32>
      tpu.vector_store %arg16[%swap3A_729], %swap3A_732 {strides = array<i32>} : memref<80xi32, #tpu.memory_space<vmem>>, vector<16xi32>,
      %dma_start3A_733 = arith.constant 80 : i32
      %dma_start3A_734 = tpu.memref_slice %arg6[%dma_start3A_733] : memref<2000xi32, #tpu.memory_space<vmem>> -> memref<80xi32, #tpu.memory_space<vmem>>
      %dma_start3A_735 = arith.constant 0 : i32
      %dma_start3A_736 = arith.constant 0 : i32
      %dma_start3A_737 = tpu.memref_slice %arg2[%dma_start3A_735, %dma_start3A_736] : memref<80000x128xf32, #tpu.memory_space<hbm>> -> memref<80000x128xf32, #tpu.memory_space<hbm>>
      tpu.enqueue_indirect_dma source(%dma_start3A_737 : memref<80000x128xf32, #tpu.memory_space<hbm>>) target(%arg13 : memref<80x128xf32, #tpu.memory_space<vmem>>) offsets(%dma_start3A_734 : memref<80xi32, #tpu.memory_space<vmem>>) semaphore(%arg22 : memref<!tpu.dma_semaphore, #tpu.memory_space<semaphore_mem>>)
      %dma_wait3A_738 = arith.constant 0 : i32
      %dma_wait3A_739 = tpu.memref_slice %arg6[%dma_wait3A_738] : memref<2000xi32, #tpu.memory_space<vmem>> -> memref<80xi32, #tpu.memory_space<vmem>>
      %dma_wait3A_740 = arith.constant 0 : i32
      %dma_wait3A_741 = arith.constant 0 : i32
      %dma_wait3A_742 = tpu.memref_slice %arg2[%dma_wait3A_740, %dma_wait3A_741] : memref<80000x128xf32, #tpu.memory_space<hbm>> -> memref<80000x128xf32, #tpu.memory_space<hbm>>
      tpu.wait_indirect_dma semaphore(%arg21 : memref<!tpu.dma_semaphore, #tpu.memory_space<semaphore_mem>>) src(%dma_wait3A_742 : memref<80000x128xf32, #tpu.memory_space<hbm>>) dst(%arg12 : memref<80x128xf32, #tpu.memory_space<vmem>>)
      %dma_start3A_743 = arith.constant 0 : i32
      %dma_start3A_744 = arith.constant 0 : i32
      %dma_start3A_745 = tpu.memref_slice %arg18[%dma_start3A_743, %dma_start3A_744] : memref<10240x128xf32, #tpu.memory_space<vmem_shared>> -> memref<10240x128xf32, #tpu.memory_space<vmem_shared>>
      tpu.enqueue_indirect_dma source(%arg12 : memref<80x128xf32, #tpu.memory_space<vmem>>) target(%dma_start3A_745 : memref<10240x128xf32, #tpu.memory_space<vmem_shared>>) offsets(%arg15 : memref<80xi32, #tpu.memory_space<vmem>>) semaphore(%arg24 : memref<!tpu.dma_semaphore, #tpu.memory_space<semaphore_mem>>) {add = true}
      %dma_wait3A_746 = arith.constant 0 : i32
      %dma_wait3A_747 = arith.constant 0 : i32
      %dma_wait3A_748 = tpu.memref_slice %arg18[%dma_wait3A_746, %dma_wait3A_747] : memref<10240x128xf32, #tpu.memory_space<vmem_shared>> -> memref<10240x128xf32, #tpu.memory_space<vmem_shared>>
      tpu.wait_indirect_dma semaphore(%arg26 : memref<!tpu.dma_semaphore, #tpu.memory_space<semaphore_mem>>) src(%arg14 : memref<80x128xf32, #tpu.memory_space<vmem>>) dst(%dma_wait3A_748 : memref<10240x128xf32, #tpu.memory_space<vmem_shared>>)
      %get3A_749 = arith.constant 160 : index
      %get3A_750 = tpu.vector_load %arg8[%get3A_749] {strides = array<i32>} : memref<2000xi32, #tpu.memory_space<vmem>>, vector<16xi32>,
      %get3A_751 = vector.shape_cast %get3A_750 : vector<16xi32> to vector<16xi32>
      %swap3A_752 = arith.constant 0 : index
      %swap3A_753 = tpu.vector_load %arg17[%swap3A_752] {strides = array<i32>} : memref<80xi32, #tpu.memory_space<vmem>>, vector<16xi32>,
      %swap3A_754 = vector.shape_cast %swap3A_753 : vector<16xi32> to vector<16xi32>
      %swap3A_755 = vector.shape_cast %get3A_751 : vector<16xi32> to vector<16xi32>
      tpu.vector_store %arg17[%swap3A_752], %swap3A_755 {strides = array<i32>} : memref<80xi32, #tpu.memory_space<vmem>>, vector<16xi32>,
      %get3A_756 = arith.constant 176 : index
      %get3A_757 = tpu.vector_load %arg8[%get3A_756] {strides = array<i32>} : memref<2000xi32, #tpu.memory_space<vmem>>, vector<16xi32>,
      %get3A_758 = vector.shape_cast %get3A_757 : vector<16xi32> to vector<16xi32>
      %swap3A_759 = arith.constant 16 : index
      %swap3A_760 = tpu.vector_load %arg17[%swap3A_759] {strides = array<i32>} : memref<80xi32, #tpu.memory_space<vmem>>, vector<16xi32>,
      %swap3A_761 = vector.shape_cast %swap3A_760 : vector<16xi32> to vector<16xi32>
      %swap3A_762 = vector.shape_cast %get3A_758 : vector<16xi32> to vector<16xi32>
      tpu.vector_store %arg17[%swap3A_759], %swap3A_762 {strides = array<i32>} : memref<80xi32, #tpu.memory_space<vmem>>, vector<16xi32>,
      %get3A_763 = arith.constant 192 : index
      %get3A_764 = tpu.vector_load %arg8[%get3A_763] {strides = array<i32>} : memref<2000xi32, #tpu.memory_space<vmem>>, vector<16xi32>,
      %get3A_765 = vector.shape_cast %get3A_764 : vector<16xi32> to vector<16xi32>
      %swap3A_766 = arith.constant 32 : index
      %swap3A_767 = tpu.vector_load %arg17[%swap3A_766] {strides = array<i32>} : memref<80xi32, #tpu.memory_space<vmem>>, vector<16xi32>,
      %swap3A_768 = vector.shape_cast %swap3A_767 : vector<16xi32> to vector<16xi32>
      %swap3A_769 = vector.shape_cast %get3A_765 : vector<16xi32> to vector<16xi32>
      tpu.vector_store %arg17[%swap3A_766], %swap3A_769 {strides = array<i32>} : memref<80xi32, #tpu.memory_space<vmem>>, vector<16xi32>,
      %get3A_770 = arith.constant 208 : index
      %get3A_771 = tpu.vector_load %arg8[%get3A_770] {strides = array<i32>} : memref<2000xi32, #tpu.memory_space<vmem>>, vector<16xi32>,
      %get3A_772 = vector.shape_cast %get3A_771 : vector<16xi32> to vector<16xi32>
      %swap3A_773 = arith.constant 48 : index
      %swap3A_774 = tpu.vector_load %arg17[%swap3A_773] {strides = array<i32>} : memref<80xi32, #tpu.memory_space<vmem>>, vector<16xi32>,
      %swap3A_775 = vector.shape_cast %swap3A_774 : vector<16xi32> to vector<16xi32>
      %swap3A_776 = vector.shape_cast %get3A_772 : vector<16xi32> to vector<16xi32>
      tpu.vector_store %arg17[%swap3A_773], %swap3A_776 {strides = array<i32>} : memref<80xi32, #tpu.memory_space<vmem>>, vector<16xi32>,
      %get3A_777 = arith.constant 224 : index
      %get3A_778 = tpu.vector_load %arg8[%get3A_777] {strides = array<i32>} : memref<2000xi32, #tpu.memory_space<vmem>>, vector<16xi32>,
      %get3A_779 = vector.shape_cast %get3A_778 : vector<16xi32> to vector<16xi32>
      %swap3A_780 = arith.constant 64 : index
      %swap3A_781 = tpu.vector_load %arg17[%swap3A_780] {strides = array<i32>} : memref<80xi32, #tpu.memory_space<vmem>>, vector<16xi32>,
      %swap3A_782 = vector.shape_cast %swap3A_781 : vector<16xi32> to vector<16xi32>
      %swap3A_783 = vector.shape_cast %get3A_779 : vector<16xi32> to vector<16xi32>
      tpu.vector_store %arg17[%swap3A_780], %swap3A_783 {strides = array<i32>} : memref<80xi32, #tpu.memory_space<vmem>>, vector<16xi32>,
      %dma_start3A_784 = arith.constant 160 : i32
      %dma_start3A_785 = tpu.memref_slice %arg6[%dma_start3A_784] : memref<2000xi32, #tpu.memory_space<vmem>> -> memref<80xi32, #tpu.memory_space<vmem>>
      %dma_start3A_786 = arith.constant 0 : i32
      %dma_start3A_787 = arith.constant 0 : i32
      %dma_start3A_788 = tpu.memref_slice %arg2[%dma_start3A_786, %dma_start3A_787] : memref<80000x128xf32, #tpu.memory_space<hbm>> -> memref<80000x128xf32, #tpu.memory_space<hbm>>
      tpu.enqueue_indirect_dma source(%dma_start3A_788 : memref<80000x128xf32, #tpu.memory_space<hbm>>) target(%arg14 : memref<80x128xf32, #tpu.memory_space<vmem>>) offsets(%dma_start3A_785 : memref<80xi32, #tpu.memory_space<vmem>>) semaphore(%arg23 : memref<!tpu.dma_semaphore, #tpu.memory_space<semaphore_mem>>)
      %dma_wait3A_789 = arith.constant 0 : i32
      %dma_wait3A_790 = tpu.memref_slice %arg6[%dma_wait3A_789] : memref<2000xi32, #tpu.memory_space<vmem>> -> memref<80xi32, #tpu.memory_space<vmem>>
      %dma_wait3A_791 = arith.constant 0 : i32
      %dma_wait3A_792 = arith.constant 0 : i32
      %dma_wait3A_793 = tpu.memref_slice %arg2[%dma_wait3A_791, %dma_wait3A_792] : memref<80000x128xf32, #tpu.memory_space<hbm>> -> memref<80000x128xf32, #tpu.memory_space<hbm>>
      tpu.wait_indirect_dma semaphore(%arg22 : memref<!tpu.dma_semaphore, #tpu.memory_space<semaphore_mem>>) src(%dma_wait3A_793 : memref<80000x128xf32, #tpu.memory_space<hbm>>) dst(%arg13 : memref<80x128xf32, #tpu.memory_space<vmem>>)
      %dma_start3A_794 = arith.constant 0 : i32
      %dma_start3A_795 = arith.constant 0 : i32
      %dma_start3A_796 = tpu.memref_slice %arg18[%dma_start3A_794, %dma_start3A_795] : memref<10240x128xf32, #tpu.memory_space<vmem_shared>> -> memref<10240x128xf32, #tpu.memory_space<vmem_shared>>
      tpu.enqueue_indirect_dma source(%arg13 : memref<80x128xf32, #tpu.memory_space<vmem>>) target(%dma_start3A_796 : memref<10240x128xf32, #tpu.memory_space<vmem_shared>>) offsets(%arg16 : memref<80xi32, #tpu.memory_space<vmem>>) semaphore(%arg25 : memref<!tpu.dma_semaphore, #tpu.memory_space<semaphore_mem>>) {add = true}
      %dma_wait3A_797 = arith.constant 0 : i32
      %dma_wait3A_798 = arith.constant 0 : i32
      %dma_wait3A_799 = tpu.memref_slice %arg18[%dma_wait3A_797, %dma_wait3A_798] : memref<10240x128xf32, #tpu.memory_space<vmem_shared>> -> memref<10240x128xf32, #tpu.memory_space<vmem_shared>>
      tpu.wait_indirect_dma semaphore(%arg24 : memref<!tpu.dma_semaphore, #tpu.memory_space<semaphore_mem>>) src(%arg12 : memref<80x128xf32, #tpu.memory_space<vmem>>) dst(%dma_wait3A_799 : memref<10240x128xf32, #tpu.memory_space<vmem_shared>>)
      %get3A_800 = arith.constant 240 : index
      %get3A_801 = tpu.vector_load %arg8[%get3A_800] {strides = array<i32>} : memref<2000xi32, #tpu.memory_space<vmem>>, vector<16xi32>,
      %get3A_802 = vector.shape_cast %get3A_801 : vector<16xi32> to vector<16xi32>
      %swap3A_803 = arith.constant 0 : index
      %swap3A_804 = tpu.vector_load %arg15[%swap3A_803] {strides = array<i32>} : memref<80xi32, #tpu.memory_space<vmem>>, vector<16xi32>,
      %swap3A_805 = vector.shape_cast %swap3A_804 : vector<16xi32> to vector<16xi32>
      %swap3A_806 = vector.shape_cast %get3A_802 : vector<16xi32> to vector<16xi32>
      tpu.vector_store %arg15[%swap3A_803], %swap3A_806 {strides = array<i32>} : memref<80xi32, #tpu.memory_space<vmem>>, vector<16xi32>,
      %get3A_807 = arith.constant 256 : index
      %get3A_808 = tpu.vector_load %arg8[%get3A_807] {strides = array<i32>} : memref<2000xi32, #tpu.memory_space<vmem>>, vector<16xi32>,
      %get3A_809 = vector.shape_cast %get3A_808 : vector<16xi32> to vector<16xi32>
      %swap3A_810 = arith.constant 16 : index
      %swap3A_811 = tpu.vector_load %arg15[%swap3A_810] {strides = array<i32>} : memref<80xi32, #tpu.memory_space<vmem>>, vector<16xi32>,
      %swap3A_812 = vector.shape_cast %swap3A_811 : vector<16xi32> to vector<16xi32>
      %swap3A_813 = vector.shape_cast %get3A_809 : vector<16xi32> to vector<16xi32>
      tpu.vector_store %arg15[%swap3A_810], %swap3A_813 {strides = array<i32>} : memref<80xi32, #tpu.memory_space<vmem>>, vector<16xi32>,
      %get3A_814 = arith.constant 272 : index
      %get3A_815 = tpu.vector_load %arg8[%get3A_814] {strides = array<i32>} : memref<2000xi32, #tpu.memory_space<vmem>>, vector<16xi32>,
      %get3A_816 = vector.shape_cast %get3A_815 : vector<16xi32> to vector<16xi32>
      %swap3A_817 = arith.constant 32 : index
      %swap3A_818 = tpu.vector_load %arg15[%swap3A_817] {strides = array<i32>} : memref<80xi32, #tpu.memory_space<vmem>>, vector<16xi32>,
      %swap3A_819 = vector.shape_cast %swap3A_818 : vector<16xi32> to vector<16xi32>
      %swap3A_820 = vector.shape_cast %get3A_816 : vector<16xi32> to vector<16xi32>
      tpu.vector_store %arg15[%swap3A_817], %swap3A_820 {strides = array<i32>} : memref<80xi32, #tpu.memory_space<vmem>>, vector<16xi32>,
      %get3A_821 = arith.constant 288 : index
      %get3A_822 = tpu.vector_load %arg8[%get3A_821] {strides = array<i32>} : memref<2000xi32, #tpu.memory_space<vmem>>, vector<16xi32>,
      %get3A_823 = vector.shape_cast %get3A_822 : vector<16xi32> to vector<16xi32>
      %swap3A_824 = arith.constant 48 : index
      %swap3A_825 = tpu.vector_load %arg15[%swap3A_824] {strides = array<i32>} : memref<80xi32, #tpu.memory_space<vmem>>, vector<16xi32>,
      %swap3A_826 = vector.shape_cast %swap3A_825 : vector<16xi32> to vector<16xi32>
      %swap3A_827 = vector.shape_cast %get3A_823 : vector<16xi32> to vector<16xi32>
      tpu.vector_store %arg15[%swap3A_824], %swap3A_827 {strides = array<i32>} : memref<80xi32, #tpu.memory_space<vmem>>, vector<16xi32>,
      %get3A_828 = arith.constant 304 : index
      %get3A_829 = tpu.vector_load %arg8[%get3A_828] {strides = array<i32>} : memref<2000xi32, #tpu.memory_space<vmem>>, vector<16xi32>,
      %get3A_830 = vector.shape_cast %get3A_829 : vector<16xi32> to vector<16xi32>
      %swap3A_831 = arith.constant 64 : index
      %swap3A_832 = tpu.vector_load %arg15[%swap3A_831] {strides = array<i32>} : memref<80xi32, #tpu.memory_space<vmem>>, vector<16xi32>,
      %swap3A_833 = vector.shape_cast %swap3A_832 : vector<16xi32> to vector<16xi32>
      %swap3A_834 = vector.shape_cast %get3A_830 : vector<16xi32> to vector<16xi32>
      tpu.vector_store %arg15[%swap3A_831], %swap3A_834 {strides = array<i32>} : memref<80xi32, #tpu.memory_space<vmem>>, vector<16xi32>,
      %dma_start3A_835 = arith.constant 240 : i32
      %dma_start3A_836 = tpu.memref_slice %arg6[%dma_start3A_835] : memref<2000xi32, #tpu.memory_space<vmem>> -> memref<80xi32, #tpu.memory_space<vmem>>
      %dma_start3A_837 = arith.constant 0 : i32
      %dma_start3A_838 = arith.constant 0 : i32
      %dma_start3A_839 = tpu.memref_slice %arg2[%dma_start3A_837, %dma_start3A_838] : memref<80000x128xf32, #tpu.memory_space<hbm>> -> memref<80000x128xf32, #tpu.memory_space<hbm>>
      tpu.enqueue_indirect_dma source(%dma_start3A_839 : memref<80000x128xf32, #tpu.memory_space<hbm>>) target(%arg12 : memref<80x128xf32, #tpu.memory_space<vmem>>) offsets(%dma_start3A_836 : memref<80xi32, #tpu.memory_space<vmem>>) semaphore(%arg21 : memref<!tpu.dma_semaphore, #tpu.memory_space<semaphore_mem>>)
      %scan3A_840 = arith.constant 0 : i32
      %scan3A_841 = arith.constant 7 : i32
      %scan3A_842 = arith.addi %scan3A_840, %scan3A_841 : i32
      %scan3A_843 = arith.constant 1 : i32
      scf.for %scan3A_861 = %scan3A_840 to %scan3A_842 step %scan3A_843  : i32 {
        %mul3A_862 = arith.constant 3 : i32
        %mul3A_863 = arith.muli %mul3A_862, %scan3A_861 : i32
        %add3A_864 = arith.constant 2 : i32
        %add3A_865 = arith.addi %add3A_864, %mul3A_863 : i32
        %dma_wait3A_866 = arith.constant 0 : i32
        %dma_wait3A_867 = tpu.memref_slice %arg6[%dma_wait3A_866] : memref<2000xi32, #tpu.memory_space<vmem>> -> memref<80xi32, #tpu.memory_space<vmem>>
        %dma_wait3A_868 = arith.constant 0 : i32
        %dma_wait3A_869 = arith.constant 0 : i32
        %dma_wait3A_870 = tpu.memref_slice %arg2[%dma_wait3A_868, %dma_wait3A_869] : memref<80000x128xf32, #tpu.memory_space<hbm>> -> memref<80000x128xf32, #tpu.memory_space<hbm>>
        tpu.wait_indirect_dma semaphore(%arg23 : memref<!tpu.dma_semaphore, #tpu.memory_space<semaphore_mem>>) src(%dma_wait3A_870 : memref<80000x128xf32, #tpu.memory_space<hbm>>) dst(%arg14 : memref<80x128xf32, #tpu.memory_space<vmem>>)
        %dma_start3A_871 = arith.constant 0 : i32
        %dma_start3A_872 = arith.constant 0 : i32
        %dma_start3A_873 = tpu.memref_slice %arg18[%dma_start3A_871, %dma_start3A_872] : memref<10240x128xf32, #tpu.memory_space<vmem_shared>> -> memref<10240x128xf32, #tpu.memory_space<vmem_shared>>
        tpu.enqueue_indirect_dma source(%arg14 : memref<80x128xf32, #tpu.memory_space<vmem>>) target(%dma_start3A_873 : memref<10240x128xf32, #tpu.memory_space<vmem_shared>>) offsets(%arg17 : memref<80xi32, #tpu.memory_space<vmem>>) semaphore(%arg26 : memref<!tpu.dma_semaphore, #tpu.memory_space<semaphore_mem>>) {add = true}
        %dma_wait3A_874 = arith.constant 0 : i32
        %dma_wait3A_875 = arith.constant 0 : i32
        %dma_wait3A_876 = tpu.memref_slice %arg18[%dma_wait3A_874, %dma_wait3A_875] : memref<10240x128xf32, #tpu.memory_space<vmem_shared>> -> memref<10240x128xf32, #tpu.memory_space<vmem_shared>>
        tpu.wait_indirect_dma semaphore(%arg25 : memref<!tpu.dma_semaphore, #tpu.memory_space<semaphore_mem>>) src(%arg13 : memref<80x128xf32, #tpu.memory_space<vmem>>) dst(%dma_wait3A_876 : memref<10240x128xf32, #tpu.memory_space<vmem_shared>>)
        %add3A_877 = arith.constant 2 : i32
        %add3A_878 = arith.addi %add3A_865, %add3A_877 : i32
        %mul3A_879 = arith.constant 80 : i32
        %mul3A_880 = arith.muli %add3A_878, %mul3A_879 : i32
        %add3A_881 = arith.constant 0 : i32
        %add3A_882 = arith.addi %mul3A_880, %add3A_881 : i32
        %get3A_883 = arith.index_cast %add3A_882 : i32 to index
        %get3A_884 = tpu.vector_load %arg8[%get3A_883] {strides = array<i32>} : memref<2000xi32, #tpu.memory_space<vmem>>, vector<16xi32>,
        %get3A_885 = vector.shape_cast %get3A_884 : vector<16xi32> to vector<16xi32>
        %swap3A_886 = arith.constant 0 : index
        %swap3A_887 = tpu.vector_load %arg16[%swap3A_886] {strides = array<i32>} : memref<80xi32, #tpu.memory_space<vmem>>, vector<16xi32>,
        %swap3A_888 = vector.shape_cast %swap3A_887 : vector<16xi32> to vector<16xi32>
        %swap3A_889 = vector.shape_cast %get3A_885 : vector<16xi32> to vector<16xi32>
        tpu.vector_store %arg16[%swap3A_886], %swap3A_889 {strides = array<i32>} : memref<80xi32, #tpu.memory_space<vmem>>, vector<16xi32>,
        %mul3A_890 = arith.constant 80 : i32
        %mul3A_891 = arith.muli %add3A_878, %mul3A_890 : i32
        %add3A_892 = arith.constant 16 : i32
        %add3A_893 = arith.addi %mul3A_891, %add3A_892 : i32
        %get3A_894 = arith.index_cast %add3A_893 : i32 to index
        %get3A_895 = tpu.vector_load %arg8[%get3A_894] {strides = array<i32>} : memref<2000xi32, #tpu.memory_space<vmem>>, vector<16xi32>,
        %get3A_896 = vector.shape_cast %get3A_895 : vector<16xi32> to vector<16xi32>
        %swap3A_897 = arith.constant 16 : index
        %swap3A_898 = tpu.vector_load %arg16[%swap3A_897] {strides = array<i32>} : memref<80xi32, #tpu.memory_space<vmem>>, vector<16xi32>,
        %swap3A_899 = vector.shape_cast %swap3A_898 : vector<16xi32> to vector<16xi32>
        %swap3A_900 = vector.shape_cast %get3A_896 : vector<16xi32> to vector<16xi32>
        tpu.vector_store %arg16[%swap3A_897], %swap3A_900 {strides = array<i32>} : memref<80xi32, #tpu.memory_space<vmem>>, vector<16xi32>,
        %mul3A_901 = arith.constant 80 : i32
        %mul3A_902 = arith.muli %add3A_878, %mul3A_901 : i32
        %add3A_903 = arith.constant 32 : i32
        %add3A_904 = arith.addi %mul3A_902, %add3A_903 : i32
        %get3A_905 = arith.index_cast %add3A_904 : i32 to index
        %get3A_906 = tpu.vector_load %arg8[%get3A_905] {strides = array<i32>} : memref<2000xi32, #tpu.memory_space<vmem>>, vector<16xi32>,
        %get3A_907 = vector.shape_cast %get3A_906 : vector<16xi32> to vector<16xi32>
        %swap3A_908 = arith.constant 32 : index
        %swap3A_909 = tpu.vector_load %arg16[%swap3A_908] {strides = array<i32>} : memref<80xi32, #tpu.memory_space<vmem>>, vector<16xi32>,
        %swap3A_910 = vector.shape_cast %swap3A_909 : vector<16xi32> to vector<16xi32>
        %swap3A_911 = vector.shape_cast %get3A_907 : vector<16xi32> to vector<16xi32>
        tpu.vector_store %arg16[%swap3A_908], %swap3A_911 {strides = array<i32>} : memref<80xi32, #tpu.memory_space<vmem>>, vector<16xi32>,
        %mul3A_912 = arith.constant 80 : i32
        %mul3A_913 = arith.muli %add3A_878, %mul3A_912 : i32
        %add3A_914 = arith.constant 48 : i32
        %add3A_915 = arith.addi %mul3A_913, %add3A_914 : i32
        %get3A_916 = arith.index_cast %add3A_915 : i32 to index
        %get3A_917 = tpu.vector_load %arg8[%get3A_916] {strides = array<i32>} : memref<2000xi32, #tpu.memory_space<vmem>>, vector<16xi32>,
        %get3A_918 = vector.shape_cast %get3A_917 : vector<16xi32> to vector<16xi32>
        %swap3A_919 = arith.constant 48 : index
        %swap3A_920 = tpu.vector_load %arg16[%swap3A_919] {strides = array<i32>} : memref<80xi32, #tpu.memory_space<vmem>>, vector<16xi32>,
        %swap3A_921 = vector.shape_cast %swap3A_920 : vector<16xi32> to vector<16xi32>
        %swap3A_922 = vector.shape_cast %get3A_918 : vector<16xi32> to vector<16xi32>
        tpu.vector_store %arg16[%swap3A_919], %swap3A_922 {strides = array<i32>} : memref<80xi32, #tpu.memory_space<vmem>>, vector<16xi32>,
        %mul3A_923 = arith.constant 80 : i32
        %mul3A_924 = arith.muli %add3A_878, %mul3A_923 : i32
        %add3A_925 = arith.constant 64 : i32
        %add3A_926 = arith.addi %mul3A_924, %add3A_925 : i32
        %get3A_927 = arith.index_cast %add3A_926 : i32 to index
        %get3A_928 = tpu.vector_load %arg8[%get3A_927] {strides = array<i32>} : memref<2000xi32, #tpu.memory_space<vmem>>, vector<16xi32>,
        %get3A_929 = vector.shape_cast %get3A_928 : vector<16xi32> to vector<16xi32>
        %swap3A_930 = arith.constant 64 : index
        %swap3A_931 = tpu.vector_load %arg16[%swap3A_930] {strides = array<i32>} : memref<80xi32, #tpu.memory_space<vmem>>, vector<16xi32>,
        %swap3A_932 = vector.shape_cast %swap3A_931 : vector<16xi32> to vector<16xi32>
        %swap3A_933 = vector.shape_cast %get3A_929 : vector<16xi32> to vector<16xi32>
        tpu.vector_store %arg16[%swap3A_930], %swap3A_933 {strides = array<i32>} : memref<80xi32, #tpu.memory_space<vmem>>, vector<16xi32>,
        %mul3A_934 = arith.constant 80 : i32
        %mul3A_935 = arith.muli %add3A_878, %mul3A_934 : i32
        %dma_start3A_936 = tpu.memref_slice %arg6[%mul3A_935] : memref<2000xi32, #tpu.memory_space<vmem>> -> memref<80xi32, #tpu.memory_space<vmem>>
        %dma_start3A_937 = arith.constant 0 : i32
        %dma_start3A_938 = arith.constant 0 : i32
        %dma_start3A_939 = tpu.memref_slice %arg2[%dma_start3A_937, %dma_start3A_938] : memref<80000x128xf32, #tpu.memory_space<hbm>> -> memref<80000x128xf32, #tpu.memory_space<hbm>>
        tpu.enqueue_indirect_dma source(%dma_start3A_939 : memref<80000x128xf32, #tpu.memory_space<hbm>>) target(%arg13 : memref<80x128xf32, #tpu.memory_space<vmem>>) offsets(%dma_start3A_936 : memref<80xi32, #tpu.memory_space<vmem>>) semaphore(%arg22 : memref<!tpu.dma_semaphore, #tpu.memory_space<semaphore_mem>>)
        %add3A_940 = arith.constant 1 : i32
        %add3A_941 = arith.addi %add3A_865, %add3A_940 : i32
        %dma_wait3A_942 = arith.constant 0 : i32
        %dma_wait3A_943 = tpu.memref_slice %arg6[%dma_wait3A_942] : memref<2000xi32, #tpu.memory_space<vmem>> -> memref<80xi32, #tpu.memory_space<vmem>>
        %dma_wait3A_944 = arith.constant 0 : i32
        %dma_wait3A_945 = arith.constant 0 : i32
        %dma_wait3A_946 = tpu.memref_slice %arg2[%dma_wait3A_944, %dma_wait3A_945] : memref<80000x128xf32, #tpu.memory_space<hbm>> -> memref<80000x128xf32, #tpu.memory_space<hbm>>
        tpu.wait_indirect_dma semaphore(%arg21 : memref<!tpu.dma_semaphore, #tpu.memory_space<semaphore_mem>>) src(%dma_wait3A_946 : memref<80000x128xf32, #tpu.memory_space<hbm>>) dst(%arg12 : memref<80x128xf32, #tpu.memory_space<vmem>>)
        %dma_start3A_947 = arith.constant 0 : i32
        %dma_start3A_948 = arith.constant 0 : i32
        %dma_start3A_949 = tpu.memref_slice %arg18[%dma_start3A_947, %dma_start3A_948] : memref<10240x128xf32, #tpu.memory_space<vmem_shared>> -> memref<10240x128xf32, #tpu.memory_space<vmem_shared>>
        tpu.enqueue_indirect_dma source(%arg12 : memref<80x128xf32, #tpu.memory_space<vmem>>) target(%dma_start3A_949 : memref<10240x128xf32, #tpu.memory_space<vmem_shared>>) offsets(%arg15 : memref<80xi32, #tpu.memory_space<vmem>>) semaphore(%arg24 : memref<!tpu.dma_semaphore, #tpu.memory_space<semaphore_mem>>) {add = true}
        %dma_wait3A_950 = arith.constant 0 : i32
        %dma_wait3A_951 = arith.constant 0 : i32
        %dma_wait3A_952 = tpu.memref_slice %arg18[%dma_wait3A_950, %dma_wait3A_951] : memref<10240x128xf32, #tpu.memory_space<vmem_shared>> -> memref<10240x128xf32, #tpu.memory_space<vmem_shared>>
        tpu.wait_indirect_dma semaphore(%arg26 : memref<!tpu.dma_semaphore, #tpu.memory_space<semaphore_mem>>) src(%arg14 : memref<80x128xf32, #tpu.memory_space<vmem>>) dst(%dma_wait3A_952 : memref<10240x128xf32, #tpu.memory_space<vmem_shared>>)
        %add3A_953 = arith.constant 3 : i32
        %add3A_954 = arith.addi %add3A_865, %add3A_953 : i32
        %mul3A_955 = arith.constant 80 : i32
        %mul3A_956 = arith.muli %add3A_954, %mul3A_955 : i32
        %add3A_957 = arith.constant 0 : i32
        %add3A_958 = arith.addi %mul3A_956, %add3A_957 : i32
        %get3A_959 = arith.index_cast %add3A_958 : i32 to index
        %get3A_960 = tpu.vector_load %arg8[%get3A_959] {strides = array<i32>} : memref<2000xi32, #tpu.memory_space<vmem>>, vector<16xi32>,
        %get3A_961 = vector.shape_cast %get3A_960 : vector<16xi32> to vector<16xi32>
        %swap3A_962 = arith.constant 0 : index
        %swap3A_963 = tpu.vector_load %arg17[%swap3A_962] {strides = array<i32>} : memref<80xi32, #tpu.memory_space<vmem>>, vector<16xi32>,
        %swap3A_964 = vector.shape_cast %swap3A_963 : vector<16xi32> to vector<16xi32>
        %swap3A_965 = vector.shape_cast %get3A_961 : vector<16xi32> to vector<16xi32>
        tpu.vector_store %arg17[%swap3A_962], %swap3A_965 {strides = array<i32>} : memref<80xi32, #tpu.memory_space<vmem>>, vector<16xi32>,
        %mul3A_966 = arith.constant 80 : i32
        %mul3A_967 = arith.muli %add3A_954, %mul3A_966 : i32
        %add3A_968 = arith.constant 16 : i32
        %add3A_969 = arith.addi %mul3A_967, %add3A_968 : i32
        %get3A_970 = arith.index_cast %add3A_969 : i32 to index
        %get3A_971 = tpu.vector_load %arg8[%get3A_970] {strides = array<i32>} : memref<2000xi32, #tpu.memory_space<vmem>>, vector<16xi32>,
        %get3A_972 = vector.shape_cast %get3A_971 : vector<16xi32> to vector<16xi32>
        %swap3A_973 = arith.constant 16 : index
        %swap3A_974 = tpu.vector_load %arg17[%swap3A_973] {strides = array<i32>} : memref<80xi32, #tpu.memory_space<vmem>>, vector<16xi32>,
        %swap3A_975 = vector.shape_cast %swap3A_974 : vector<16xi32> to vector<16xi32>
        %swap3A_976 = vector.shape_cast %get3A_972 : vector<16xi32> to vector<16xi32>
        tpu.vector_store %arg17[%swap3A_973], %swap3A_976 {strides = array<i32>} : memref<80xi32, #tpu.memory_space<vmem>>, vector<16xi32>,
        %mul3A_977 = arith.constant 80 : i32
        %mul3A_978 = arith.muli %add3A_954, %mul3A_977 : i32
        %add3A_979 = arith.constant 32 : i32
        %add3A_980 = arith.addi %mul3A_978, %add3A_979 : i32
        %get3A_981 = arith.index_cast %add3A_980 : i32 to index
        %get3A_982 = tpu.vector_load %arg8[%get3A_981] {strides = array<i32>} : memref<2000xi32, #tpu.memory_space<vmem>>, vector<16xi32>,
        %get3A_983 = vector.shape_cast %get3A_982 : vector<16xi32> to vector<16xi32>
        %swap3A_984 = arith.constant 32 : index
        %swap3A_985 = tpu.vector_load %arg17[%swap3A_984] {strides = array<i32>} : memref<80xi32, #tpu.memory_space<vmem>>, vector<16xi32>,
        %swap3A_986 = vector.shape_cast %swap3A_985 : vector<16xi32> to vector<16xi32>
        %swap3A_987 = vector.shape_cast %get3A_983 : vector<16xi32> to vector<16xi32>
        tpu.vector_store %arg17[%swap3A_984], %swap3A_987 {strides = array<i32>} : memref<80xi32, #tpu.memory_space<vmem>>, vector<16xi32>,
        %mul3A_988 = arith.constant 80 : i32
        %mul3A_989 = arith.muli %add3A_954, %mul3A_988 : i32
        %add3A_990 = arith.constant 48 : i32
        %add3A_991 = arith.addi %mul3A_989, %add3A_990 : i32
        %get3A_992 = arith.index_cast %add3A_991 : i32 to index
        %get3A_993 = tpu.vector_load %arg8[%get3A_992] {strides = array<i32>} : memref<2000xi32, #tpu.memory_space<vmem>>, vector<16xi32>,
        %get3A_994 = vector.shape_cast %get3A_993 : vector<16xi32> to vector<16xi32>
        %swap3A_995 = arith.constant 48 : index
        %swap3A_996 = tpu.vector_load %arg17[%swap3A_995] {strides = array<i32>} : memref<80xi32, #tpu.memory_space<vmem>>, vector<16xi32>,
        %swap3A_997 = vector.shape_cast %swap3A_996 : vector<16xi32> to vector<16xi32>
        %swap3A_998 = vector.shape_cast %get3A_994 : vector<16xi32> to vector<16xi32>
        tpu.vector_store %arg17[%swap3A_995], %swap3A_998 {strides = array<i32>} : memref<80xi32, #tpu.memory_space<vmem>>, vector<16xi32>,
        %mul3A_999 = arith.constant 80 : i32
        %mul3A_1000 = arith.muli %add3A_954, %mul3A_999 : i32
        %add3A_1001 = arith.constant 64 : i32
        %add3A_1002 = arith.addi %mul3A_1000, %add3A_1001 : i32
        %get3A_1003 = arith.index_cast %add3A_1002 : i32 to index
        %get3A_1004 = tpu.vector_load %arg8[%get3A_1003] {strides = array<i32>} : memref<2000xi32, #tpu.memory_space<vmem>>, vector<16xi32>,
        %get3A_1005 = vector.shape_cast %get3A_1004 : vector<16xi32> to vector<16xi32>
        %swap3A_1006 = arith.constant 64 : index
        %swap3A_1007 = tpu.vector_load %arg17[%swap3A_1006] {strides = array<i32>} : memref<80xi32, #tpu.memory_space<vmem>>, vector<16xi32>,
        %swap3A_1008 = vector.shape_cast %swap3A_1007 : vector<16xi32> to vector<16xi32>
        %swap3A_1009 = vector.shape_cast %get3A_1005 : vector<16xi32> to vector<16xi32>
        tpu.vector_store %arg17[%swap3A_1006], %swap3A_1009 {strides = array<i32>} : memref<80xi32, #tpu.memory_space<vmem>>, vector<16xi32>,
        %mul3A_1010 = arith.constant 80 : i32
        %mul3A_1011 = arith.muli %add3A_954, %mul3A_1010 : i32
        %dma_start3A_1012 = tpu.memref_slice %arg6[%mul3A_1011] : memref<2000xi32, #tpu.memory_space<vmem>> -> memref<80xi32, #tpu.memory_space<vmem>>
        %dma_start3A_1013 = arith.constant 0 : i32
        %dma_start3A_1014 = arith.constant 0 : i32
        %dma_start3A_1015 = tpu.memref_slice %arg2[%dma_start3A_1013, %dma_start3A_1014] : memref<80000x128xf32, #tpu.memory_space<hbm>> -> memref<80000x128xf32, #tpu.memory_space<hbm>>
        tpu.enqueue_indirect_dma source(%dma_start3A_1015 : memref<80000x128xf32, #tpu.memory_space<hbm>>) target(%arg14 : memref<80x128xf32, #tpu.memory_space<vmem>>) offsets(%dma_start3A_1012 : memref<80xi32, #tpu.memory_space<vmem>>) semaphore(%arg23 : memref<!tpu.dma_semaphore, #tpu.memory_space<semaphore_mem>>)
        %add3A_1016 = arith.constant 2 : i32
        %add3A_1017 = arith.addi %add3A_865, %add3A_1016 : i32
        %dma_wait3A_1018 = arith.constant 0 : i32
        %dma_wait3A_1019 = tpu.memref_slice %arg6[%dma_wait3A_1018] : memref<2000xi32, #tpu.memory_space<vmem>> -> memref<80xi32, #tpu.memory_space<vmem>>
        %dma_wait3A_1020 = arith.constant 0 : i32
        %dma_wait3A_1021 = arith.constant 0 : i32
        %dma_wait3A_1022 = tpu.memref_slice %arg2[%dma_wait3A_1020, %dma_wait3A_1021] : memref<80000x128xf32, #tpu.memory_space<hbm>> -> memref<80000x128xf32, #tpu.memory_space<hbm>>
        tpu.wait_indirect_dma semaphore(%arg22 : memref<!tpu.dma_semaphore, #tpu.memory_space<semaphore_mem>>) src(%dma_wait3A_1022 : memref<80000x128xf32, #tpu.memory_space<hbm>>) dst(%arg13 : memref<80x128xf32, #tpu.memory_space<vmem>>)
        %dma_start3A_1023 = arith.constant 0 : i32
        %dma_start3A_1024 = arith.constant 0 : i32
        %dma_start3A_1025 = tpu.memref_slice %arg18[%dma_start3A_1023, %dma_start3A_1024] : memref<10240x128xf32, #tpu.memory_space<vmem_shared>> -> memref<10240x128xf32, #tpu.memory_space<vmem_shared>>
        tpu.enqueue_indirect_dma source(%arg13 : memref<80x128xf32, #tpu.memory_space<vmem>>) target(%dma_start3A_1025 : memref<10240x128xf32, #tpu.memory_space<vmem_shared>>) offsets(%arg16 : memref<80xi32, #tpu.memory_space<vmem>>) semaphore(%arg25 : memref<!tpu.dma_semaphore, #tpu.memory_space<semaphore_mem>>) {add = true}
        %dma_wait3A_1026 = arith.constant 0 : i32
        %dma_wait3A_1027 = arith.constant 0 : i32
        %dma_wait3A_1028 = tpu.memref_slice %arg18[%dma_wait3A_1026, %dma_wait3A_1027] : memref<10240x128xf32, #tpu.memory_space<vmem_shared>> -> memref<10240x128xf32, #tpu.memory_space<vmem_shared>>
        tpu.wait_indirect_dma semaphore(%arg24 : memref<!tpu.dma_semaphore, #tpu.memory_space<semaphore_mem>>) src(%arg12 : memref<80x128xf32, #tpu.memory_space<vmem>>) dst(%dma_wait3A_1028 : memref<10240x128xf32, #tpu.memory_space<vmem_shared>>)
        %add3A_1029 = arith.constant 4 : i32
        %add3A_1030 = arith.addi %add3A_865, %add3A_1029 : i32
        %mul3A_1031 = arith.constant 80 : i32
        %mul3A_1032 = arith.muli %add3A_1030, %mul3A_1031 : i32
        %add3A_1033 = arith.constant 0 : i32
        %add3A_1034 = arith.addi %mul3A_1032, %add3A_1033 : i32
        %get3A_1035 = arith.index_cast %add3A_1034 : i32 to index
        %get3A_1036 = tpu.vector_load %arg8[%get3A_1035] {strides = array<i32>} : memref<2000xi32, #tpu.memory_space<vmem>>, vector<16xi32>,
        %get3A_1037 = vector.shape_cast %get3A_1036 : vector<16xi32> to vector<16xi32>
        %swap3A_1038 = arith.constant 0 : index
        %swap3A_1039 = tpu.vector_load %arg15[%swap3A_1038] {strides = array<i32>} : memref<80xi32, #tpu.memory_space<vmem>>, vector<16xi32>,
        %swap3A_1040 = vector.shape_cast %swap3A_1039 : vector<16xi32> to vector<16xi32>
        %swap3A_1041 = vector.shape_cast %get3A_1037 : vector<16xi32> to vector<16xi32>
        tpu.vector_store %arg15[%swap3A_1038], %swap3A_1041 {strides = array<i32>} : memref<80xi32, #tpu.memory_space<vmem>>, vector<16xi32>,
        %mul3A_1042 = arith.constant 80 : i32
        %mul3A_1043 = arith.muli %add3A_1030, %mul3A_1042 : i32
        %add3A_1044 = arith.constant 16 : i32
        %add3A_1045 = arith.addi %mul3A_1043, %add3A_1044 : i32
        %get3A_1046 = arith.index_cast %add3A_1045 : i32 to index
        %get3A_1047 = tpu.vector_load %arg8[%get3A_1046] {strides = array<i32>} : memref<2000xi32, #tpu.memory_space<vmem>>, vector<16xi32>,
        %get3A_1048 = vector.shape_cast %get3A_1047 : vector<16xi32> to vector<16xi32>
        %swap3A_1049 = arith.constant 16 : index
        %swap3A_1050 = tpu.vector_load %arg15[%swap3A_1049] {strides = array<i32>} : memref<80xi32, #tpu.memory_space<vmem>>, vector<16xi32>,
        %swap3A_1051 = vector.shape_cast %swap3A_1050 : vector<16xi32> to vector<16xi32>
        %swap3A_1052 = vector.shape_cast %get3A_1048 : vector<16xi32> to vector<16xi32>
        tpu.vector_store %arg15[%swap3A_1049], %swap3A_1052 {strides = array<i32>} : memref<80xi32, #tpu.memory_space<vmem>>, vector<16xi32>,
        %mul3A_1053 = arith.constant 80 : i32
        %mul3A_1054 = arith.muli %add3A_1030, %mul3A_1053 : i32
        %add3A_1055 = arith.constant 32 : i32
        %add3A_1056 = arith.addi %mul3A_1054, %add3A_1055 : i32
        %get3A_1057 = arith.index_cast %add3A_1056 : i32 to index
        %get3A_1058 = tpu.vector_load %arg8[%get3A_1057] {strides = array<i32>} : memref<2000xi32, #tpu.memory_space<vmem>>, vector<16xi32>,
        %get3A_1059 = vector.shape_cast %get3A_1058 : vector<16xi32> to vector<16xi32>
        %swap3A_1060 = arith.constant 32 : index
        %swap3A_1061 = tpu.vector_load %arg15[%swap3A_1060] {strides = array<i32>} : memref<80xi32, #tpu.memory_space<vmem>>, vector<16xi32>,
        %swap3A_1062 = vector.shape_cast %swap3A_1061 : vector<16xi32> to vector<16xi32>
        %swap3A_1063 = vector.shape_cast %get3A_1059 : vector<16xi32> to vector<16xi32>
        tpu.vector_store %arg15[%swap3A_1060], %swap3A_1063 {strides = array<i32>} : memref<80xi32, #tpu.memory_space<vmem>>, vector<16xi32>,
        %mul3A_1064 = arith.constant 80 : i32
        %mul3A_1065 = arith.muli %add3A_1030, %mul3A_1064 : i32
        %add3A_1066 = arith.constant 48 : i32
        %add3A_1067 = arith.addi %mul3A_1065, %add3A_1066 : i32
        %get3A_1068 = arith.index_cast %add3A_1067 : i32 to index
        %get3A_1069 = tpu.vector_load %arg8[%get3A_1068] {strides = array<i32>} : memref<2000xi32, #tpu.memory_space<vmem>>, vector<16xi32>,
        %get3A_1070 = vector.shape_cast %get3A_1069 : vector<16xi32> to vector<16xi32>
        %swap3A_1071 = arith.constant 48 : index
        %swap3A_1072 = tpu.vector_load %arg15[%swap3A_1071] {strides = array<i32>} : memref<80xi32, #tpu.memory_space<vmem>>, vector<16xi32>,
        %swap3A_1073 = vector.shape_cast %swap3A_1072 : vector<16xi32> to vector<16xi32>
        %swap3A_1074 = vector.shape_cast %get3A_1070 : vector<16xi32> to vector<16xi32>
        tpu.vector_store %arg15[%swap3A_1071], %swap3A_1074 {strides = array<i32>} : memref<80xi32, #tpu.memory_space<vmem>>, vector<16xi32>,
        %mul3A_1075 = arith.constant 80 : i32
        %mul3A_1076 = arith.muli %add3A_1030, %mul3A_1075 : i32
        %add3A_1077 = arith.constant 64 : i32
        %add3A_1078 = arith.addi %mul3A_1076, %add3A_1077 : i32
        %get3A_1079 = arith.index_cast %add3A_1078 : i32 to index
        %get3A_1080 = tpu.vector_load %arg8[%get3A_1079] {strides = array<i32>} : memref<2000xi32, #tpu.memory_space<vmem>>, vector<16xi32>,
        %get3A_1081 = vector.shape_cast %get3A_1080 : vector<16xi32> to vector<16xi32>
        %swap3A_1082 = arith.constant 64 : index
        %swap3A_1083 = tpu.vector_load %arg15[%swap3A_1082] {strides = array<i32>} : memref<80xi32, #tpu.memory_space<vmem>>, vector<16xi32>,
        %swap3A_1084 = vector.shape_cast %swap3A_1083 : vector<16xi32> to vector<16xi32>
        %swap3A_1085 = vector.shape_cast %get3A_1081 : vector<16xi32> to vector<16xi32>
        tpu.vector_store %arg15[%swap3A_1082], %swap3A_1085 {strides = array<i32>} : memref<80xi32, #tpu.memory_space<vmem>>, vector<16xi32>,
        %mul3A_1086 = arith.constant 80 : i32
        %mul3A_1087 = arith.muli %add3A_1030, %mul3A_1086 : i32
        %dma_start3A_1088 = tpu.memref_slice %arg6[%mul3A_1087] : memref<2000xi32, #tpu.memory_space<vmem>> -> memref<80xi32, #tpu.memory_space<vmem>>
        %dma_start3A_1089 = arith.constant 0 : i32
        %dma_start3A_1090 = arith.constant 0 : i32
        %dma_start3A_1091 = tpu.memref_slice %arg2[%dma_start3A_1089, %dma_start3A_1090] : memref<80000x128xf32, #tpu.memory_space<hbm>> -> memref<80000x128xf32, #tpu.memory_space<hbm>>
        tpu.enqueue_indirect_dma source(%dma_start3A_1091 : memref<80000x128xf32, #tpu.memory_space<hbm>>) target(%arg12 : memref<80x128xf32, #tpu.memory_space<vmem>>) offsets(%dma_start3A_1088 : memref<80xi32, #tpu.memory_space<vmem>>) semaphore(%arg21 : memref<!tpu.dma_semaphore, #tpu.memory_space<semaphore_mem>>)
      }
      %scan3A_844 = arith.constant 7 : i32
      %dma_wait3A_845 = arith.constant 0 : i32
      %dma_wait3A_846 = tpu.memref_slice %arg6[%dma_wait3A_845] : memref<2000xi32, #tpu.memory_space<vmem>> -> memref<80xi32, #tpu.memory_space<vmem>>
      %dma_wait3A_847 = arith.constant 0 : i32
      %dma_wait3A_848 = arith.constant 0 : i32
      %dma_wait3A_849 = tpu.memref_slice %arg2[%dma_wait3A_847, %dma_wait3A_848] : memref<80000x128xf32, #tpu.memory_space<hbm>> -> memref<80000x128xf32, #tpu.memory_space<hbm>>
      tpu.wait_indirect_dma semaphore(%arg23 : memref<!tpu.dma_semaphore, #tpu.memory_space<semaphore_mem>>) src(%dma_wait3A_849 : memref<80000x128xf32, #tpu.memory_space<hbm>>) dst(%arg14 : memref<80x128xf32, #tpu.memory_space<vmem>>)
      %dma_start3A_850 = arith.constant 0 : i32
      %dma_start3A_851 = arith.constant 0 : i32
      %dma_start3A_852 = tpu.memref_slice %arg18[%dma_start3A_850, %dma_start3A_851] : memref<10240x128xf32, #tpu.memory_space<vmem_shared>> -> memref<10240x128xf32, #tpu.memory_space<vmem_shared>>
      tpu.enqueue_indirect_dma source(%arg14 : memref<80x128xf32, #tpu.memory_space<vmem>>) target(%dma_start3A_852 : memref<10240x128xf32, #tpu.memory_space<vmem_shared>>) offsets(%arg17 : memref<80xi32, #tpu.memory_space<vmem>>) semaphore(%arg26 : memref<!tpu.dma_semaphore, #tpu.memory_space<semaphore_mem>>) {add = true}
      %dma_wait3A_853 = arith.constant 0 : i32
      %dma_wait3A_854 = tpu.memref_slice %arg6[%dma_wait3A_853] : memref<2000xi32, #tpu.memory_space<vmem>> -> memref<80xi32, #tpu.memory_space<vmem>>
      %dma_wait3A_855 = arith.constant 0 : i32
      %dma_wait3A_856 = arith.constant 0 : i32
      %dma_wait3A_857 = tpu.memref_slice %arg2[%dma_wait3A_855, %dma_wait3A_856] : memref<80000x128xf32, #tpu.memory_space<hbm>> -> memref<80000x128xf32, #tpu.memory_space<hbm>>
      tpu.wait_indirect_dma semaphore(%arg21 : memref<!tpu.dma_semaphore, #tpu.memory_space<semaphore_mem>>) src(%dma_wait3A_857 : memref<80000x128xf32, #tpu.memory_space<hbm>>) dst(%arg12 : memref<80x128xf32, #tpu.memory_space<vmem>>)
      %dma_start3A_858 = arith.constant 0 : i32
      %dma_start3A_859 = arith.constant 0 : i32
      %dma_start3A_860 = tpu.memref_slice %arg18[%dma_start3A_858, %dma_start3A_859] : memref<10240x128xf32, #tpu.memory_space<vmem_shared>> -> memref<10240x128xf32, #tpu.memory_space<vmem_shared>>
      tpu.enqueue_indirect_dma source(%arg12 : memref<80x128xf32, #tpu.memory_space<vmem>>) target(%dma_start3A_860 : memref<10240x128xf32, #tpu.memory_space<vmem_shared>>) offsets(%arg15 : memref<80xi32, #tpu.memory_space<vmem>>) semaphore(%arg24 : memref<!tpu.dma_semaphore, #tpu.memory_space<semaphore_mem>>) {add = true}
    }
    %scan3A_372 = arith.constant 2 : i32
    %dma_wait3A_373 = arith.constant 0 : i32
    %dma_wait3A_374 = arith.constant 0 : i32
    %dma_wait3A_375 = tpu.memref_slice %arg18[%dma_wait3A_373, %dma_wait3A_374] : memref<10240x128xf32, #tpu.memory_space<vmem_shared>> -> memref<10240x128xf32, #tpu.memory_space<vmem_shared>>
    tpu.wait_indirect_dma semaphore(%arg25 : memref<!tpu.dma_semaphore, #tpu.memory_space<semaphore_mem>>) src(%arg13 : memref<80x128xf32, #tpu.memory_space<vmem>>) dst(%dma_wait3A_375 : memref<10240x128xf32, #tpu.memory_space<vmem_shared>>)
    %dma_wait3A_376 = arith.constant 0 : i32
    %dma_wait3A_377 = arith.constant 0 : i32
    %dma_wait3A_378 = tpu.memref_slice %arg18[%dma_wait3A_376, %dma_wait3A_377] : memref<10240x128xf32, #tpu.memory_space<vmem_shared>> -> memref<10240x128xf32, #tpu.memory_space<vmem_shared>>
    tpu.wait_indirect_dma semaphore(%arg26 : memref<!tpu.dma_semaphore, #tpu.memory_space<semaphore_mem>>) src(%arg14 : memref<80x128xf32, #tpu.memory_space<vmem>>) dst(%dma_wait3A_378 : memref<10240x128xf32, #tpu.memory_space<vmem_shared>>)
    %dma_wait3A_379 = arith.constant 0 : i32
    %dma_wait3A_380 = arith.constant 0 : i32
    %dma_wait3A_381 = tpu.memref_slice %arg18[%dma_wait3A_379, %dma_wait3A_380] : memref<10240x128xf32, #tpu.memory_space<vmem_shared>> -> memref<10240x128xf32, #tpu.memory_space<vmem_shared>>
    tpu.wait_indirect_dma semaphore(%arg24 : memref<!tpu.dma_semaphore, #tpu.memory_space<semaphore_mem>>) src(%arg12 : memref<80x128xf32, #tpu.memory_space<vmem>>) dst(%dma_wait3A_381 : memref<10240x128xf32, #tpu.memory_space<vmem_shared>>)
    %barrier3A_382 = arith.constant 0 : index
    tpu.barrier barrier_id(%barrier3A_382)
    %mul3A_383 = arith.constant 640 : i32
    %mul3A_384 = arith.muli %arg1, %mul3A_383 : i32
    %mul3A_385 = arith.constant 640 : i32
    %mul3A_386 = arith.muli %arg1, %mul3A_385 : i32
    "tpu.region"() ({
      %run_scoped3A = tpu.sem_alloc : memref<!tpu.dma_semaphore, #tpu.memory_space<semaphore_mem>>
      %dma_start3A_387 = arith.constant 0 : i32
      %dma_start3A_388 = tpu.memref_slice %arg5[%arg0, %mul3A_386, %dma_start3A_387] : memref<2x10240x128xf32, #tpu.memory_space<hbm>> -> memref<1x640x128xf32, #tpu.memory_space<hbm>>
      %dma_start3A_389 = tpu.memref_squeeze %dma_start3A_388 : memref<1x640x128xf32, #tpu.memory_space<hbm>> -> memref<640x128xf32, #tpu.memory_space<hbm>>
      %dma_start3A_390 = arith.constant 0 : i32
      %dma_start3A_391 = tpu.memref_slice %arg18[%mul3A_384, %dma_start3A_390] : memref<10240x128xf32, #tpu.memory_space<vmem_shared>> -> memref<640x128xf32, #tpu.memory_space<vmem_shared>>
      tpu.enqueue_dma source(%dma_start3A_391 : memref<640x128xf32, #tpu.memory_space<vmem_shared>>) target(%dma_start3A_389 : memref<640x128xf32, #tpu.memory_space<hbm>>) target_semaphore(%run_scoped3A : memref<!tpu.dma_semaphore, #tpu.memory_space<semaphore_mem>>)
      %dma_wait3A_392 = arith.constant 0 : i32
      %dma_wait3A_393 = tpu.memref_slice %arg5[%arg0, %mul3A_386, %dma_wait3A_392] : memref<2x10240x128xf32, #tpu.memory_space<hbm>> -> memref<1x640x128xf32, #tpu.memory_space<hbm>>
      %dma_wait3A_394 = tpu.memref_squeeze %dma_wait3A_393 : memref<1x640x128xf32, #tpu.memory_space<hbm>> -> memref<640x128xf32, #tpu.memory_space<hbm>>
      %dma_wait3A_395 = arith.constant 0 : i32
      %dma_wait3A_396 = tpu.memref_slice %arg18[%mul3A_384, %dma_wait3A_395] : memref<10240x128xf32, #tpu.memory_space<vmem_shared>> -> memref<640x128xf32, #tpu.memory_space<vmem_shared>>
      tpu.wait_dma2 semaphore(%run_scoped3A : memref<!tpu.dma_semaphore, #tpu.memory_space<semaphore_mem>>) src(%dma_wait3A_396 : memref<640x128xf32, #tpu.memory_space<vmem_shared>>) dst(%dma_wait3A_394 : memref<640x128xf32, #tpu.memory_space<hbm>>)
      tpu.yield
    }) : () -> ()
    return
  }
}

module attributes {stable_mosaic.version = 14 : i64} {
  func.func @_combine_body(%arg0: i32, %arg1: memref<2x2000x128xf32, #tpu.memory_space<vmem>>, %arg2: memref<2000x128xf32, #tpu.memory_space<vmem>>) attributes {dimension_semantics = [#tpu.dimension_semantics<arbitrary>], iteration_bounds = array<i64: 5>, scalar_prefetch = 0 : i64, scratch_operands = 0 : i64, tpu.core_type = #tpu.core_type<tc>, window_params = [{transform_indices = @transform_0, window_bounds = array<i64: 2, 2000, 128>}, {transform_indices = @transform_1, window_bounds = array<i64: 2000, 128>}]} {
    %get3A = arith.constant 0 : index
    %get3A_0 = arith.constant 0 : index
    %get3A_1 = arith.constant 0 : index
    %get3A_2 = vector.load %arg1[%get3A, %get3A_0, %get3A_1] : memref<2x2000x128xf32, #tpu.memory_space<vmem>>, vector<1x2000x128xf32>
    %get3A_3 = vector.shape_cast %get3A_2 : vector<1x2000x128xf32> to vector<2000x128xf32>
    %get3A_4 = arith.constant 1 : index
    %get3A_5 = arith.constant 0 : index
    %get3A_6 = arith.constant 0 : index
    %get3A_7 = vector.load %arg1[%get3A_4, %get3A_5, %get3A_6] : memref<2x2000x128xf32, #tpu.memory_space<vmem>>, vector<1x2000x128xf32>
    %get3A_8 = vector.shape_cast %get3A_7 : vector<1x2000x128xf32> to vector<2000x128xf32>
    %add3A = arith.addf %get3A_3, %get3A_8 : vector<2000x128xf32>
    %swap3A = arith.constant 0 : index
    %swap3A_9 = arith.constant 0 : index
    %swap3A_10 = vector.load %arg2[%swap3A, %swap3A_9] : memref<2000x128xf32, #tpu.memory_space<vmem>>, vector<2000x128xf32>
    tpu.vector_store %arg2[%swap3A, %swap3A_9], %add3A {strides = array<i32>} : memref<2000x128xf32, #tpu.memory_space<vmem>>, vector<2000x128xf32>,
    return
  }
  func.func @transform_0(%arg0: i32) -> (i32, i32, i32) {
    %c0_i32 = arith.constant 0 : i32
    %c0_i32_0 = arith.constant 0 : i32
    %c0_i32_1 = arith.constant 0 : i32
    return %c0_i32, %arg0, %c0_i32_0 : i32, i32, i32
  }
  func.func @transform_1(%arg0: i32) -> (i32, i32) {
    %c0_i32 = arith.constant 0 : i32
    %c0_i32_0 = arith.constant 0 : i32
    return %arg0, %c0_i32 : i32, i32
  }
}

module attributes {stable_mosaic.version = 14 : i64} {
  func.func @_xw_body(%arg0: i32, %arg1: memref<2000x128xf32, #tpu.memory_space<vmem>>, %arg2: memref<512x128xf32, #tpu.memory_space<vmem>>, %arg3: memref<8x4xf32, #tpu.memory_space<smem>>, %arg4: memref<8x2000x128xf32, #tpu.memory_space<vmem>>, %arg5: memref<1024x128xbf16, #tpu.memory_space<vmem>>) attributes {dimension_semantics = [#tpu.dimension_semantics<arbitrary>], iteration_bounds = array<i64: 5>, scalar_prefetch = 0 : i64, scratch_operands = 1 : i64, tpu.core_type = #tpu.core_type<tc>, window_params = [{transform_indices = @transform_0, window_bounds = array<i64: 2000, 128>}, {pipeline_mode = #tpu.pipeline_mode<synchronous>, transform_indices = @transform_1, window_bounds = array<i64: 512, 128>}, {transform_indices = @transform_2, window_bounds = array<i64: 8, 4>}, {transform_indices = @transform_3, window_bounds = array<i64: 8, 2000, 128>}]} {
    %eq3A = arith.constant 0 : i32
    %eq3A_0 = arith.cmpi eq, %arg0, %eq3A : i32
    %convert_element_type3A = arith.extui %eq3A_0 : i1 to i32
    %cond3A = arith.constant 0 : i32
    %cond3A_1 = arith.cmpi ne, %convert_element_type3A, %cond3A : i32
    scf.if %cond3A_1 {
      %iota3A = tpu.iota {dimensions = array<i32: 0>} : vector<1024x512xi32>
      %iota3A_91 = tpu.iota {dimensions = array<i32: 1>} : vector<1024x512xi32>
      %jit3A = arith.constant 8 : i32
      %div3A = vector.broadcast %jit3A : i32 to vector<1024x512xi32>
      %div3A_92 = arith.divsi %iota3A, %div3A : vector<1024x512xi32>
      %sign3A = arith.constant 0 : i32
      %sign3A_93 = vector.broadcast %sign3A : i32 to vector<1024x512xi32>
      %sign3A_94 = arith.cmpi sgt, %iota3A, %sign3A_93 : vector<1024x512xi32>
      %sign3A_95 = arith.extui %sign3A_94 : vector<1024x512xi1> to vector<1024x512xi32>
      %sign3A_96 = arith.constant 0 : i32
      %sign3A_97 = vector.broadcast %sign3A_96 : i32 to vector<1024x512xi32>
      %sign3A_98 = arith.cmpi slt, %iota3A, %sign3A_97 : vector<1024x512xi32>
      %sign3A_99 = arith.extui %sign3A_98 : vector<1024x512xi1> to vector<1024x512xi32>
      %sign3A_100 = arith.subi %sign3A_95, %sign3A_99 : vector<1024x512xi32>
      %sign3A_101 = arith.constant 0 : i32
      %sign3A_102 = arith.cmpi sgt, %jit3A, %sign3A_101 : i32
      %sign3A_103 = arith.extui %sign3A_102 : i1 to i32
      %sign3A_104 = arith.constant 0 : i32
      %sign3A_105 = arith.cmpi slt, %jit3A, %sign3A_104 : i32
      %sign3A_106 = arith.extui %sign3A_105 : i1 to i32
      %sign3A_107 = arith.subi %sign3A_103, %sign3A_106 : i32
      %ne3A = vector.broadcast %sign3A_107 : i32 to vector<1024x512xi32>
      %ne3A_108 = arith.cmpi ne, %sign3A_100, %ne3A : vector<1024x512xi32>
      %rem3A = vector.broadcast %jit3A : i32 to vector<1024x512xi32>
      %rem3A_109 = arith.remsi %iota3A, %rem3A : vector<1024x512xi32>
      %ne3A_110 = arith.constant 0 : i32
      %ne3A_111 = vector.broadcast %ne3A_110 : i32 to vector<1024x512xi32>
      %ne3A_112 = arith.cmpi ne, %rem3A_109, %ne3A_111 : vector<1024x512xi32>
      %and3A = arith.andi %ne3A_108, %ne3A_112 : vector<1024x512xi1>
      %sub3A = arith.constant 1 : i32
      %sub3A_113 = vector.broadcast %sub3A : i32 to vector<1024x512xi32>
      %sub3A_114 = arith.subi %div3A_92, %sub3A_113 : vector<1024x512xi32>
      %select_n3A = arith.select %and3A, %sub3A_114, %div3A_92 : vector<1024x512xi1>, vector<1024x512xi32>
      %jit3A_115 = arith.constant 4 : i32
      %div3A_116 = vector.broadcast %jit3A_115 : i32 to vector<1024x512xi32>
      %div3A_117 = arith.divsi %iota3A_91, %div3A_116 : vector<1024x512xi32>
      %sign3A_118 = arith.constant 0 : i32
      %sign3A_119 = vector.broadcast %sign3A_118 : i32 to vector<1024x512xi32>
      %sign3A_120 = arith.cmpi sgt, %iota3A_91, %sign3A_119 : vector<1024x512xi32>
      %sign3A_121 = arith.extui %sign3A_120 : vector<1024x512xi1> to vector<1024x512xi32>
      %sign3A_122 = arith.constant 0 : i32
      %sign3A_123 = vector.broadcast %sign3A_122 : i32 to vector<1024x512xi32>
      %sign3A_124 = arith.cmpi slt, %iota3A_91, %sign3A_123 : vector<1024x512xi32>
      %sign3A_125 = arith.extui %sign3A_124 : vector<1024x512xi1> to vector<1024x512xi32>
      %sign3A_126 = arith.subi %sign3A_121, %sign3A_125 : vector<1024x512xi32>
      %sign3A_127 = arith.constant 0 : i32
      %sign3A_128 = arith.cmpi sgt, %jit3A_115, %sign3A_127 : i32
      %sign3A_129 = arith.extui %sign3A_128 : i1 to i32
      %sign3A_130 = arith.constant 0 : i32
      %sign3A_131 = arith.cmpi slt, %jit3A_115, %sign3A_130 : i32
      %sign3A_132 = arith.extui %sign3A_131 : i1 to i32
      %sign3A_133 = arith.subi %sign3A_129, %sign3A_132 : i32
      %ne3A_134 = vector.broadcast %sign3A_133 : i32 to vector<1024x512xi32>
      %ne3A_135 = arith.cmpi ne, %sign3A_126, %ne3A_134 : vector<1024x512xi32>
      %rem3A_136 = vector.broadcast %jit3A_115 : i32 to vector<1024x512xi32>
      %rem3A_137 = arith.remsi %iota3A_91, %rem3A_136 : vector<1024x512xi32>
      %ne3A_138 = arith.constant 0 : i32
      %ne3A_139 = vector.broadcast %ne3A_138 : i32 to vector<1024x512xi32>
      %ne3A_140 = arith.cmpi ne, %rem3A_137, %ne3A_139 : vector<1024x512xi32>
      %and3A_141 = arith.andi %ne3A_135, %ne3A_140 : vector<1024x512xi1>
      %sub3A_142 = arith.constant 1 : i32
      %sub3A_143 = vector.broadcast %sub3A_142 : i32 to vector<1024x512xi32>
      %sub3A_144 = arith.subi %div3A_117, %sub3A_143 : vector<1024x512xi32>
      %select_n3A_145 = arith.select %and3A_141, %sub3A_144, %div3A_117 : vector<1024x512xi1>, vector<1024x512xi32>
      %eq3A_146 = arith.cmpi eq, %select_n3A, %select_n3A_145 : vector<1024x512xi32>
      %convert_element_type3A_147 = arith.extui %eq3A_146 : vector<1024x512xi1> to vector<1024x512xi32>
      %convert_element_type3A_148 = arith.sitofp %convert_element_type3A_147 : vector<1024x512xi32> to vector<1024x512xf32>
      %iota3A_149 = tpu.iota {dimensions = array<i32: 0>} : vector<1024x8xi32>
      %iota3A_150 = tpu.iota {dimensions = array<i32: 1>} : vector<1024x8xi32>
      %rem3A_151 = arith.constant 8 : i32
      %rem3A_152 = vector.broadcast %rem3A_151 : i32 to vector<1024x8xi32>
      %rem3A_153 = arith.remsi %iota3A_149, %rem3A_152 : vector<1024x8xi32>
      %eq3A_154 = arith.cmpi eq, %rem3A_153, %iota3A_150 : vector<1024x8xi32>
      %convert_element_type3A_155 = arith.extui %eq3A_154 : vector<1024x8xi1> to vector<1024x8xi32>
      %convert_element_type3A_156 = arith.sitofp %convert_element_type3A_155 : vector<1024x8xi32> to vector<1024x8xf32>
      %iota3A_157 = tpu.iota {dimensions = array<i32: 0>} : vector<8x512xi32>
      %iota3A_158 = tpu.iota {dimensions = array<i32: 1>} : vector<8x512xi32>
      %rem3A_159 = arith.constant 4 : i32
      %rem3A_160 = vector.broadcast %rem3A_159 : i32 to vector<8x512xi32>
      %rem3A_161 = arith.remsi %iota3A_158, %rem3A_160 : vector<8x512xi32>
      %broadcast_in_dim3A = arith.constant 0.000000e+00 : f32
      %broadcast_in_dim3A_162 = vector.broadcast %broadcast_in_dim3A : f32 to vector<8x512xf32>
      %eq3A_163 = arith.constant 0 : i32
      %eq3A_164 = vector.broadcast %eq3A_163 : i32 to vector<8x512xi32>
      %eq3A_165 = arith.cmpi eq, %iota3A_157, %eq3A_164 : vector<8x512xi32>
      %eq3A_166 = arith.constant 0 : i32
      %eq3A_167 = vector.broadcast %eq3A_166 : i32 to vector<8x512xi32>
      %eq3A_168 = arith.cmpi eq, %rem3A_161, %eq3A_167 : vector<8x512xi32>
      %and3A_169 = arith.andi %eq3A_165, %eq3A_168 : vector<8x512xi1>
      %get3A_170 = arith.constant 0 : index
      %get3A_171 = arith.constant 0 : index
      %get3A_172 = memref.load %arg3[%get3A_170, %get3A_171] : memref<8x4xf32, #tpu.memory_space<smem>>
      %jit3A_173 = arith.constant 0.000000e+00 : f32
      %broadcast_in_dim3A_174 = vector.broadcast %get3A_172 : f32 to vector<8x512xf32>
      %broadcast_in_dim3A_175 = vector.broadcast %jit3A_173 : f32 to vector<8x512xf32>
      %select_n3A_176 = arith.select %and3A_169, %broadcast_in_dim3A_174, %broadcast_in_dim3A_175 : vector<8x512xi1>, vector<8x512xf32>
      %add3A = arith.addf %broadcast_in_dim3A_162, %select_n3A_176 : vector<8x512xf32>
      %eq3A_177 = arith.constant 0 : i32
      %eq3A_178 = vector.broadcast %eq3A_177 : i32 to vector<8x512xi32>
      %eq3A_179 = arith.cmpi eq, %iota3A_157, %eq3A_178 : vector<8x512xi32>
      %eq3A_180 = arith.constant 1 : i32
      %eq3A_181 = vector.broadcast %eq3A_180 : i32 to vector<8x512xi32>
      %eq3A_182 = arith.cmpi eq, %rem3A_161, %eq3A_181 : vector<8x512xi32>
      %and3A_183 = arith.andi %eq3A_179, %eq3A_182 : vector<8x512xi1>
      %get3A_184 = arith.constant 0 : index
      %get3A_185 = arith.constant 1 : index
      %get3A_186 = memref.load %arg3[%get3A_184, %get3A_185] : memref<8x4xf32, #tpu.memory_space<smem>>
      %jit3A_187 = arith.constant 0.000000e+00 : f32
      %broadcast_in_dim3A_188 = vector.broadcast %get3A_186 : f32 to vector<8x512xf32>
      %broadcast_in_dim3A_189 = vector.broadcast %jit3A_187 : f32 to vector<8x512xf32>
      %select_n3A_190 = arith.select %and3A_183, %broadcast_in_dim3A_188, %broadcast_in_dim3A_189 : vector<8x512xi1>, vector<8x512xf32>
      %add3A_191 = arith.addf %add3A, %select_n3A_190 : vector<8x512xf32>
      %eq3A_192 = arith.constant 0 : i32
      %eq3A_193 = vector.broadcast %eq3A_192 : i32 to vector<8x512xi32>
      %eq3A_194 = arith.cmpi eq, %iota3A_157, %eq3A_193 : vector<8x512xi32>
      %eq3A_195 = arith.constant 2 : i32
      %eq3A_196 = vector.broadcast %eq3A_195 : i32 to vector<8x512xi32>
      %eq3A_197 = arith.cmpi eq, %rem3A_161, %eq3A_196 : vector<8x512xi32>
      %and3A_198 = arith.andi %eq3A_194, %eq3A_197 : vector<8x512xi1>
      %get3A_199 = arith.constant 0 : index
      %get3A_200 = arith.constant 2 : index
      %get3A_201 = memref.load %arg3[%get3A_199, %get3A_200] : memref<8x4xf32, #tpu.memory_space<smem>>
      %jit3A_202 = arith.constant 0.000000e+00 : f32
      %broadcast_in_dim3A_203 = vector.broadcast %get3A_201 : f32 to vector<8x512xf32>
      %broadcast_in_dim3A_204 = vector.broadcast %jit3A_202 : f32 to vector<8x512xf32>
      %select_n3A_205 = arith.select %and3A_198, %broadcast_in_dim3A_203, %broadcast_in_dim3A_204 : vector<8x512xi1>, vector<8x512xf32>
      %add3A_206 = arith.addf %add3A_191, %select_n3A_205 : vector<8x512xf32>
      %eq3A_207 = arith.constant 0 : i32
      %eq3A_208 = vector.broadcast %eq3A_207 : i32 to vector<8x512xi32>
      %eq3A_209 = arith.cmpi eq, %iota3A_157, %eq3A_208 : vector<8x512xi32>
      %eq3A_210 = arith.constant 3 : i32
      %eq3A_211 = vector.broadcast %eq3A_210 : i32 to vector<8x512xi32>
      %eq3A_212 = arith.cmpi eq, %rem3A_161, %eq3A_211 : vector<8x512xi32>
      %and3A_213 = arith.andi %eq3A_209, %eq3A_212 : vector<8x512xi1>
      %get3A_214 = arith.constant 0 : index
      %get3A_215 = arith.constant 3 : index
      %get3A_216 = memref.load %arg3[%get3A_214, %get3A_215] : memref<8x4xf32, #tpu.memory_space<smem>>
      %jit3A_217 = arith.constant 0.000000e+00 : f32
      %broadcast_in_dim3A_218 = vector.broadcast %get3A_216 : f32 to vector<8x512xf32>
      %broadcast_in_dim3A_219 = vector.broadcast %jit3A_217 : f32 to vector<8x512xf32>
      %select_n3A_220 = arith.select %and3A_213, %broadcast_in_dim3A_218, %broadcast_in_dim3A_219 : vector<8x512xi1>, vector<8x512xf32>
      %add3A_221 = arith.addf %add3A_206, %select_n3A_220 : vector<8x512xf32>
      %eq3A_222 = arith.constant 1 : i32
      %eq3A_223 = vector.broadcast %eq3A_222 : i32 to vector<8x512xi32>
      %eq3A_224 = arith.cmpi eq, %iota3A_157, %eq3A_223 : vector<8x512xi32>
      %eq3A_225 = arith.constant 0 : i32
      %eq3A_226 = vector.broadcast %eq3A_225 : i32 to vector<8x512xi32>
      %eq3A_227 = arith.cmpi eq, %rem3A_161, %eq3A_226 : vector<8x512xi32>
      %and3A_228 = arith.andi %eq3A_224, %eq3A_227 : vector<8x512xi1>
      %get3A_229 = arith.constant 1 : index
      %get3A_230 = arith.constant 0 : index
      %get3A_231 = memref.load %arg3[%get3A_229, %get3A_230] : memref<8x4xf32, #tpu.memory_space<smem>>
      %jit3A_232 = arith.constant 0.000000e+00 : f32
      %broadcast_in_dim3A_233 = vector.broadcast %get3A_231 : f32 to vector<8x512xf32>
      %broadcast_in_dim3A_234 = vector.broadcast %jit3A_232 : f32 to vector<8x512xf32>
      %select_n3A_235 = arith.select %and3A_228, %broadcast_in_dim3A_233, %broadcast_in_dim3A_234 : vector<8x512xi1>, vector<8x512xf32>
      %add3A_236 = arith.addf %add3A_221, %select_n3A_235 : vector<8x512xf32>
      %eq3A_237 = arith.constant 1 : i32
      %eq3A_238 = vector.broadcast %eq3A_237 : i32 to vector<8x512xi32>
      %eq3A_239 = arith.cmpi eq, %iota3A_157, %eq3A_238 : vector<8x512xi32>
      %eq3A_240 = arith.constant 1 : i32
      %eq3A_241 = vector.broadcast %eq3A_240 : i32 to vector<8x512xi32>
      %eq3A_242 = arith.cmpi eq, %rem3A_161, %eq3A_241 : vector<8x512xi32>
      %and3A_243 = arith.andi %eq3A_239, %eq3A_242 : vector<8x512xi1>
      %get3A_244 = arith.constant 1 : index
      %get3A_245 = arith.constant 1 : index
      %get3A_246 = memref.load %arg3[%get3A_244, %get3A_245] : memref<8x4xf32, #tpu.memory_space<smem>>
      %jit3A_247 = arith.constant 0.000000e+00 : f32
      %broadcast_in_dim3A_248 = vector.broadcast %get3A_246 : f32 to vector<8x512xf32>
      %broadcast_in_dim3A_249 = vector.broadcast %jit3A_247 : f32 to vector<8x512xf32>
      %select_n3A_250 = arith.select %and3A_243, %broadcast_in_dim3A_248, %broadcast_in_dim3A_249 : vector<8x512xi1>, vector<8x512xf32>
      %add3A_251 = arith.addf %add3A_236, %select_n3A_250 : vector<8x512xf32>
      %eq3A_252 = arith.constant 1 : i32
      %eq3A_253 = vector.broadcast %eq3A_252 : i32 to vector<8x512xi32>
      %eq3A_254 = arith.cmpi eq, %iota3A_157, %eq3A_253 : vector<8x512xi32>
      %eq3A_255 = arith.constant 2 : i32
      %eq3A_256 = vector.broadcast %eq3A_255 : i32 to vector<8x512xi32>
      %eq3A_257 = arith.cmpi eq, %rem3A_161, %eq3A_256 : vector<8x512xi32>
      %and3A_258 = arith.andi %eq3A_254, %eq3A_257 : vector<8x512xi1>
      %get3A_259 = arith.constant 1 : index
      %get3A_260 = arith.constant 2 : index
      %get3A_261 = memref.load %arg3[%get3A_259, %get3A_260] : memref<8x4xf32, #tpu.memory_space<smem>>
      %jit3A_262 = arith.constant 0.000000e+00 : f32
      %broadcast_in_dim3A_263 = vector.broadcast %get3A_261 : f32 to vector<8x512xf32>
      %broadcast_in_dim3A_264 = vector.broadcast %jit3A_262 : f32 to vector<8x512xf32>
      %select_n3A_265 = arith.select %and3A_258, %broadcast_in_dim3A_263, %broadcast_in_dim3A_264 : vector<8x512xi1>, vector<8x512xf32>
      %add3A_266 = arith.addf %add3A_251, %select_n3A_265 : vector<8x512xf32>
      %eq3A_267 = arith.constant 1 : i32
      %eq3A_268 = vector.broadcast %eq3A_267 : i32 to vector<8x512xi32>
      %eq3A_269 = arith.cmpi eq, %iota3A_157, %eq3A_268 : vector<8x512xi32>
      %eq3A_270 = arith.constant 3 : i32
      %eq3A_271 = vector.broadcast %eq3A_270 : i32 to vector<8x512xi32>
      %eq3A_272 = arith.cmpi eq, %rem3A_161, %eq3A_271 : vector<8x512xi32>
      %and3A_273 = arith.andi %eq3A_269, %eq3A_272 : vector<8x512xi1>
      %get3A_274 = arith.constant 1 : index
      %get3A_275 = arith.constant 3 : index
      %get3A_276 = memref.load %arg3[%get3A_274, %get3A_275] : memref<8x4xf32, #tpu.memory_space<smem>>
      %jit3A_277 = arith.constant 0.000000e+00 : f32
      %broadcast_in_dim3A_278 = vector.broadcast %get3A_276 : f32 to vector<8x512xf32>
      %broadcast_in_dim3A_279 = vector.broadcast %jit3A_277 : f32 to vector<8x512xf32>
      %select_n3A_280 = arith.select %and3A_273, %broadcast_in_dim3A_278, %broadcast_in_dim3A_279 : vector<8x512xi1>, vector<8x512xf32>
      %add3A_281 = arith.addf %add3A_266, %select_n3A_280 : vector<8x512xf32>
      %eq3A_282 = arith.constant 2 : i32
      %eq3A_283 = vector.broadcast %eq3A_282 : i32 to vector<8x512xi32>
      %eq3A_284 = arith.cmpi eq, %iota3A_157, %eq3A_283 : vector<8x512xi32>
      %eq3A_285 = arith.constant 0 : i32
      %eq3A_286 = vector.broadcast %eq3A_285 : i32 to vector<8x512xi32>
      %eq3A_287 = arith.cmpi eq, %rem3A_161, %eq3A_286 : vector<8x512xi32>
      %and3A_288 = arith.andi %eq3A_284, %eq3A_287 : vector<8x512xi1>
      %get3A_289 = arith.constant 2 : index
      %get3A_290 = arith.constant 0 : index
      %get3A_291 = memref.load %arg3[%get3A_289, %get3A_290] : memref<8x4xf32, #tpu.memory_space<smem>>
      %jit3A_292 = arith.constant 0.000000e+00 : f32
      %broadcast_in_dim3A_293 = vector.broadcast %get3A_291 : f32 to vector<8x512xf32>
      %broadcast_in_dim3A_294 = vector.broadcast %jit3A_292 : f32 to vector<8x512xf32>
      %select_n3A_295 = arith.select %and3A_288, %broadcast_in_dim3A_293, %broadcast_in_dim3A_294 : vector<8x512xi1>, vector<8x512xf32>
      %add3A_296 = arith.addf %add3A_281, %select_n3A_295 : vector<8x512xf32>
      %eq3A_297 = arith.constant 2 : i32
      %eq3A_298 = vector.broadcast %eq3A_297 : i32 to vector<8x512xi32>
      %eq3A_299 = arith.cmpi eq, %iota3A_157, %eq3A_298 : vector<8x512xi32>
      %eq3A_300 = arith.constant 1 : i32
      %eq3A_301 = vector.broadcast %eq3A_300 : i32 to vector<8x512xi32>
      %eq3A_302 = arith.cmpi eq, %rem3A_161, %eq3A_301 : vector<8x512xi32>
      %and3A_303 = arith.andi %eq3A_299, %eq3A_302 : vector<8x512xi1>
      %get3A_304 = arith.constant 2 : index
      %get3A_305 = arith.constant 1 : index
      %get3A_306 = memref.load %arg3[%get3A_304, %get3A_305] : memref<8x4xf32, #tpu.memory_space<smem>>
      %jit3A_307 = arith.constant 0.000000e+00 : f32
      %broadcast_in_dim3A_308 = vector.broadcast %get3A_306 : f32 to vector<8x512xf32>
      %broadcast_in_dim3A_309 = vector.broadcast %jit3A_307 : f32 to vector<8x512xf32>
      %select_n3A_310 = arith.select %and3A_303, %broadcast_in_dim3A_308, %broadcast_in_dim3A_309 : vector<8x512xi1>, vector<8x512xf32>
      %add3A_311 = arith.addf %add3A_296, %select_n3A_310 : vector<8x512xf32>
      %eq3A_312 = arith.constant 2 : i32
      %eq3A_313 = vector.broadcast %eq3A_312 : i32 to vector<8x512xi32>
      %eq3A_314 = arith.cmpi eq, %iota3A_157, %eq3A_313 : vector<8x512xi32>
      %eq3A_315 = arith.constant 2 : i32
      %eq3A_316 = vector.broadcast %eq3A_315 : i32 to vector<8x512xi32>
      %eq3A_317 = arith.cmpi eq, %rem3A_161, %eq3A_316 : vector<8x512xi32>
      %and3A_318 = arith.andi %eq3A_314, %eq3A_317 : vector<8x512xi1>
      %get3A_319 = arith.constant 2 : index
      %get3A_320 = arith.constant 2 : index
      %get3A_321 = memref.load %arg3[%get3A_319, %get3A_320] : memref<8x4xf32, #tpu.memory_space<smem>>
      %jit3A_322 = arith.constant 0.000000e+00 : f32
      %broadcast_in_dim3A_323 = vector.broadcast %get3A_321 : f32 to vector<8x512xf32>
      %broadcast_in_dim3A_324 = vector.broadcast %jit3A_322 : f32 to vector<8x512xf32>
      %select_n3A_325 = arith.select %and3A_318, %broadcast_in_dim3A_323, %broadcast_in_dim3A_324 : vector<8x512xi1>, vector<8x512xf32>
      %add3A_326 = arith.addf %add3A_311, %select_n3A_325 : vector<8x512xf32>
      %eq3A_327 = arith.constant 2 : i32
      %eq3A_328 = vector.broadcast %eq3A_327 : i32 to vector<8x512xi32>
      %eq3A_329 = arith.cmpi eq, %iota3A_157, %eq3A_328 : vector<8x512xi32>
      %eq3A_330 = arith.constant 3 : i32
      %eq3A_331 = vector.broadcast %eq3A_330 : i32 to vector<8x512xi32>
      %eq3A_332 = arith.cmpi eq, %rem3A_161, %eq3A_331 : vector<8x512xi32>
      %and3A_333 = arith.andi %eq3A_329, %eq3A_332 : vector<8x512xi1>
      %get3A_334 = arith.constant 2 : index
      %get3A_335 = arith.constant 3 : index
      %get3A_336 = memref.load %arg3[%get3A_334, %get3A_335] : memref<8x4xf32, #tpu.memory_space<smem>>
      %jit3A_337 = arith.constant 0.000000e+00 : f32
      %broadcast_in_dim3A_338 = vector.broadcast %get3A_336 : f32 to vector<8x512xf32>
      %broadcast_in_dim3A_339 = vector.broadcast %jit3A_337 : f32 to vector<8x512xf32>
      %select_n3A_340 = arith.select %and3A_333, %broadcast_in_dim3A_338, %broadcast_in_dim3A_339 : vector<8x512xi1>, vector<8x512xf32>
      %add3A_341 = arith.addf %add3A_326, %select_n3A_340 : vector<8x512xf32>
      %eq3A_342 = arith.constant 3 : i32
      %eq3A_343 = vector.broadcast %eq3A_342 : i32 to vector<8x512xi32>
      %eq3A_344 = arith.cmpi eq, %iota3A_157, %eq3A_343 : vector<8x512xi32>
      %eq3A_345 = arith.constant 0 : i32
      %eq3A_346 = vector.broadcast %eq3A_345 : i32 to vector<8x512xi32>
      %eq3A_347 = arith.cmpi eq, %rem3A_161, %eq3A_346 : vector<8x512xi32>
      %and3A_348 = arith.andi %eq3A_344, %eq3A_347 : vector<8x512xi1>
      %get3A_349 = arith.constant 3 : index
      %get3A_350 = arith.constant 0 : index
      %get3A_351 = memref.load %arg3[%get3A_349, %get3A_350] : memref<8x4xf32, #tpu.memory_space<smem>>
      %jit3A_352 = arith.constant 0.000000e+00 : f32
      %broadcast_in_dim3A_353 = vector.broadcast %get3A_351 : f32 to vector<8x512xf32>
      %broadcast_in_dim3A_354 = vector.broadcast %jit3A_352 : f32 to vector<8x512xf32>
      %select_n3A_355 = arith.select %and3A_348, %broadcast_in_dim3A_353, %broadcast_in_dim3A_354 : vector<8x512xi1>, vector<8x512xf32>
      %add3A_356 = arith.addf %add3A_341, %select_n3A_355 : vector<8x512xf32>
      %eq3A_357 = arith.constant 3 : i32
      %eq3A_358 = vector.broadcast %eq3A_357 : i32 to vector<8x512xi32>
      %eq3A_359 = arith.cmpi eq, %iota3A_157, %eq3A_358 : vector<8x512xi32>
      %eq3A_360 = arith.constant 1 : i32
      %eq3A_361 = vector.broadcast %eq3A_360 : i32 to vector<8x512xi32>
      %eq3A_362 = arith.cmpi eq, %rem3A_161, %eq3A_361 : vector<8x512xi32>
      %and3A_363 = arith.andi %eq3A_359, %eq3A_362 : vector<8x512xi1>
      %get3A_364 = arith.constant 3 : index
      %get3A_365 = arith.constant 1 : index
      %get3A_366 = memref.load %arg3[%get3A_364, %get3A_365] : memref<8x4xf32, #tpu.memory_space<smem>>
      %jit3A_367 = arith.constant 0.000000e+00 : f32
      %broadcast_in_dim3A_368 = vector.broadcast %get3A_366 : f32 to vector<8x512xf32>
      %broadcast_in_dim3A_369 = vector.broadcast %jit3A_367 : f32 to vector<8x512xf32>
      %select_n3A_370 = arith.select %and3A_363, %broadcast_in_dim3A_368, %broadcast_in_dim3A_369 : vector<8x512xi1>, vector<8x512xf32>
      %add3A_371 = arith.addf %add3A_356, %select_n3A_370 : vector<8x512xf32>
      %eq3A_372 = arith.constant 3 : i32
      %eq3A_373 = vector.broadcast %eq3A_372 : i32 to vector<8x512xi32>
      %eq3A_374 = arith.cmpi eq, %iota3A_157, %eq3A_373 : vector<8x512xi32>
      %eq3A_375 = arith.constant 2 : i32
      %eq3A_376 = vector.broadcast %eq3A_375 : i32 to vector<8x512xi32>
      %eq3A_377 = arith.cmpi eq, %rem3A_161, %eq3A_376 : vector<8x512xi32>
      %and3A_378 = arith.andi %eq3A_374, %eq3A_377 : vector<8x512xi1>
      %get3A_379 = arith.constant 3 : index
      %get3A_380 = arith.constant 2 : index
      %get3A_381 = memref.load %arg3[%get3A_379, %get3A_380] : memref<8x4xf32, #tpu.memory_space<smem>>
      %jit3A_382 = arith.constant 0.000000e+00 : f32
      %broadcast_in_dim3A_383 = vector.broadcast %get3A_381 : f32 to vector<8x512xf32>
      %broadcast_in_dim3A_384 = vector.broadcast %jit3A_382 : f32 to vector<8x512xf32>
      %select_n3A_385 = arith.select %and3A_378, %broadcast_in_dim3A_383, %broadcast_in_dim3A_384 : vector<8x512xi1>, vector<8x512xf32>
      %add3A_386 = arith.addf %add3A_371, %select_n3A_385 : vector<8x512xf32>
      %eq3A_387 = arith.constant 3 : i32
      %eq3A_388 = vector.broadcast %eq3A_387 : i32 to vector<8x512xi32>
      %eq3A_389 = arith.cmpi eq, %iota3A_157, %eq3A_388 : vector<8x512xi32>
      %eq3A_390 = arith.constant 3 : i32
      %eq3A_391 = vector.broadcast %eq3A_390 : i32 to vector<8x512xi32>
      %eq3A_392 = arith.cmpi eq, %rem3A_161, %eq3A_391 : vector<8x512xi32>
      %and3A_393 = arith.andi %eq3A_389, %eq3A_392 : vector<8x512xi1>
      %get3A_394 = arith.constant 3 : index
      %get3A_395 = arith.constant 3 : index
      %get3A_396 = memref.load %arg3[%get3A_394, %get3A_395] : memref<8x4xf32, #tpu.memory_space<smem>>
      %jit3A_397 = arith.constant 0.000000e+00 : f32
      %broadcast_in_dim3A_398 = vector.broadcast %get3A_396 : f32 to vector<8x512xf32>
      %broadcast_in_dim3A_399 = vector.broadcast %jit3A_397 : f32 to vector<8x512xf32>
      %select_n3A_400 = arith.select %and3A_393, %broadcast_in_dim3A_398, %broadcast_in_dim3A_399 : vector<8x512xi1>, vector<8x512xf32>
      %add3A_401 = arith.addf %add3A_386, %select_n3A_400 : vector<8x512xf32>
      %eq3A_402 = arith.constant 4 : i32
      %eq3A_403 = vector.broadcast %eq3A_402 : i32 to vector<8x512xi32>
      %eq3A_404 = arith.cmpi eq, %iota3A_157, %eq3A_403 : vector<8x512xi32>
      %eq3A_405 = arith.constant 0 : i32
      %eq3A_406 = vector.broadcast %eq3A_405 : i32 to vector<8x512xi32>
      %eq3A_407 = arith.cmpi eq, %rem3A_161, %eq3A_406 : vector<8x512xi32>
      %and3A_408 = arith.andi %eq3A_404, %eq3A_407 : vector<8x512xi1>
      %get3A_409 = arith.constant 4 : index
      %get3A_410 = arith.constant 0 : index
      %get3A_411 = memref.load %arg3[%get3A_409, %get3A_410] : memref<8x4xf32, #tpu.memory_space<smem>>
      %jit3A_412 = arith.constant 0.000000e+00 : f32
      %broadcast_in_dim3A_413 = vector.broadcast %get3A_411 : f32 to vector<8x512xf32>
      %broadcast_in_dim3A_414 = vector.broadcast %jit3A_412 : f32 to vector<8x512xf32>
      %select_n3A_415 = arith.select %and3A_408, %broadcast_in_dim3A_413, %broadcast_in_dim3A_414 : vector<8x512xi1>, vector<8x512xf32>
      %add3A_416 = arith.addf %add3A_401, %select_n3A_415 : vector<8x512xf32>
      %eq3A_417 = arith.constant 4 : i32
      %eq3A_418 = vector.broadcast %eq3A_417 : i32 to vector<8x512xi32>
      %eq3A_419 = arith.cmpi eq, %iota3A_157, %eq3A_418 : vector<8x512xi32>
      %eq3A_420 = arith.constant 1 : i32
      %eq3A_421 = vector.broadcast %eq3A_420 : i32 to vector<8x512xi32>
      %eq3A_422 = arith.cmpi eq, %rem3A_161, %eq3A_421 : vector<8x512xi32>
      %and3A_423 = arith.andi %eq3A_419, %eq3A_422 : vector<8x512xi1>
      %get3A_424 = arith.constant 4 : index
      %get3A_425 = arith.constant 1 : index
      %get3A_426 = memref.load %arg3[%get3A_424, %get3A_425] : memref<8x4xf32, #tpu.memory_space<smem>>
      %jit3A_427 = arith.constant 0.000000e+00 : f32
      %broadcast_in_dim3A_428 = vector.broadcast %get3A_426 : f32 to vector<8x512xf32>
      %broadcast_in_dim3A_429 = vector.broadcast %jit3A_427 : f32 to vector<8x512xf32>
      %select_n3A_430 = arith.select %and3A_423, %broadcast_in_dim3A_428, %broadcast_in_dim3A_429 : vector<8x512xi1>, vector<8x512xf32>
      %add3A_431 = arith.addf %add3A_416, %select_n3A_430 : vector<8x512xf32>
      %eq3A_432 = arith.constant 4 : i32
      %eq3A_433 = vector.broadcast %eq3A_432 : i32 to vector<8x512xi32>
      %eq3A_434 = arith.cmpi eq, %iota3A_157, %eq3A_433 : vector<8x512xi32>
      %eq3A_435 = arith.constant 2 : i32
      %eq3A_436 = vector.broadcast %eq3A_435 : i32 to vector<8x512xi32>
      %eq3A_437 = arith.cmpi eq, %rem3A_161, %eq3A_436 : vector<8x512xi32>
      %and3A_438 = arith.andi %eq3A_434, %eq3A_437 : vector<8x512xi1>
      %get3A_439 = arith.constant 4 : index
      %get3A_440 = arith.constant 2 : index
      %get3A_441 = memref.load %arg3[%get3A_439, %get3A_440] : memref<8x4xf32, #tpu.memory_space<smem>>
      %jit3A_442 = arith.constant 0.000000e+00 : f32
      %broadcast_in_dim3A_443 = vector.broadcast %get3A_441 : f32 to vector<8x512xf32>
      %broadcast_in_dim3A_444 = vector.broadcast %jit3A_442 : f32 to vector<8x512xf32>
      %select_n3A_445 = arith.select %and3A_438, %broadcast_in_dim3A_443, %broadcast_in_dim3A_444 : vector<8x512xi1>, vector<8x512xf32>
      %add3A_446 = arith.addf %add3A_431, %select_n3A_445 : vector<8x512xf32>
      %eq3A_447 = arith.constant 4 : i32
      %eq3A_448 = vector.broadcast %eq3A_447 : i32 to vector<8x512xi32>
      %eq3A_449 = arith.cmpi eq, %iota3A_157, %eq3A_448 : vector<8x512xi32>
      %eq3A_450 = arith.constant 3 : i32
      %eq3A_451 = vector.broadcast %eq3A_450 : i32 to vector<8x512xi32>
      %eq3A_452 = arith.cmpi eq, %rem3A_161, %eq3A_451 : vector<8x512xi32>
      %and3A_453 = arith.andi %eq3A_449, %eq3A_452 : vector<8x512xi1>
      %get3A_454 = arith.constant 4 : index
      %get3A_455 = arith.constant 3 : index
      %get3A_456 = memref.load %arg3[%get3A_454, %get3A_455] : memref<8x4xf32, #tpu.memory_space<smem>>
      %jit3A_457 = arith.constant 0.000000e+00 : f32
      %broadcast_in_dim3A_458 = vector.broadcast %get3A_456 : f32 to vector<8x512xf32>
      %broadcast_in_dim3A_459 = vector.broadcast %jit3A_457 : f32 to vector<8x512xf32>
      %select_n3A_460 = arith.select %and3A_453, %broadcast_in_dim3A_458, %broadcast_in_dim3A_459 : vector<8x512xi1>, vector<8x512xf32>
      %add3A_461 = arith.addf %add3A_446, %select_n3A_460 : vector<8x512xf32>
      %eq3A_462 = arith.constant 5 : i32
      %eq3A_463 = vector.broadcast %eq3A_462 : i32 to vector<8x512xi32>
      %eq3A_464 = arith.cmpi eq, %iota3A_157, %eq3A_463 : vector<8x512xi32>
      %eq3A_465 = arith.constant 0 : i32
      %eq3A_466 = vector.broadcast %eq3A_465 : i32 to vector<8x512xi32>
      %eq3A_467 = arith.cmpi eq, %rem3A_161, %eq3A_466 : vector<8x512xi32>
      %and3A_468 = arith.andi %eq3A_464, %eq3A_467 : vector<8x512xi1>
      %get3A_469 = arith.constant 5 : index
      %get3A_470 = arith.constant 0 : index
      %get3A_471 = memref.load %arg3[%get3A_469, %get3A_470] : memref<8x4xf32, #tpu.memory_space<smem>>
      %jit3A_472 = arith.constant 0.000000e+00 : f32
      %broadcast_in_dim3A_473 = vector.broadcast %get3A_471 : f32 to vector<8x512xf32>
      %broadcast_in_dim3A_474 = vector.broadcast %jit3A_472 : f32 to vector<8x512xf32>
      %select_n3A_475 = arith.select %and3A_468, %broadcast_in_dim3A_473, %broadcast_in_dim3A_474 : vector<8x512xi1>, vector<8x512xf32>
      %add3A_476 = arith.addf %add3A_461, %select_n3A_475 : vector<8x512xf32>
      %eq3A_477 = arith.constant 5 : i32
      %eq3A_478 = vector.broadcast %eq3A_477 : i32 to vector<8x512xi32>
      %eq3A_479 = arith.cmpi eq, %iota3A_157, %eq3A_478 : vector<8x512xi32>
      %eq3A_480 = arith.constant 1 : i32
      %eq3A_481 = vector.broadcast %eq3A_480 : i32 to vector<8x512xi32>
      %eq3A_482 = arith.cmpi eq, %rem3A_161, %eq3A_481 : vector<8x512xi32>
      %and3A_483 = arith.andi %eq3A_479, %eq3A_482 : vector<8x512xi1>
      %get3A_484 = arith.constant 5 : index
      %get3A_485 = arith.constant 1 : index
      %get3A_486 = memref.load %arg3[%get3A_484, %get3A_485] : memref<8x4xf32, #tpu.memory_space<smem>>
      %jit3A_487 = arith.constant 0.000000e+00 : f32
      %broadcast_in_dim3A_488 = vector.broadcast %get3A_486 : f32 to vector<8x512xf32>
      %broadcast_in_dim3A_489 = vector.broadcast %jit3A_487 : f32 to vector<8x512xf32>
      %select_n3A_490 = arith.select %and3A_483, %broadcast_in_dim3A_488, %broadcast_in_dim3A_489 : vector<8x512xi1>, vector<8x512xf32>
      %add3A_491 = arith.addf %add3A_476, %select_n3A_490 : vector<8x512xf32>
      %eq3A_492 = arith.constant 5 : i32
      %eq3A_493 = vector.broadcast %eq3A_492 : i32 to vector<8x512xi32>
      %eq3A_494 = arith.cmpi eq, %iota3A_157, %eq3A_493 : vector<8x512xi32>
      %eq3A_495 = arith.constant 2 : i32
      %eq3A_496 = vector.broadcast %eq3A_495 : i32 to vector<8x512xi32>
      %eq3A_497 = arith.cmpi eq, %rem3A_161, %eq3A_496 : vector<8x512xi32>
      %and3A_498 = arith.andi %eq3A_494, %eq3A_497 : vector<8x512xi1>
      %get3A_499 = arith.constant 5 : index
      %get3A_500 = arith.constant 2 : index
      %get3A_501 = memref.load %arg3[%get3A_499, %get3A_500] : memref<8x4xf32, #tpu.memory_space<smem>>
      %jit3A_502 = arith.constant 0.000000e+00 : f32
      %broadcast_in_dim3A_503 = vector.broadcast %get3A_501 : f32 to vector<8x512xf32>
      %broadcast_in_dim3A_504 = vector.broadcast %jit3A_502 : f32 to vector<8x512xf32>
      %select_n3A_505 = arith.select %and3A_498, %broadcast_in_dim3A_503, %broadcast_in_dim3A_504 : vector<8x512xi1>, vector<8x512xf32>
      %add3A_506 = arith.addf %add3A_491, %select_n3A_505 : vector<8x512xf32>
      %eq3A_507 = arith.constant 5 : i32
      %eq3A_508 = vector.broadcast %eq3A_507 : i32 to vector<8x512xi32>
      %eq3A_509 = arith.cmpi eq, %iota3A_157, %eq3A_508 : vector<8x512xi32>
      %eq3A_510 = arith.constant 3 : i32
      %eq3A_511 = vector.broadcast %eq3A_510 : i32 to vector<8x512xi32>
      %eq3A_512 = arith.cmpi eq, %rem3A_161, %eq3A_511 : vector<8x512xi32>
      %and3A_513 = arith.andi %eq3A_509, %eq3A_512 : vector<8x512xi1>
      %get3A_514 = arith.constant 5 : index
      %get3A_515 = arith.constant 3 : index
      %get3A_516 = memref.load %arg3[%get3A_514, %get3A_515] : memref<8x4xf32, #tpu.memory_space<smem>>
      %jit3A_517 = arith.constant 0.000000e+00 : f32
      %broadcast_in_dim3A_518 = vector.broadcast %get3A_516 : f32 to vector<8x512xf32>
      %broadcast_in_dim3A_519 = vector.broadcast %jit3A_517 : f32 to vector<8x512xf32>
      %select_n3A_520 = arith.select %and3A_513, %broadcast_in_dim3A_518, %broadcast_in_dim3A_519 : vector<8x512xi1>, vector<8x512xf32>
      %add3A_521 = arith.addf %add3A_506, %select_n3A_520 : vector<8x512xf32>
      %eq3A_522 = arith.constant 6 : i32
      %eq3A_523 = vector.broadcast %eq3A_522 : i32 to vector<8x512xi32>
      %eq3A_524 = arith.cmpi eq, %iota3A_157, %eq3A_523 : vector<8x512xi32>
      %eq3A_525 = arith.constant 0 : i32
      %eq3A_526 = vector.broadcast %eq3A_525 : i32 to vector<8x512xi32>
      %eq3A_527 = arith.cmpi eq, %rem3A_161, %eq3A_526 : vector<8x512xi32>
      %and3A_528 = arith.andi %eq3A_524, %eq3A_527 : vector<8x512xi1>
      %get3A_529 = arith.constant 6 : index
      %get3A_530 = arith.constant 0 : index
      %get3A_531 = memref.load %arg3[%get3A_529, %get3A_530] : memref<8x4xf32, #tpu.memory_space<smem>>
      %jit3A_532 = arith.constant 0.000000e+00 : f32
      %broadcast_in_dim3A_533 = vector.broadcast %get3A_531 : f32 to vector<8x512xf32>
      %broadcast_in_dim3A_534 = vector.broadcast %jit3A_532 : f32 to vector<8x512xf32>
      %select_n3A_535 = arith.select %and3A_528, %broadcast_in_dim3A_533, %broadcast_in_dim3A_534 : vector<8x512xi1>, vector<8x512xf32>
      %add3A_536 = arith.addf %add3A_521, %select_n3A_535 : vector<8x512xf32>
      %eq3A_537 = arith.constant 6 : i32
      %eq3A_538 = vector.broadcast %eq3A_537 : i32 to vector<8x512xi32>
      %eq3A_539 = arith.cmpi eq, %iota3A_157, %eq3A_538 : vector<8x512xi32>
      %eq3A_540 = arith.constant 1 : i32
      %eq3A_541 = vector.broadcast %eq3A_540 : i32 to vector<8x512xi32>
      %eq3A_542 = arith.cmpi eq, %rem3A_161, %eq3A_541 : vector<8x512xi32>
      %and3A_543 = arith.andi %eq3A_539, %eq3A_542 : vector<8x512xi1>
      %get3A_544 = arith.constant 6 : index
      %get3A_545 = arith.constant 1 : index
      %get3A_546 = memref.load %arg3[%get3A_544, %get3A_545] : memref<8x4xf32, #tpu.memory_space<smem>>
      %jit3A_547 = arith.constant 0.000000e+00 : f32
      %broadcast_in_dim3A_548 = vector.broadcast %get3A_546 : f32 to vector<8x512xf32>
      %broadcast_in_dim3A_549 = vector.broadcast %jit3A_547 : f32 to vector<8x512xf32>
      %select_n3A_550 = arith.select %and3A_543, %broadcast_in_dim3A_548, %broadcast_in_dim3A_549 : vector<8x512xi1>, vector<8x512xf32>
      %add3A_551 = arith.addf %add3A_536, %select_n3A_550 : vector<8x512xf32>
      %eq3A_552 = arith.constant 6 : i32
      %eq3A_553 = vector.broadcast %eq3A_552 : i32 to vector<8x512xi32>
      %eq3A_554 = arith.cmpi eq, %iota3A_157, %eq3A_553 : vector<8x512xi32>
      %eq3A_555 = arith.constant 2 : i32
      %eq3A_556 = vector.broadcast %eq3A_555 : i32 to vector<8x512xi32>
      %eq3A_557 = arith.cmpi eq, %rem3A_161, %eq3A_556 : vector<8x512xi32>
      %and3A_558 = arith.andi %eq3A_554, %eq3A_557 : vector<8x512xi1>
      %get3A_559 = arith.constant 6 : index
      %get3A_560 = arith.constant 2 : index
      %get3A_561 = memref.load %arg3[%get3A_559, %get3A_560] : memref<8x4xf32, #tpu.memory_space<smem>>
      %jit3A_562 = arith.constant 0.000000e+00 : f32
      %broadcast_in_dim3A_563 = vector.broadcast %get3A_561 : f32 to vector<8x512xf32>
      %broadcast_in_dim3A_564 = vector.broadcast %jit3A_562 : f32 to vector<8x512xf32>
      %select_n3A_565 = arith.select %and3A_558, %broadcast_in_dim3A_563, %broadcast_in_dim3A_564 : vector<8x512xi1>, vector<8x512xf32>
      %add3A_566 = arith.addf %add3A_551, %select_n3A_565 : vector<8x512xf32>
      %eq3A_567 = arith.constant 6 : i32
      %eq3A_568 = vector.broadcast %eq3A_567 : i32 to vector<8x512xi32>
      %eq3A_569 = arith.cmpi eq, %iota3A_157, %eq3A_568 : vector<8x512xi32>
      %eq3A_570 = arith.constant 3 : i32
      %eq3A_571 = vector.broadcast %eq3A_570 : i32 to vector<8x512xi32>
      %eq3A_572 = arith.cmpi eq, %rem3A_161, %eq3A_571 : vector<8x512xi32>
      %and3A_573 = arith.andi %eq3A_569, %eq3A_572 : vector<8x512xi1>
      %get3A_574 = arith.constant 6 : index
      %get3A_575 = arith.constant 3 : index
      %get3A_576 = memref.load %arg3[%get3A_574, %get3A_575] : memref<8x4xf32, #tpu.memory_space<smem>>
      %jit3A_577 = arith.constant 0.000000e+00 : f32
      %broadcast_in_dim3A_578 = vector.broadcast %get3A_576 : f32 to vector<8x512xf32>
      %broadcast_in_dim3A_579 = vector.broadcast %jit3A_577 : f32 to vector<8x512xf32>
      %select_n3A_580 = arith.select %and3A_573, %broadcast_in_dim3A_578, %broadcast_in_dim3A_579 : vector<8x512xi1>, vector<8x512xf32>
      %add3A_581 = arith.addf %add3A_566, %select_n3A_580 : vector<8x512xf32>
      %eq3A_582 = arith.constant 7 : i32
      %eq3A_583 = vector.broadcast %eq3A_582 : i32 to vector<8x512xi32>
      %eq3A_584 = arith.cmpi eq, %iota3A_157, %eq3A_583 : vector<8x512xi32>
      %eq3A_585 = arith.constant 0 : i32
      %eq3A_586 = vector.broadcast %eq3A_585 : i32 to vector<8x512xi32>
      %eq3A_587 = arith.cmpi eq, %rem3A_161, %eq3A_586 : vector<8x512xi32>
      %and3A_588 = arith.andi %eq3A_584, %eq3A_587 : vector<8x512xi1>
      %get3A_589 = arith.constant 7 : index
      %get3A_590 = arith.constant 0 : index
      %get3A_591 = memref.load %arg3[%get3A_589, %get3A_590] : memref<8x4xf32, #tpu.memory_space<smem>>
      %jit3A_592 = arith.constant 0.000000e+00 : f32
      %broadcast_in_dim3A_593 = vector.broadcast %get3A_591 : f32 to vector<8x512xf32>
      %broadcast_in_dim3A_594 = vector.broadcast %jit3A_592 : f32 to vector<8x512xf32>
      %select_n3A_595 = arith.select %and3A_588, %broadcast_in_dim3A_593, %broadcast_in_dim3A_594 : vector<8x512xi1>, vector<8x512xf32>
      %add3A_596 = arith.addf %add3A_581, %select_n3A_595 : vector<8x512xf32>
      %eq3A_597 = arith.constant 7 : i32
      %eq3A_598 = vector.broadcast %eq3A_597 : i32 to vector<8x512xi32>
      %eq3A_599 = arith.cmpi eq, %iota3A_157, %eq3A_598 : vector<8x512xi32>
      %eq3A_600 = arith.constant 1 : i32
      %eq3A_601 = vector.broadcast %eq3A_600 : i32 to vector<8x512xi32>
      %eq3A_602 = arith.cmpi eq, %rem3A_161, %eq3A_601 : vector<8x512xi32>
      %and3A_603 = arith.andi %eq3A_599, %eq3A_602 : vector<8x512xi1>
      %get3A_604 = arith.constant 7 : index
      %get3A_605 = arith.constant 1 : index
      %get3A_606 = memref.load %arg3[%get3A_604, %get3A_605] : memref<8x4xf32, #tpu.memory_space<smem>>
      %jit3A_607 = arith.constant 0.000000e+00 : f32
      %broadcast_in_dim3A_608 = vector.broadcast %get3A_606 : f32 to vector<8x512xf32>
      %broadcast_in_dim3A_609 = vector.broadcast %jit3A_607 : f32 to vector<8x512xf32>
      %select_n3A_610 = arith.select %and3A_603, %broadcast_in_dim3A_608, %broadcast_in_dim3A_609 : vector<8x512xi1>, vector<8x512xf32>
      %add3A_611 = arith.addf %add3A_596, %select_n3A_610 : vector<8x512xf32>
      %eq3A_612 = arith.constant 7 : i32
      %eq3A_613 = vector.broadcast %eq3A_612 : i32 to vector<8x512xi32>
      %eq3A_614 = arith.cmpi eq, %iota3A_157, %eq3A_613 : vector<8x512xi32>
      %eq3A_615 = arith.constant 2 : i32
      %eq3A_616 = vector.broadcast %eq3A_615 : i32 to vector<8x512xi32>
      %eq3A_617 = arith.cmpi eq, %rem3A_161, %eq3A_616 : vector<8x512xi32>
      %and3A_618 = arith.andi %eq3A_614, %eq3A_617 : vector<8x512xi1>
      %get3A_619 = arith.constant 7 : index
      %get3A_620 = arith.constant 2 : index
      %get3A_621 = memref.load %arg3[%get3A_619, %get3A_620] : memref<8x4xf32, #tpu.memory_space<smem>>
      %jit3A_622 = arith.constant 0.000000e+00 : f32
      %broadcast_in_dim3A_623 = vector.broadcast %get3A_621 : f32 to vector<8x512xf32>
      %broadcast_in_dim3A_624 = vector.broadcast %jit3A_622 : f32 to vector<8x512xf32>
      %select_n3A_625 = arith.select %and3A_618, %broadcast_in_dim3A_623, %broadcast_in_dim3A_624 : vector<8x512xi1>, vector<8x512xf32>
      %add3A_626 = arith.addf %add3A_611, %select_n3A_625 : vector<8x512xf32>
      %eq3A_627 = arith.constant 7 : i32
      %eq3A_628 = vector.broadcast %eq3A_627 : i32 to vector<8x512xi32>
      %eq3A_629 = arith.cmpi eq, %iota3A_157, %eq3A_628 : vector<8x512xi32>
      %eq3A_630 = arith.constant 3 : i32
      %eq3A_631 = vector.broadcast %eq3A_630 : i32 to vector<8x512xi32>
      %eq3A_632 = arith.cmpi eq, %rem3A_161, %eq3A_631 : vector<8x512xi32>
      %and3A_633 = arith.andi %eq3A_629, %eq3A_632 : vector<8x512xi1>
      %get3A_634 = arith.constant 7 : index
      %get3A_635 = arith.constant 3 : index
      %get3A_636 = memref.load %arg3[%get3A_634, %get3A_635] : memref<8x4xf32, #tpu.memory_space<smem>>
      %jit3A_637 = arith.constant 0.000000e+00 : f32
      %broadcast_in_dim3A_638 = vector.broadcast %get3A_636 : f32 to vector<8x512xf32>
      %broadcast_in_dim3A_639 = vector.broadcast %jit3A_637 : f32 to vector<8x512xf32>
      %select_n3A_640 = arith.select %and3A_633, %broadcast_in_dim3A_638, %broadcast_in_dim3A_639 : vector<8x512xi1>, vector<8x512xf32>
      %add3A_641 = arith.addf %add3A_626, %select_n3A_640 : vector<8x512xf32>
      %dot_general3A_642 = arith.constant dense<0.000000e+00> : vector<1024x512xf32>
      %dot_general3A_643 = tpu.matmul %convert_element_type3A_156, %add3A_641, %dot_general3A_642 {dimension_numbers = #tpu.dot_dimension_numbers<[1], [0], [0], [1], [0, 0, 1, 1], [], []>, transpose_lhs_hint = false} : vector<1024x8xf32>, vector<8x512xf32>, vector<1024x512xf32> -> vector<1024x512xf32>
      %mul3A = arith.mulf %convert_element_type3A_148, %dot_general3A_643 : vector<1024x512xf32>
      %get3A_644 = arith.constant 0 : index
      %get3A_645 = arith.constant 0 : index
      %get3A_646 = vector.load %arg2[%get3A_644, %get3A_645] : memref<512x128xf32, #tpu.memory_space<vmem>>, vector<512x128xf32>
      %dot_general3A_647 = arith.constant dense<0.000000e+00> : vector<1024x128xf32>
      %dot_general3A_648 = tpu.matmul %mul3A, %get3A_646, %dot_general3A_647 {dimension_numbers = #tpu.dot_dimension_numbers<[1], [0], [0], [1], [0, 0, 1, 1], [], []>, transpose_lhs_hint = false} : vector<1024x512xf32>, vector<512x128xf32>, vector<1024x128xf32> -> vector<1024x128xf32>
      %convert_element_type3A_649 = arith.truncf %dot_general3A_648 : vector<1024x128xf32> to vector<1024x128xbf16>
      %swap3A_650 = arith.constant 0 : index
      %swap3A_651 = arith.constant 0 : index
      %swap3A_652 = vector.load %arg5[%swap3A_650, %swap3A_651] : memref<1024x128xbf16, #tpu.memory_space<vmem>>, vector<1024x128xbf16>
      tpu.vector_store %arg5[%swap3A_650, %swap3A_651], %convert_element_type3A_649 {strides = array<i32>} : memref<1024x128xbf16, #tpu.memory_space<vmem>>, vector<1024x128xbf16>,
    } else {
    }
    %get3A = arith.constant 0 : index
    %get3A_2 = arith.constant 0 : index
    %get3A_3 = vector.load %arg1[%get3A, %get3A_2] : memref<2000x128xf32, #tpu.memory_space<vmem>>, vector<2000x128xf32>
    %convert_element_type3A_4 = arith.truncf %get3A_3 : vector<2000x128xf32> to vector<2000x128xbf16>
    %get3A_5 = arith.constant 0 : index
    %get3A_6 = arith.constant 0 : index
    %get3A_7 = vector.load %arg5[%get3A_5, %get3A_6] : memref<1024x128xbf16, #tpu.memory_space<vmem>>, vector<128x128xbf16>
    %dot_general3A = arith.constant dense<0.000000e+00> : vector<2000x128xf32>
    %dot_general3A_8 = tpu.matmul %convert_element_type3A_4, %get3A_7, %dot_general3A {dimension_numbers = #tpu.dot_dimension_numbers<[1], [0], [0], [1], [0, 0, 1, 1], [], []>, transpose_lhs_hint = false} : vector<2000x128xbf16>, vector<128x128xbf16>, vector<2000x128xf32> -> vector<2000x128xf32>
    %swap3A = arith.constant 0 : index
    %swap3A_9 = arith.constant 0 : index
    %swap3A_10 = arith.constant 0 : index
    %swap3A_11 = vector.load %arg4[%swap3A, %swap3A_9, %swap3A_10] : memref<8x2000x128xf32, #tpu.memory_space<vmem>>, vector<1x2000x128xf32>
    %swap3A_12 = vector.shape_cast %swap3A_11 : vector<1x2000x128xf32> to vector<2000x128xf32>
    %swap3A_13 = vector.shape_cast %dot_general3A_8 : vector<2000x128xf32> to vector<1x2000x128xf32>
    tpu.vector_store %arg4[%swap3A, %swap3A_9, %swap3A_10], %swap3A_13 {strides = array<i32>} : memref<8x2000x128xf32, #tpu.memory_space<vmem>>, vector<1x2000x128xf32>,
    %get3A_14 = arith.constant 128 : index
    %get3A_15 = arith.constant 0 : index
    %get3A_16 = vector.load %arg5[%get3A_14, %get3A_15] : memref<1024x128xbf16, #tpu.memory_space<vmem>>, vector<128x128xbf16>
    %dot_general3A_17 = arith.constant dense<0.000000e+00> : vector<2000x128xf32>
    %dot_general3A_18 = tpu.matmul %convert_element_type3A_4, %get3A_16, %dot_general3A_17 {dimension_numbers = #tpu.dot_dimension_numbers<[1], [0], [0], [1], [0, 0, 1, 1], [], []>, transpose_lhs_hint = false} : vector<2000x128xbf16>, vector<128x128xbf16>, vector<2000x128xf32> -> vector<2000x128xf32>
    %swap3A_19 = arith.constant 1 : index
    %swap3A_20 = arith.constant 0 : index
    %swap3A_21 = arith.constant 0 : index
    %swap3A_22 = vector.load %arg4[%swap3A_19, %swap3A_20, %swap3A_21] : memref<8x2000x128xf32, #tpu.memory_space<vmem>>, vector<1x2000x128xf32>
    %swap3A_23 = vector.shape_cast %swap3A_22 : vector<1x2000x128xf32> to vector<2000x128xf32>
    %swap3A_24 = vector.shape_cast %dot_general3A_18 : vector<2000x128xf32> to vector<1x2000x128xf32>
    tpu.vector_store %arg4[%swap3A_19, %swap3A_20, %swap3A_21], %swap3A_24 {strides = array<i32>} : memref<8x2000x128xf32, #tpu.memory_space<vmem>>, vector<1x2000x128xf32>,
    %get3A_25 = arith.constant 256 : index
    %get3A_26 = arith.constant 0 : index
    %get3A_27 = vector.load %arg5[%get3A_25, %get3A_26] : memref<1024x128xbf16, #tpu.memory_space<vmem>>, vector<128x128xbf16>
    %dot_general3A_28 = arith.constant dense<0.000000e+00> : vector<2000x128xf32>
    %dot_general3A_29 = tpu.matmul %convert_element_type3A_4, %get3A_27, %dot_general3A_28 {dimension_numbers = #tpu.dot_dimension_numbers<[1], [0], [0], [1], [0, 0, 1, 1], [], []>, transpose_lhs_hint = false} : vector<2000x128xbf16>, vector<128x128xbf16>, vector<2000x128xf32> -> vector<2000x128xf32>
    %swap3A_30 = arith.constant 2 : index
    %swap3A_31 = arith.constant 0 : index
    %swap3A_32 = arith.constant 0 : index
    %swap3A_33 = vector.load %arg4[%swap3A_30, %swap3A_31, %swap3A_32] : memref<8x2000x128xf32, #tpu.memory_space<vmem>>, vector<1x2000x128xf32>
    %swap3A_34 = vector.shape_cast %swap3A_33 : vector<1x2000x128xf32> to vector<2000x128xf32>
    %swap3A_35 = vector.shape_cast %dot_general3A_29 : vector<2000x128xf32> to vector<1x2000x128xf32>
    tpu.vector_store %arg4[%swap3A_30, %swap3A_31, %swap3A_32], %swap3A_35 {strides = array<i32>} : memref<8x2000x128xf32, #tpu.memory_space<vmem>>, vector<1x2000x128xf32>,
    %get3A_36 = arith.constant 384 : index
    %get3A_37 = arith.constant 0 : index
    %get3A_38 = vector.load %arg5[%get3A_36, %get3A_37] : memref<1024x128xbf16, #tpu.memory_space<vmem>>, vector<128x128xbf16>
    %dot_general3A_39 = arith.constant dense<0.000000e+00> : vector<2000x128xf32>
    %dot_general3A_40 = tpu.matmul %convert_element_type3A_4, %get3A_38, %dot_general3A_39 {dimension_numbers = #tpu.dot_dimension_numbers<[1], [0], [0], [1], [0, 0, 1, 1], [], []>, transpose_lhs_hint = false} : vector<2000x128xbf16>, vector<128x128xbf16>, vector<2000x128xf32> -> vector<2000x128xf32>
    %swap3A_41 = arith.constant 3 : index
    %swap3A_42 = arith.constant 0 : index
    %swap3A_43 = arith.constant 0 : index
    %swap3A_44 = vector.load %arg4[%swap3A_41, %swap3A_42, %swap3A_43] : memref<8x2000x128xf32, #tpu.memory_space<vmem>>, vector<1x2000x128xf32>
    %swap3A_45 = vector.shape_cast %swap3A_44 : vector<1x2000x128xf32> to vector<2000x128xf32>
    %swap3A_46 = vector.shape_cast %dot_general3A_40 : vector<2000x128xf32> to vector<1x2000x128xf32>
    tpu.vector_store %arg4[%swap3A_41, %swap3A_42, %swap3A_43], %swap3A_46 {strides = array<i32>} : memref<8x2000x128xf32, #tpu.memory_space<vmem>>, vector<1x2000x128xf32>,
    %get3A_47 = arith.constant 512 : index
    %get3A_48 = arith.constant 0 : index
    %get3A_49 = vector.load %arg5[%get3A_47, %get3A_48] : memref<1024x128xbf16, #tpu.memory_space<vmem>>, vector<128x128xbf16>
    %dot_general3A_50 = arith.constant dense<0.000000e+00> : vector<2000x128xf32>
    %dot_general3A_51 = tpu.matmul %convert_element_type3A_4, %get3A_49, %dot_general3A_50 {dimension_numbers = #tpu.dot_dimension_numbers<[1], [0], [0], [1], [0, 0, 1, 1], [], []>, transpose_lhs_hint = false} : vector<2000x128xbf16>, vector<128x128xbf16>, vector<2000x128xf32> -> vector<2000x128xf32>
    %swap3A_52 = arith.constant 4 : index
    %swap3A_53 = arith.constant 0 : index
    %swap3A_54 = arith.constant 0 : index
    %swap3A_55 = vector.load %arg4[%swap3A_52, %swap3A_53, %swap3A_54] : memref<8x2000x128xf32, #tpu.memory_space<vmem>>, vector<1x2000x128xf32>
    %swap3A_56 = vector.shape_cast %swap3A_55 : vector<1x2000x128xf32> to vector<2000x128xf32>
    %swap3A_57 = vector.shape_cast %dot_general3A_51 : vector<2000x128xf32> to vector<1x2000x128xf32>
    tpu.vector_store %arg4[%swap3A_52, %swap3A_53, %swap3A_54], %swap3A_57 {strides = array<i32>} : memref<8x2000x128xf32, #tpu.memory_space<vmem>>, vector<1x2000x128xf32>,
    %get3A_58 = arith.constant 640 : index
    %get3A_59 = arith.constant 0 : index
    %get3A_60 = vector.load %arg5[%get3A_58, %get3A_59] : memref<1024x128xbf16, #tpu.memory_space<vmem>>, vector<128x128xbf16>
    %dot_general3A_61 = arith.constant dense<0.000000e+00> : vector<2000x128xf32>
    %dot_general3A_62 = tpu.matmul %convert_element_type3A_4, %get3A_60, %dot_general3A_61 {dimension_numbers = #tpu.dot_dimension_numbers<[1], [0], [0], [1], [0, 0, 1, 1], [], []>, transpose_lhs_hint = false} : vector<2000x128xbf16>, vector<128x128xbf16>, vector<2000x128xf32> -> vector<2000x128xf32>
    %swap3A_63 = arith.constant 5 : index
    %swap3A_64 = arith.constant 0 : index
    %swap3A_65 = arith.constant 0 : index
    %swap3A_66 = vector.load %arg4[%swap3A_63, %swap3A_64, %swap3A_65] : memref<8x2000x128xf32, #tpu.memory_space<vmem>>, vector<1x2000x128xf32>
    %swap3A_67 = vector.shape_cast %swap3A_66 : vector<1x2000x128xf32> to vector<2000x128xf32>
    %swap3A_68 = vector.shape_cast %dot_general3A_62 : vector<2000x128xf32> to vector<1x2000x128xf32>
    tpu.vector_store %arg4[%swap3A_63, %swap3A_64, %swap3A_65], %swap3A_68 {strides = array<i32>} : memref<8x2000x128xf32, #tpu.memory_space<vmem>>, vector<1x2000x128xf32>,
    %get3A_69 = arith.constant 768 : index
    %get3A_70 = arith.constant 0 : index
    %get3A_71 = vector.load %arg5[%get3A_69, %get3A_70] : memref<1024x128xbf16, #tpu.memory_space<vmem>>, vector<128x128xbf16>
    %dot_general3A_72 = arith.constant dense<0.000000e+00> : vector<2000x128xf32>
    %dot_general3A_73 = tpu.matmul %convert_element_type3A_4, %get3A_71, %dot_general3A_72 {dimension_numbers = #tpu.dot_dimension_numbers<[1], [0], [0], [1], [0, 0, 1, 1], [], []>, transpose_lhs_hint = false} : vector<2000x128xbf16>, vector<128x128xbf16>, vector<2000x128xf32> -> vector<2000x128xf32>
    %swap3A_74 = arith.constant 6 : index
    %swap3A_75 = arith.constant 0 : index
    %swap3A_76 = arith.constant 0 : index
    %swap3A_77 = vector.load %arg4[%swap3A_74, %swap3A_75, %swap3A_76] : memref<8x2000x128xf32, #tpu.memory_space<vmem>>, vector<1x2000x128xf32>
    %swap3A_78 = vector.shape_cast %swap3A_77 : vector<1x2000x128xf32> to vector<2000x128xf32>
    %swap3A_79 = vector.shape_cast %dot_general3A_73 : vector<2000x128xf32> to vector<1x2000x128xf32>
    tpu.vector_store %arg4[%swap3A_74, %swap3A_75, %swap3A_76], %swap3A_79 {strides = array<i32>} : memref<8x2000x128xf32, #tpu.memory_space<vmem>>, vector<1x2000x128xf32>,
    %get3A_80 = arith.constant 896 : index
    %get3A_81 = arith.constant 0 : index
    %get3A_82 = vector.load %arg5[%get3A_80, %get3A_81] : memref<1024x128xbf16, #tpu.memory_space<vmem>>, vector<128x128xbf16>
    %dot_general3A_83 = arith.constant dense<0.000000e+00> : vector<2000x128xf32>
    %dot_general3A_84 = tpu.matmul %convert_element_type3A_4, %get3A_82, %dot_general3A_83 {dimension_numbers = #tpu.dot_dimension_numbers<[1], [0], [0], [1], [0, 0, 1, 1], [], []>, transpose_lhs_hint = false} : vector<2000x128xbf16>, vector<128x128xbf16>, vector<2000x128xf32> -> vector<2000x128xf32>
    %swap3A_85 = arith.constant 7 : index
    %swap3A_86 = arith.constant 0 : index
    %swap3A_87 = arith.constant 0 : index
    %swap3A_88 = vector.load %arg4[%swap3A_85, %swap3A_86, %swap3A_87] : memref<8x2000x128xf32, #tpu.memory_space<vmem>>, vector<1x2000x128xf32>
    %swap3A_89 = vector.shape_cast %swap3A_88 : vector<1x2000x128xf32> to vector<2000x128xf32>
    %swap3A_90 = vector.shape_cast %dot_general3A_84 : vector<2000x128xf32> to vector<1x2000x128xf32>
    tpu.vector_store %arg4[%swap3A_85, %swap3A_86, %swap3A_87], %swap3A_90 {strides = array<i32>} : memref<8x2000x128xf32, #tpu.memory_space<vmem>>, vector<1x2000x128xf32>,
    return
  }
  func.func @transform_0(%arg0: i32) -> (i32, i32) {
    %c0_i32 = arith.constant 0 : i32
    %c0_i32_0 = arith.constant 0 : i32
    return %arg0, %c0_i32 : i32, i32
  }
  func.func @transform_1(%arg0: i32) -> (i32, i32) {
    %c0_i32 = arith.constant 0 : i32
    %c0_i32_0 = arith.constant 0 : i32
    %c0_i32_1 = arith.constant 0 : i32
    return %c0_i32, %c0_i32_0 : i32, i32
  }
  func.func @transform_2(%arg0: i32) -> (i32, i32) {
    %c0_i32 = arith.constant 0 : i32
    %c0_i32_0 = arith.constant 0 : i32
    %c0_i32_1 = arith.constant 0 : i32
    return %c0_i32, %c0_i32_0 : i32, i32
  }
  func.func @transform_3(%arg0: i32) -> (i32, i32, i32) {
    %c0_i32 = arith.constant 0 : i32
    %c0_i32_0 = arith.constant 0 : i32
    %c0_i32_1 = arith.constant 0 : i32
    return %c0_i32, %arg0, %c0_i32_0 : i32, i32, i32
  }
}

</mosaic_0001>

<sc_bundles>
// kernel: kernel.5.cloned.1.call-start
scs
__scs_entry_jumppad:
0x0: {  	(pc) =	sbr.rel $0x88, $3  }
0x1: {  	(tag) =	ssettag $0x0;
	lr =	simm.s32 $0x1  }
0x2: {  	[smem:$0x3F9C] =	sst lr;
	_ =	strace $0xD0000000  }
0x3: {  	_ = 	snop  }
0x4: {  	_ = 	snop  }
0x5: {  	_ = 	snop  }
0x6: {  	_ = 	snop  }
0x7: {  	_ = 	snop  }
__scs_overlays_trampoline_lowered:
0x8: {  	[smem:$0x3FAB] =	sst s0  }
0x9: {  	[smem:$0x3FAC] =	sst s1  }
0xa: {  	[smem:$0x3FAD] =	sst s2  }
0xb: {  	[smem:$0x3FAE] =	sst s3  }
0xc: {  	[smem:$0x3FAF] =	sst s4  }
0xd: {  	[smem:$0x3FB0] =	sst s5  }
0xe: {  	[smem:$0x3FB1] =	sst s6  }
0xf: {  	[smem:$0x3FB2] =	sst s7  }
0x10: {  	[smem:$0x3FB3] =	sst s8  }
0x11: {  	[smem:$0x3FB4] =	sst s9;
	s0 =	simm.s32 @!p0 $0x0  }
0x12: {  	s1 =	sld [smem:$0x3F9A];
	s0 =	simm.s32 @p0 $0x1  }
0x13: {  	[smem:$0x3FB5] =	sst s0;
	s0 =	simm.s32 @!p1 $0x0  }
0x14: {  	s2 =	sld [smem:$0x3F99];
	s0 =	simm.s32 @p1 $0x1  }
0x15: {  	[smem:$0x3FB6] =	sst s0;
	s0 =	simm.s32 @!p2 $0x0  }
0x16: {  	s3 =	sld [smem:$0x3FDB];
	s0 =	simm.s32 @p2 $0x1  }
0x17: {  	s4 =	simm.s32 $0x1BF5;
	[smem:$0x3FB8] =	sst s0  }
0x18: {  	s0 =	sld [smem:$0x3F9B];
	_ =	swait.ge [sflag:s4], $0x0  }
0x19: {  	s7 =	sld [smem:$0x3F9C]  }
0x1a: {  	s8 =	sadd.s32 $0xFFFFE003, lr  }
0x1b: {  	s9 =	sadd.s32 $0xFFFFFEF7, lr;
	s5 =	simm.s32 $0xFFFFFFFF;
	p2 =	slt.u32 s8, $0xFFFFF086  }
0x1c: {  	p1 =	slt.u32 s9, $0xF7A;
	s5 =	simm.s32 @!p2 $0x0  }
0x1d: {  	s5 =	simm.s32 @p1 $0x1;
	p0 =	seq.s32 s7, s2  }
0x1e: {  	s7 =	smul.u32 @!p0 $0xF7A, s2;
	p2 =	seq.s32 @!p0 s5, $0x0  }
0x1f: {  	s9 =	smul.u32 $0xF7A, s1;
	s8 =	simm.s32 @!p0 $0x1BF5;
	p2 =	por !p2, p0  }
0x20: {  	[sflag:s8] =	ssyncset.s32 @!p0 $0xFFFFF086;
	s6 =	sadd.s32 @!p0 s3, s7;
	s7 =	simm.s32 @!p0 $0x108  }
0x21: {  	s3 =	sadd.s32 s3, s9;
	s6 =	sadd.s32 @!p0 $0x88, s6;
	s7 =	simm.s32 @p2 $0x1082  }
0x22: {  	[simem:s7], [sflag:s8] =	dma.local @!p0 [hbm:s6], $0xF7A  }
0x23: {  	s9 =	sor.u32 $0xD0000000, s2;
	s6 =	simm.s32 $0x108;
	_ =	swait.ge @!p0 [sflag:s8], $0x0  }
0x24: {  	s3 =	sadd.s32 $0x88, s3;
	s6 =	simm.s32 @!p1 $0x1082;
	[sflag:s4] =	ssyncset.s32 $0xFFFFF086  }
0x25: {  	[simem:s6], [sflag:s4] =	dma.local [hbm:s3], $0xF7A  }
0x26: {  	[smem:$0x3F9C] =	sst s1;
	(tag) =	ssettag s2;
	_ =	strace s9  }
0x27: {  	s1 =	sld [smem:$0x3FAC]  }
0x28: {  	s2 =	sld [smem:$0x3FAD]  }
0x29: {  	s4 =	sld [smem:$0x3FAF]  }
0x2a: {  	p0 =	seq.s32 s5, $0x0;
	s5 =	sld [smem:$0x3FB0]  }
0x2b: {  	s6 =	sld [smem:$0x3FB1]  }
0x2c: {  	s7 =	sld [smem:$0x3FB2]  }
0x2d: {  	s3 =	simm.s32 $0x108;
	s8 =	sld [smem:$0x3FB3]  }
0x2e: {  	s3 =	simm.s32 @!p0 $0x1082;
	s9 =	sld [smem:$0x3FB4]  }
0x2f: {  	lr =	sadd.s32 s0, s3;
	s0 =	sld [smem:$0x3FAB]  }
0x30: {  	s3 =	sld [smem:$0x3FAE]  }
0x31: {  	[smem:$0x3FB7] =	sst s10  }
0x32: {  	s10 =	sld [smem:$0x3FB5];
	_ =	sdelay $0x3  }
0x33: {  	p0 =	seq.s32 s10, $0x1;
	s10 =	sld [smem:$0x3FB7];
	_ =	sdelay $0x3  }
0x34: {  	[smem:$0x3FB7] =	sst s10  }
0x35: {  	s10 =	sld [smem:$0x3FB6];
	_ =	sdelay $0x3  }
0x36: {  	p1 =	seq.s32 s10, $0x1;
	s10 =	sld [smem:$0x3FB7];
	_ =	sdelay $0x3  }
0x37: {  	[smem:$0x3FB7] =	sst s10  }
0x38: {  	s10 =	sld [smem:$0x3FB8]  }
0x39: {  	_ = 	snop;
	(pc) =	sbr.ind lr, $3  }
0x3a: {  	_ = 	snop  }
0x3b: {  	_ = 	snop  }
0x3c: {  	p2 =	seq.s32 s10, $0x1;
	s10 =	sld [smem:$0x3FB7]  }
0x3d: {  	_ =	shalt  }
0x3e: {  	_ =	shalt  }
0x3f: {  	_ =	shalt  }
0x40: {  	_ =	shalt  }
0x41: {  	_ =	shalt  }
0x42: {  	_ =	shalt  }
0x43: {  	_ =	shalt  }
0x44: {  	_ =	shalt  }
0x45: {  	_ =	shalt  }
0x46: {  	_ =	shalt  }
0x47: {  	_ =	shalt  }
0x48: {  	_ =	shalt  }
0x49: {  	_ =	shalt  }
0x4a: {  	_ =	shalt  }
0x4b: {  	_ =	shalt  }
0x4c: {  	_ =	shalt  }
0x4d: {  	_ =	shalt  }
0x4e: {  	_ =	shalt  }
0x4f: {  	_ =	shalt  }
0x50: {  	_ =	shalt  }
0x51: {  	_ =	shalt  }
0x52: {  	_ =	shalt  }
0x53: {  	_ =	shalt  }
0x54: {  	_ =	shalt  }
0x55: {  	_ =	shalt  }
0x56: {  	_ =	shalt  }
0x57: {  	_ =	shalt  }
0x58: {  	_ =	shalt  }
0x59: {  	_ =	shalt  }
0x5a: {  	_ =	shalt  }
0x5b: {  	_ =	shalt  }
0x5c: {  	_ =	shalt  }
0x5d: {  	_ =	shalt  }
0x5e: {  	_ =	shalt  }
0x5f: {  	_ =	shalt  }
0x60: {  	_ =	shalt  }
0x61: {  	_ =	shalt  }
0x62: {  	_ =	shalt  }
0x63: {  	_ =	shalt  }
0x64: {  	_ =	shalt  }
0x65: {  	_ =	shalt  }
0x66: {  	_ =	shalt  }
0x67: {  	_ =	shalt  }
0x68: {  	_ =	shalt  }
0x69: {  	_ =	shalt  }
0x6a: {  	_ =	shalt  }
0x6b: {  	_ =	shalt  }
0x6c: {  	_ =	shalt  }
0x6d: {  	_ =	shalt  }
0x6e: {  	_ =	shalt  }
0x6f: {  	_ =	shalt  }
0x70: {  	_ =	shalt  }
0x71: {  	_ =	shalt  }
0x72: {  	_ =	shalt  }
0x73: {  	_ =	shalt  }
0x74: {  	_ =	shalt  }
0x75: {  	_ =	shalt  }
0x76: {  	_ =	shalt  }
0x77: {  	_ =	shalt  }
0x78: {  	_ =	shalt  }
0x79: {  	_ =	shalt  }
0x7a: {  	_ =	shalt  }
0x7b: {  	_ =	shalt  }
0x7c: {  	_ =	shalt  }
0x7d: {  	_ =	shalt  }
0x7e: {  	_ =	shalt  }
0x7f: {  	_ =	shalt  }
0x80: {  	_ =	shalt  }
0x81: {  	_ =	shalt  }
0x82: {  	_ =	shalt  }
0x83: {  	_ =	shalt  }
0x84: {  	_ =	shalt  }
0x85: {  	_ =	shalt  }
0x86: {  	_ =	shalt  }
0x87: {  	_ =	shalt  }
.Lfunc_end0:
.L_simem_size_0:
called_computation_lowered:
.L_overlay_start_0:
0x88: {  	s2 =	sld [smem:$0x3FD9]  }
0x89: {  	s3 =	sld [smem:$0x3FFE];
	_ =	sdelay $0x1  }
0x8a: {  	s1 =	srdreg.scid  }
0x8b: {  	s0 =	sand.u32 $0x1, s1  }
0x8c: {  	s17 =	sshll.u32 s0, $0xA;
	s2 =	sadd.s32 s3, s2  }
0x8d: {  	s2 =	sadd.s32 s2, s17  }
0x8e: {  	[smem:$0x3FC3] =	sst s2  }
0x8f: {  	_ = 	snop  }
0x90: {  	s2 =	sld [smem:$0x3FC7]  }
0x91: {  	s18 =	sld [smem:$0x3FD0];
	(tm) =	ssettm $0x1  }
0x92: {  	s4 =	sld [smem:$0x3FFB];
	_ =	sdelay $0x3  }
0x93: {  	_ =	strace s4  }
0x94: {  	s4 =	sld [smem:$0x3FFC];
	_ =	sdelay $0x3  }
0x95: {  	_ =	strace s4  }
0x96: {  	s4 =	sld [smem:$0x3FFD];
	_ =	sdelay $0x3  }
0x97: {  	_ =	strace s4  }
0x98: {  	_ =	strace $0x8FFFFFFF  }
0x99: {  	s19 =	sld [smem:$0x3FDB];
	_ =	sdelay $0x1  }
0x9a: {  	s5 =	simm.s32 $_scs_section_size  }
0x9b: {  	s6 =	simm.s32 $_size__tile_overlayer_lowered;
	s7 =	simm.s32 $_tile_overlayer_lowered  }
0x9c: {  	s22 =	simm.s32 $0x1BFF;
	s21 =	sshll.u32 s7, $0x1;
	s4 =	sadd.s32 s5, s19  }
0x9d: {  	s8 =	simm.s32 $0x0;
	s20 =	sshll.u32 s6, $0x1;
	s6 =	sadd.s32 s21, s4  }
0x9e: {  	[timem:s8], [sflag:s22] =	dma.local [hbm:s6], s20  }
0x9f: {  	_ =	swait.ge [sflag:s22], s20  }
0xa0: {  	s5 =	ssub.s32 $0x0, s20;
	[sflag:s22] =	ssyncset.done $0x0  }
0xa1: {  	[sflag:s22] =	ssyncadd.s32 s5;
	_ =	sdelay $0x1  }
0xa2: {  	s23 =	simm.s32 $0x1B8B  }
0xa3: {  	_ =	swait.ge [sflag:s23], $0x1  }
0xa4: {  	[sflag:s23] =	ssyncset.done $0x0  }
0xa5: {  	s25 =	simm.s32 $0x1B8E;
	s24 =	sld [smem:$0x3FFE];
	[sflag:s23] =	ssyncadd.s32 $0xFFFFFFFF  }
0xa6: {  	s26 =	simm.s32 $execute0_lowered;
	[smem:$0x3FD2] =	sst s25  }
0xa7: {  	s6 =	sshll.u32 s26, $0x1;
	_ =	strace $0x80000046;
	[dreg:$0x1] =	wrdreg $0xFFFFFFFF  }
0xa8: {  	s28 =	simm.s32 $_size_execute0_lowered;
	s4 =	sadd.s32 s4, s6;
	[dreg:$0x0] =	wrdreg $0x0  }
0xa9: {  	s6 =	sshll.u32 s28, $0x1;
	[dreg:$0x2] =	wrdreg s4  }
0xaa: {  	[dreg:$0x3] =	wrdreg s6  }
0xab: {  	[dreg:$0x4] =	wrdreg $0xC0  }
0xac: {  	_ =	task [dreg:s8], $0x5FFFF  }
0xad: {  	[dreg:$0x1] =	wrdreg $0xFFFFFFFF  }
0xae: {  	[dreg:$0x0] =	wrdreg $0x60  }
0xaf: {  	[dreg:$0x2] =	wrdreg s24  }
0xb0: {  	[dreg:$0x3] =	wrdreg s18  }
0xb1: {  	[dreg:$0x4] =	wrdreg s2  }
0xb2: {  	[dreg:$0x5] =	wrdreg $0xA9800  }
0xb3: {  	[dreg:$0x6] =	wrdreg $0x9  }
0xb4: {  	_ =	task.clear_ibuf [dreg:s8], $0x7FFFF;
	_ =	strace $0x90000046  }
0xb5: {  	s29 =	simm.s32 $0x9;
	_ =	strace $0x80000048  }
0xb6: {  	_ =	swait.ge [sflag:s29], $0x1  }
0xb7: {  	[sflag:s29] =	ssyncadd.s32 $0xFFFFFFFF  }
0xb8: {  	_ =	strace $0x90000048  }
0xb9: {  	_ =	sfence  }
0xba: {  	s30 =	sld [smem:$0x0];
	_ =	sdelay $0x2  }
0xbb: {  	s31 =	sshll.u32 s1, $0xD;
	s1 =	sshrl.u32 s1, $0x2  }
0xbc: {  	s3 =	sand.u32 $0x4000, s31;
	s1 =	sadd.s32 s1, s30  }
0xbd: {  	s0 =	sor.u32 s3, s0;
	s1 =	sshll.u32 s1, $0x11  }
0xbe: {  	s0 =	sor.u32 s1, s0  }
0xbf: {  	s0 =	sadd.s32 $0x8F2B, s0  }
0xc0: {  	[sflag:s0] =	ssyncadd.remote.s32 $0x1  }
0xc1: {  	_ =	sfence.sel $0xFFFF  }
0xc2: {  	[dreg:$0x0] =	wrdreg $0xFFFFFFFF;
	(pc) =	sbr.abs _section_cstart, $3  }
0xc3: {  	[dreg:$0x1] =	wrdreg $0xFFFFFFFF  }
0xc4: {  	_ =	task.clear_ibuf [dreg:s8], $0x2FFFF;
	_ =	strace $0x9FFFFFFF  }
0xc5: {  	(tm) =	ssettm $0x7FFFFFFF  }
tec
execute0_lowered:
.L_overlay_start_1:
0x0: {  	(tag) =	ssettag $0x1  }
0x1: {  	s0 =	rddreg [dreg:$0x0]  }
0x2: {  	s8 =	rddreg [dreg:$0x1]  }
0x3: {  	s9 =	rddreg [dreg:$0x2]  }
0x4: {  	s3 =	rddreg [dreg:$0x3];
	s1 =	srdreg.scid  }
0x5: {  	s4 =	simm.s32 $0x0;
	s7 =	stileid.u32;
	s29 =	simm.s32 $0x2000  }
0x6: {  	s30 =	simm.s32 $0x3000;
	s31 =	simm.s32 $0x6;
	s1 =	sand.u32 $0x1, s1  }
0x7: {  	[smem:$0x7FF] =	sst s4;
	s25 =	smul.u32 $0x14000, s7;
	s6 =	sadd.s32 $0xA00, s0  }
0x8: {  	s4 =	simm.s32 $0x800;
	s2 =	smul.u32 $0x140000, s1;
	s5 =	sshll.u32 s1, $0x4  }
0x9: {  	s1 =	ssub.s32 $0x2, s1;
	s5 =	sor.u32 s7, s5;
	s7 =	smul.u32 $0x50000, s7  }
0xa: {  	_ =	strace $0x80000047;
	s11 =	sshrl.u32 s1, $0x1;
	s26 =	smul.u32 $0x2710, s5  }
0xb: {  	s2 =	sadd.s32 s25, s2;
	s1 =	ssub.s32 s1, s11;
	s13 =	sshrl.u32 s7, $0x2  }
0xc: {  	s11 =	simm.s32 $0x3;
	s12 =	sshrl.u32 s26, $0x3;
	s28 =	sadd.s32 s13, s3  }
0xd: {  	s2 =	sshrl.u32 s2, $0x3;
	s15 =	sadd.s32 s9, s12;
	[dreg:$0x8] =	wrdreg s28  }
0xe: {  	s0 =	sadd.s32 s2, s0;
	s2 =	sadd.s32 $0x2800, s28;
	[dreg:$0x7] =	wrdreg s15  }
0xf: {  	s5 =	simm.s32 $0x0;
	s16 =	sadd.s32 $0x5000, s28;
	[dreg:$0x9] =	wrdreg s2  }
0x10: {  	s13 =	simm.s32 $0xA0;
	s17 =	sadd.s32 $0x7800, s28;
	[dreg:$0xa] =	wrdreg s16  }
0x11: {  	s10 =	sadd.s32 s8, s12;
	s18 =	sadd.s32 $0xA000, s28;
	[dreg:$0xb] =	wrdreg s17  }
0x12: {  	s19 =	sadd.s32 $0xC800, s28;
	s20 =	sadd.s32 $0xFA, s12;
	[dreg:$0xc] =	wrdreg s18  }
0x13: {  	s21 =	sadd.s32 $0xF000, s28;
	s22 =	sadd.s32 $0x11800, s28;
	[dreg:$0xd] =	wrdreg s19  }
0x14: {  	s25 =	sadd.s32 $0x2EE, s12;
	s0 =	sadd.s32 $0x139200, s0;
	[dreg:$0xe] =	wrdreg s21  }
0x15: {  	s12 =	simm.s32 $0xA800;
	s14 =	sadd.s32 $0x9C40, s10;
	[dreg:$0xf] =	wrdreg s22  }
0x16: {  	s23 =	sadd.s32 s8, s20;
	s24 =	sadd.s32 $0x9D3A, s10;
	s2 =	sadd.s32 s9, s20  }
0x17: {  	s21 =	sadd.s32 $0xFA0, s26;
	s22 =	sadd.s32 s8, s25;
	[dreg:$0x13] =	wrdreg s0  }
0x18: {  	s26 =	smax.u32 s1, $0x1;
	[dreg:$0x5] =	wrdreg s10;
	s0 =	simm.s32 $0x1  }
0x19: {  	s8 =	simm.s32 $0x50;
	s15 =	simm.s32 $0x4;
	[dreg:$0x6] =	wrdreg s14  }
0x1a: {  	s16 =	simm.s32 $0xA880;
	s17 =	simm.s32 $0xF0;
	[dreg:$0x10] =	wrdreg s23  }
0x1b: {  	s18 =	simm.s32 $0x5;
	s19 =	simm.s32 $0xA900;
	[dreg:$0x11] =	wrdreg s24  }
0x1c: {  	s20 =	simm.s32 $0x7;
	[dreg:$0x12] =	wrdreg s2;
	s23 =	sadd.s32 s9, s25  }
0x1d: {  	[dreg:$0x14] =	wrdreg s26;
	s26 =	sadd.s32 $0x9F2E, s10;
	s9 =	simm.s32 $0x5800  }
0x1e: {  	v0 =	vimm.f32 $0.0e+00;
	s14 =	simm.s32 $0x8000;
	s24 =	simm.s32 $0x8;
	s25 =	simm.s32 $0x2  }
.LBB2_1:
0x1f: {  	[dreg:$0x15] =	wrdreg s5  }
0x20: {  	s2 =	simm.s32 $0x0;
	s1 =	rddreg [dreg:$0x5]  }
0x21: {  	[tilespmem:s2], [sflag:$0x1] =	stream.linear.gather [hbm4b:s1+s2], $0x7D0, $0x38;
	[tilespmem:$0x1E980] =	vst v63  }
0x22: {  	s7 =	rddreg [dreg:$0x6];
	s10 =	simm.s32 $0x1000  }
0x23: {  	[tilespmem:s10], [sflag:$0x1] =	stream.linear.gather [hbm4b:s7+s2], $0x7D0, $0x38;
	[tilespmem:$0x1E980] =	vst v63  }
0x24: {  	s5 =	rddreg [dreg:$0x7];
	s7 =	sand.u32 $0xFE00, s2  }
0x25: {  	[tilespmem:s29], [sflag:$0x1] =	stream.linear.gather [hbm4b:s5+s2], $0x7D0, $0x38;
	[tilespmem:$0x1E980] =	vst v63  }
0x26: {  	s10 =	sshrl.u32 s7, $0x2;
	s2 =	sand.u32 $0x70, s2  }
0x27: {  	s1 =	simm.s32 $0x40;
	s5 =	sor.u32 s2, s10;
	s2 =	simm.s32 $0x0  }
.LBB2_2:
0x28: {  	p0 =	sne.s32 s1, $0x9FC0  }
0x29: {  	[tilespmem:s5+$0x3000] =	vst v0;
	s2 =	sadd.s32 $0x10, s2;
	s5 =	smov.u32 s1;
	s1 =	sadd.s32 $0x40, s1  }
.Ltmp0:
0x2a: {  	(pc) =	sbr.rel @p0 .LBB2_2-.Ltmp0, $4  }
0x2b: {  	_ = 	snop  }
0x2c: {  	s5 =	sand.u32 $0xFE00, s5  }
0x2d: {  	s7 =	sand.u32 $0x70, s2;
	s5 =	sshrl.u32 s5, $0x2  }
0x2e: {  	s5 =	sor.u32 s7, s5  }
0x2f: {  	[tilespmem:s5+$0x3000] =	vst v0  }
0x30: {  	[spmem:s28] =	stream.linear.scatter [tilespmem:s30], [sflag:$0x6], $0x2800, $0x38;
	[tilespmem:$0x1E980] =	vst v63  }
0x31: {  	s1 =	rddreg [dreg:$0x9]  }
0x32: {  	[spmem:s1] =	stream.linear.scatter [tilespmem:s30], [sflag:$0x6], $0x2800, $0x38;
	[tilespmem:$0x1E980] =	vst v63  }
0x33: {  	s2 =	rddreg [dreg:$0xa]  }
0x34: {  	[spmem:s2] =	stream.linear.scatter [tilespmem:s30], [sflag:$0x6], $0x2800, $0x38;
	[tilespmem:$0x1E980] =	vst v63  }
0x35: {  	s5 =	rddreg [dreg:$0xb]  }
0x36: {  	[spmem:s5] =	stream.linear.scatter [tilespmem:s30], [sflag:$0x6], $0x2800, $0x38;
	[tilespmem:$0x1E980] =	vst v63  }
0x37: {  	s7 =	rddreg [dreg:$0xc]  }
0x38: {  	[spmem:s7] =	stream.linear.scatter [tilespmem:s30], [sflag:$0x6], $0x2800, $0x38;
	[tilespmem:$0x1E980] =	vst v63  }
0x39: {  	s10 =	rddreg [dreg:$0xd]  }
0x3a: {  	[spmem:s10] =	stream.linear.scatter [tilespmem:s30], [sflag:$0x6], $0x2800, $0x38;
	[tilespmem:$0x1E980] =	vst v63  }
0x3b: {  	s28 =	rddreg [dreg:$0xe]  }
0x3c: {  	[spmem:s28] =	stream.linear.scatter [tilespmem:s30], [sflag:$0x6], $0x2800, $0x38;
	[tilespmem:$0x1E980] =	vst v63  }
0x3d: {  	s2 =	rddreg [dreg:$0xf]  }
0x3e: {  	[spmem:s2] =	stream.linear.scatter [tilespmem:s30], [sflag:$0x6], $0x2800, $0x38;
	[tilespmem:$0x1E980] =	vst v63  }
0x3f: {  	_ =	swait.ge [sflag:s31], $0x2800  }
0x40: {  	[sflag:s31] =	ssyncset.done $0x0  }
0x41: {  	[sflag:s31] =	ssyncadd.s32 $0xFFFFD800  }
0x42: {  	_ =	swait.ge [sflag:s31], $0x2800  }
0x43: {  	[sflag:s31] =	ssyncset.done $0x0  }
0x44: {  	[sflag:s31] =	ssyncadd.s32 $0xFFFFD800  }
0x45: {  	_ =	swait.ge [sflag:s31], $0x2800  }
0x46: {  	[sflag:s31] =	ssyncset.done $0x0  }
0x47: {  	[sflag:s31] =	ssyncadd.s32 $0xFFFFD800  }
0x48: {  	_ =	swait.ge [sflag:s31], $0x2800  }
0x49: {  	[sflag:s31] =	ssyncset.done $0x0  }
0x4a: {  	[sflag:s31] =	ssyncadd.s32 $0xFFFFD800  }
0x4b: {  	_ =	swait.ge [sflag:s31], $0x2800  }
0x4c: {  	[sflag:s31] =	ssyncset.done $0x0  }
0x4d: {  	[sflag:s31] =	ssyncadd.s32 $0xFFFFD800  }
0x4e: {  	_ =	swait.ge [sflag:s31], $0x2800  }
0x4f: {  	[sflag:s31] =	ssyncset.done $0x0  }
0x50: {  	[sflag:s31] =	ssyncadd.s32 $0xFFFFD800  }
0x51: {  	_ =	swait.ge [sflag:s31], $0x2800  }
0x52: {  	[sflag:s31] =	ssyncset.done $0x0  }
0x53: {  	[sflag:s31] =	ssyncadd.s32 $0xFFFFD800  }
0x54: {  	_ =	swait.ge [sflag:s31], $0x2800  }
0x55: {  	[sflag:s31] =	ssyncset.done $0x0  }
0x56: {  	[sflag:s31] =	ssyncadd.s32 $0xFFFFD800  }
0x57: {  	[bflag:$0x0] =	sbarrier.arrive $0xFFFF  }
0x58: {  	_ =	swait.ge [sflag:s0], $0x7D0  }
0x59: {  	[sflag:s0] =	ssyncset.done $0x0  }
0x5a: {  	[sflag:s0] =	ssyncadd.s32 $0xFFFFF830  }
0x5b: {  	_ =	swait.ge [sflag:s0], $0x7D0  }
0x5c: {  	[sflag:s0] =	ssyncset.done $0x0  }
0x5d: {  	[sflag:s0] =	ssyncadd.s32 $0xFFFFF830  }
0x5e: {  	_ =	swait.ge [sflag:s0], $0x7D0  }
0x5f: {  	[sflag:s0] =	ssyncset.done $0x0  }
0x60: {  	s1 =	simm.s32 $0x0;
	s2 =	rddreg [dreg:$0x10];
	[sflag:s0] =	ssyncadd.s32 $0xFFFFF830  }
0x61: {  	[tilespmem:s4], [sflag:$0x2] =	stream.linear.gather [hbm4b:s2+s1], $0x7D0, $0x38;
	[tilespmem:$0x1E980] =	vst v63  }
0x62: {  	s7 =	simm.s32 $0x1800;
	s5 =	rddreg [dreg:$0x11]  }
0x63: {  	[tilespmem:s7], [sflag:$0x2] =	stream.linear.gather [hbm4b:s5+s1], $0x7D0, $0x38;
	[tilespmem:$0x1E980] =	vst v63  }
0x64: {  	s28 =	simm.s32 $0x2800;
	s10 =	rddreg [dreg:$0x12]  }
0x65: {  	[tilespmem:s28], [sflag:$0x2] =	stream.linear.gather [hbm4b:s10+s1], $0x7D0, $0x38;
	[tilespmem:$0x1E980] =	vst v63  }
0x66: {  	s1 =	simm.s32 $0x0  }
0x67: {  	v2 =	vld [tilespmem:s1+$0x2000];
	_ =	sdelay $0x1  }
0x68: {  	v1 =	vld [tilespmem:s1+$0x0];
	_ =	sdelay $0x2  }
0x69: {  	v2 =	vmul.u32 $0x2710, v2  }
0x6a: {  	s2 =	simm.s32 $0x10;
	s5 =	simm.s32 $0x80  }
.LBB2_4:
0x6b: {  	p0 =	sne.s32 s5, $0x1F00;
	v3 =	vld [tilespmem:s2+$0x2000];
	v1 =	vadd.s32 v1, v2  }
0x6c: {  	[tilespmem:s1+$0x0] =	vst v1;
	s1 =	smov.u32 s2  }
.Ltmp1:
0x6d: {  	v1 =	vld [tilespmem:s1+$0x0];
	(pc) =	sbr.rel @p0 .LBB2_4-.Ltmp1, $3  }
0x6e: {  	_ =	sdelay $0x1  }
0x6f: {  	v2 =	vmul.u32 $0x2710, v3  }
0x70: {  	s2 =	sshra.s32 s5, $0x2;
	s5 =	sadd.s32 $0x40, s5  }
0x71: {  	v3 =	vld [tilespmem:s2+$0x2000];
	v1 =	vadd.s32 v1, v2  }
0x72: {  	[tilespmem:s1+$0x0] =	vst v1  }
0x73: {  	v1 =	vld [tilespmem:s2+$0x0];
	_ =	sdelay $0x2  }
0x74: {  	v2 =	vmul.u32 $0x2710, v3;
	_ =	sdelay $0x1  }
0x75: {  	v1 =	vadd.s32 v1, v2  }
0x76: {  	[tilespmem:s2+$0x0] =	vst v1  }
0x77: {  	v1 =	vld [tilespmem:$0x1000]  }
0x78: {  	v2 =	vld [tilespmem:$0x1010]  }
0x79: {  	v3 =	vld [tilespmem:$0x1020]  }
0x7a: {  	v4 =	vld [tilespmem:$0x1030]  }
0x7b: {  	v5 =	vld [tilespmem:$0x1040]  }
0x7c: {  	[tilespmem:$0xA800] =	vst v1  }
0x7d: {  	[tilespmem:$0xA810] =	vst v2  }
0x7e: {  	[tilespmem:$0xA820] =	vst v3  }
0x7f: {  	[tilespmem:$0xA830] =	vst v4  }
0x80: {  	s7 =	simm.s32 $0x0;
	[tilespmem:$0xA840] =	vst v5  }
0x81: {  	[tilespmem:s30], [sflag:$0x3] =	stream.indirect.gather [hbm4b:s6+s8], $0x80, s7, s8, $0xb8;
	[tilespmem:$0x1E980] =	vst v63  }
0x82: {  	v1 =	vld [tilespmem:$0x1050]  }
0x83: {  	v2 =	vld [tilespmem:$0x1060]  }
0x84: {  	v3 =	vld [tilespmem:$0x1070]  }
0x85: {  	v58 =	vld [tilespmem:$0x1080]  }
0x86: {  	v59 =	vld [tilespmem:$0x1090]  }
0x87: {  	[tilespmem:$0xA880] =	vst v1  }
0x88: {  	[tilespmem:$0xA890] =	vst v2  }
0x89: {  	[tilespmem:$0xA8A0] =	vst v3  }
0x8a: {  	[tilespmem:$0xA8B0] =	vst v58  }
0x8b: {  	[tilespmem:$0xA8C0] =	vst v59  }
0x8c: {  	[tilespmem:s9], [sflag:$0x4] =	stream.indirect.gather [hbm4b:s6+s8], $0x80, s8, s8, $0xb8;
	[tilespmem:$0x1E980] =	vst v63  }
0x8d: {  	_ =	swait.ge [sflag:s11], $0x2800  }
0x8e: {  	[sflag:s11] =	ssyncset.done $0x0  }
0x8f: {  	[sflag:s11] =	ssyncadd.s32 $0xFFFFD800  }
0x90: {  	[spmem:s3] =	stream.indirect.scatter.add.f32 [tilespmem:s30], [sflag:$0x6], $0x80, s12, s8, $0xb8;
	[tilespmem:$0x1E980] =	vst v63  }
0x91: {  	v1 =	vld [tilespmem:$0x10A0]  }
0x92: {  	v2 =	vld [tilespmem:$0x10B0]  }
0x93: {  	v3 =	vld [tilespmem:$0x10C0]  }
0x94: {  	v60 =	vld [tilespmem:$0x10D0]  }
0x95: {  	v61 =	vld [tilespmem:$0x10E0]  }
0x96: {  	[tilespmem:$0xA900] =	vst v1  }
0x97: {  	[tilespmem:$0xA910] =	vst v2  }
0x98: {  	[tilespmem:$0xA920] =	vst v3  }
0x99: {  	[tilespmem:$0xA930] =	vst v60  }
0x9a: {  	[tilespmem:$0xA940] =	vst v61  }
0x9b: {  	[tilespmem:s14], [sflag:$0x5] =	stream.indirect.gather [hbm4b:s6+s8], $0x80, s13, s8, $0xb8;
	[tilespmem:$0x1E980] =	vst v63  }
0x9c: {  	_ =	swait.ge [sflag:s15], $0x2800  }
0x9d: {  	[sflag:s15] =	ssyncset.done $0x0  }
0x9e: {  	[sflag:s15] =	ssyncadd.s32 $0xFFFFD800  }
0x9f: {  	[spmem:s3] =	stream.indirect.scatter.add.f32 [tilespmem:s9], [sflag:$0x7], $0x80, s16, s8, $0xb8;
	[tilespmem:$0x1E980] =	vst v63  }
0xa0: {  	_ =	swait.ge [sflag:s31], $0x2800  }
0xa1: {  	[sflag:s31] =	ssyncset.done $0x0  }
0xa2: {  	[sflag:s31] =	ssyncadd.s32 $0xFFFFD800  }
0xa3: {  	v1 =	vld [tilespmem:$0x10F0]  }
0xa4: {  	v2 =	vld [tilespmem:$0x1100]  }
0xa5: {  	v3 =	vld [tilespmem:$0x1110]  }
0xa6: {  	v62 =	vld [tilespmem:$0x1120]  }
0xa7: {  	v63 =	vld [tilespmem:$0x1130]  }
0xa8: {  	[tilespmem:$0xA800] =	vst v1  }
0xa9: {  	[tilespmem:$0xA810] =	vst v2  }
0xaa: {  	[tilespmem:$0xA820] =	vst v3  }
0xab: {  	[tilespmem:$0xA830] =	vst v62  }
0xac: {  	[tilespmem:$0xA840] =	vst v63  }
0xad: {  	[tilespmem:s30], [sflag:$0x3] =	stream.indirect.gather [hbm4b:s6+s8], $0x80, s17, s8, $0xb8;
	[tilespmem:$0x1E980] =	vst v63  }
0xae: {  	_ =	swait.ge [sflag:s18], $0x2800  }
0xaf: {  	[sflag:s18] =	ssyncset.done $0x0  }
0xb0: {  	[sflag:s18] =	ssyncadd.s32 $0xFFFFD800  }
0xb1: {  	[spmem:s3] =	stream.indirect.scatter.add.f32 [tilespmem:s14], [sflag:$0x8], $0x80, s19, s8, $0xb8;
	[tilespmem:$0x1E980] =	vst v63  }
0xb2: {  	_ =	swait.ge [sflag:s20], $0x2800  }
0xb3: {  	[sflag:s20] =	ssyncset.done $0x0  }
0xb4: {  	s10 =	simm.s32 $0x1220;
	[sflag:s20] =	ssyncadd.s32 $0xFFFFD800  }
0xb5: {  	v1 =	vld [tilespmem:s10+$0xFFFFFF20];
	_ =	sdelay $0x4  }
0xb6: {  	[tilespmem:$0xA880] =	vst v1  }
0xb7: {  	v1 =	vld [tilespmem:s10+$0xFFFFFF30];
	_ =	sdelay $0x4  }
0xb8: {  	[tilespmem:$0xA890] =	vst v1  }
0xb9: {  	v1 =	vld [tilespmem:s10+$0xFFFFFF40];
	_ =	sdelay $0x4  }
0xba: {  	[tilespmem:$0xA8A0] =	vst v1  }
0xbb: {  	v1 =	vld [tilespmem:s10+$0xFFFFFF50];
	_ =	sdelay $0x4  }
0xbc: {  	s1 =	sand.u32 $0x7F0, s7;
	[tilespmem:$0xA8B0] =	vst v1  }
0xbd: {  	v1 =	vld [tilespmem:s1+$0x1180];
	_ =	sdelay $0x4  }
0xbe: {  	s5 =	simm.s32 $0x140;
	[tilespmem:$0xA8C0] =	vst v1  }
0xbf: {  	[tilespmem:s9], [sflag:$0x4] =	stream.indirect.gather [hbm4b:s6+s8], $0x80, s5, s8, $0xb8;
	[tilespmem:$0x1E980] =	vst v63  }
0xc0: {  	_ =	swait.ge [sflag:s11], $0x2800  }
0xc1: {  	[sflag:s11] =	ssyncset.done $0x0  }
0xc2: {  	[sflag:s11] =	ssyncadd.s32 $0xFFFFD800  }
0xc3: {  	[spmem:s3] =	stream.indirect.scatter.add.f32 [tilespmem:s30], [sflag:$0x6], $0x80, s12, s8, $0xb8;
	[tilespmem:$0x1E980] =	vst v63  }
0xc4: {  	_ =	swait.ge [sflag:s24], $0x2800  }
0xc5: {  	[sflag:s24] =	ssyncset.done $0x0  }
0xc6: {  	[sflag:s24] =	ssyncadd.s32 $0xFFFFD800  }
0xc7: {  	v1 =	vld [tilespmem:s10+$0xFFFFFF70];
	_ =	sdelay $0x4  }
0xc8: {  	[tilespmem:$0xA900] =	vst v1  }
0xc9: {  	v1 =	vld [tilespmem:s10+$0xFFFFFF80];
	_ =	sdelay $0x4  }
0xca: {  	[tilespmem:$0xA910] =	vst v1  }
0xcb: {  	v1 =	vld [tilespmem:s10+$0xFFFFFF90];
	_ =	sdelay $0x4  }
0xcc: {  	[tilespmem:$0xA920] =	vst v1  }
0xcd: {  	v1 =	vld [tilespmem:s10+$0xFFFFFFA0];
	_ =	sdelay $0x4  }
0xce: {  	[tilespmem:$0xA930] =	vst v1  }
0xcf: {  	v1 =	vld [tilespmem:s10+$0xFFFFFFB0];
	_ =	sdelay $0x4  }
0xd0: {  	s28 =	simm.s32 $0x190;
	[tilespmem:$0xA940] =	vst v1  }
0xd1: {  	[tilespmem:s14], [sflag:$0x5] =	stream.indirect.gather [hbm4b:s6+s8], $0x80, s28, s8, $0xb8;
	[tilespmem:$0x1E980] =	vst v63  }
0xd2: {  	_ =	swait.ge [sflag:s15], $0x2800  }
0xd3: {  	[sflag:s15] =	ssyncset.done $0x0  }
0xd4: {  	[sflag:s15] =	ssyncadd.s32 $0xFFFFD800  }
0xd5: {  	[spmem:s3] =	stream.indirect.scatter.add.f32 [tilespmem:s9], [sflag:$0x7], $0x80, s16, s8, $0xb8;
	[tilespmem:$0x1E980] =	vst v63  }
0xd6: {  	_ =	swait.ge [sflag:s31], $0x2800  }
0xd7: {  	[sflag:s31] =	ssyncset.done $0x0  }
0xd8: {  	[sflag:s31] =	ssyncadd.s32 $0xFFFFD800  }
0xd9: {  	v1 =	vld [tilespmem:s10+$0xFFFFFFC0];
	_ =	sdelay $0x4  }
0xda: {  	[tilespmem:$0xA800] =	vst v1  }
0xdb: {  	v1 =	vld [tilespmem:s10+$0xFFFFFFD0];
	_ =	sdelay $0x4  }
0xdc: {  	[tilespmem:$0xA810] =	vst v1  }
0xdd: {  	v1 =	vld [tilespmem:s1+$0x1200];
	_ =	sdelay $0x4  }
0xde: {  	[tilespmem:$0xA820] =	vst v1  }
0xdf: {  	v1 =	vld [tilespmem:s10+$0xFFFFFFF0];
	_ =	sdelay $0x4  }
0xe0: {  	[tilespmem:$0xA830] =	vst v1  }
0xe1: {  	v1 =	vld [tilespmem:s10+$0x0];
	_ =	sdelay $0x3  }
0xe2: {  	s2 =	simm.s32 $0x230  }
0xe3: {  	s7 =	simm.s32 $0x1310;
	s5 =	simm.s32 $0x1E0;
	s1 =	simm.s32 $0xF0;
	[tilespmem:$0xA840] =	vst v1  }
.LBB2_6:
0xe4: {  	[tilespmem:s30], [sflag:$0x3] =	stream.indirect.gather [hbm4b:s6+s8], $0x80, s5, s8, $0xb8;
	[tilespmem:$0x1E980] =	vst v63  }
0xe5: {  	s5 =	smov.u32 s1  }
0xe6: {  	p0 =	sne.s32 s1, $0x5A0;
	s1 =	sadd.s32 $0xF0, s1;
	_ =	swait.ge [sflag:s18], $0x2800  }
0xe7: {  	[sflag:s18] =	ssyncset.done $0x0  }
0xe8: {  	[sflag:s18] =	ssyncadd.s32 $0xFFFFD800  }
0xe9: {  	[spmem:s3] =	stream.indirect.scatter.add.f32 [tilespmem:s14], [sflag:$0x8], $0x80, s19, s8, $0xb8;
	[tilespmem:$0x1E980] =	vst v63  }
0xea: {  	_ =	swait.ge [sflag:s20], $0x2800  }
0xeb: {  	[sflag:s20] =	ssyncset.done $0x0  }
0xec: {  	[sflag:s20] =	ssyncadd.s32 $0xFFFFD800  }
0xed: {  	v1 =	vld [tilespmem:s7+$0xFFFFFF20];
	_ =	sdelay $0x4  }
0xee: {  	[tilespmem:$0xA880] =	vst v1  }
0xef: {  	v1 =	vld [tilespmem:s7+$0xFFFFFF30];
	_ =	sdelay $0x4  }
0xf0: {  	[tilespmem:$0xA890] =	vst v1  }
0xf1: {  	v1 =	vld [tilespmem:s7+$0xFFFFFF40];
	_ =	sdelay $0x4  }
0xf2: {  	[tilespmem:$0xA8A0] =	vst v1  }
0xf3: {  	v1 =	vld [tilespmem:s7+$0xFFFFFF50];
	_ =	sdelay $0x4  }
0xf4: {  	s10 =	sand.u32 $0x7F0, s5;
	[tilespmem:$0xA8B0] =	vst v1  }
0xf5: {  	v1 =	vld [tilespmem:s10+$0x1180];
	_ =	sdelay $0x4  }
0xf6: {  	[tilespmem:$0xA8C0] =	vst v1  }
0xf7: {  	[tilespmem:s9], [sflag:$0x4] =	stream.indirect.gather [hbm4b:s6+s8], $0x80, s2, s8, $0xb8;
	[tilespmem:$0x1E980] =	vst v63  }
0xf8: {  	_ =	swait.ge [sflag:s11], $0x2800  }
0xf9: {  	[sflag:s11] =	ssyncset.done $0x0  }
0xfa: {  	[sflag:s11] =	ssyncadd.s32 $0xFFFFD800  }
0xfb: {  	[spmem:s3] =	stream.indirect.scatter.add.f32 [tilespmem:s30], [sflag:$0x6], $0x80, s12, s8, $0xb8;
	[tilespmem:$0x1E980] =	vst v63  }
0xfc: {  	_ =	swait.ge [sflag:s24], $0x2800  }
0xfd: {  	[sflag:s24] =	ssyncset.done $0x0  }
0xfe: {  	[sflag:s24] =	ssyncadd.s32 $0xFFFFD800  }
0xff: {  	v1 =	vld [tilespmem:s7+$0xFFFFFF70];
	_ =	sdelay $0x4  }
0x100: {  	[tilespmem:$0xA900] =	vst v1  }
0x101: {  	v1 =	vld [tilespmem:s7+$0xFFFFFF80];
	_ =	sdelay $0x4  }
0x102: {  	[tilespmem:$0xA910] =	vst v1  }
0x103: {  	v1 =	vld [tilespmem:s7+$0xFFFFFF90];
	_ =	sdelay $0x4  }
0x104: {  	[tilespmem:$0xA920] =	vst v1  }
0x105: {  	v1 =	vld [tilespmem:s7+$0xFFFFFFA0];
	_ =	sdelay $0x4  }
0x106: {  	[tilespmem:$0xA930] =	vst v1  }
0x107: {  	v1 =	vld [tilespmem:s7+$0xFFFFFFB0];
	_ =	sdelay $0x4  }
0x108: {  	s5 =	sadd.s32 $0x50, s2;
	[tilespmem:$0xA940] =	vst v1  }
0x109: {  	[tilespmem:s14], [sflag:$0x5] =	stream.indirect.gather [hbm4b:s6+s8], $0x80, s5, s8, $0xb8;
	[tilespmem:$0x1E980] =	vst v63  }
0x10a: {  	_ =	swait.ge [sflag:s15], $0x2800  }
0x10b: {  	[sflag:s15] =	ssyncset.done $0x0  }
0x10c: {  	[sflag:s15] =	ssyncadd.s32 $0xFFFFD800  }
0x10d: {  	[spmem:s3] =	stream.indirect.scatter.add.f32 [tilespmem:s9], [sflag:$0x7], $0x80, s16, s8, $0xb8;
	[tilespmem:$0x1E980] =	vst v63  }
0x10e: {  	_ =	swait.ge [sflag:s31], $0x2800  }
0x10f: {  	[sflag:s31] =	ssyncset.done $0x0  }
0x110: {  	[sflag:s31] =	ssyncadd.s32 $0xFFFFD800  }
0x111: {  	v1 =	vld [tilespmem:s7+$0xFFFFFFC0];
	_ =	sdelay $0x4  }
0x112: {  	[tilespmem:$0xA800] =	vst v1  }
0x113: {  	v1 =	vld [tilespmem:s7+$0xFFFFFFD0];
	_ =	sdelay $0x4  }
0x114: {  	[tilespmem:$0xA810] =	vst v1  }
0x115: {  	v1 =	vld [tilespmem:s10+$0x1200];
	_ =	sdelay $0x4  }
0x116: {  	[tilespmem:$0xA820] =	vst v1  }
0x117: {  	v1 =	vld [tilespmem:s7+$0xFFFFFFF0];
	_ =	sdelay $0x4  }
0x118: {  	[tilespmem:$0xA830] =	vst v1  }
0x119: {  	v1 =	vld [tilespmem:s7+$0x0]  }
.Ltmp2:
0x11a: {  	(pc) =	sbr.rel @p0 .LBB2_6-.Ltmp2, $2  }
0x11b: {  	_ =	sdelay $0x2  }
0x11c: {  	s5 =	sadd.s32 $0xA0, s2;
	s2 =	sadd.s32 $0xF0, s2;
	s7 =	sadd.s32 $0xF0, s7;
	[tilespmem:$0xA840] =	vst v1  }
0x11d: {  	[tilespmem:s30], [sflag:$0x3] =	stream.indirect.gather [hbm4b:s6+s8], $0x80, s5, s8, $0xb8;
	[tilespmem:$0x1E980] =	vst v63  }
0x11e: {  	_ =	swait.ge [sflag:s18], $0x2800  }
0x11f: {  	[sflag:s18] =	ssyncset.done $0x0  }
0x120: {  	[sflag:s18] =	ssyncadd.s32 $0xFFFFD800  }
0x121: {  	[spmem:s3] =	stream.indirect.scatter.add.f32 [tilespmem:s14], [sflag:$0x8], $0x80, s19, s8, $0xb8;
	[tilespmem:$0x1E980] =	vst v63  }
0x122: {  	_ =	swait.ge [sflag:s11], $0x2800  }
0x123: {  	s1 =	simm.s32 $0x0;
	[sflag:s11] =	ssyncset.done $0x0  }
0x124: {  	p1 =	por $0x1, $0x1;
	s2 =	simm.s32 $0x0;
	[sflag:s11] =	ssyncadd.s32 $0xFFFFD800  }
0x125: {  	[spmem:s3] =	stream.indirect.scatter.add.f32 [tilespmem:s30], [sflag:$0x6], $0x80, s12, s8, $0xb8;
	[tilespmem:$0x1E980] =	vst v63  }
.LBB2_8:
0x126: {  	_ =	swait.ge [sflag:s25], $0x7D0  }
0x127: {  	[sflag:s25] =	ssyncset.done $0x0  }
0x128: {  	[sflag:s25] =	ssyncadd.s32 $0xFFFFF830  }
0x129: {  	_ =	swait.ge [sflag:s25], $0x7D0  }
0x12a: {  	[sflag:s25] =	ssyncset.done $0x0  }
0x12b: {  	[sflag:s25] =	ssyncadd.s32 $0xFFFFF830  }
0x12c: {  	_ =	swait.ge [sflag:s25], $0x7D0  }
0x12d: {  	[sflag:s25] =	ssyncset.done $0x0  }
0x12e: {  	s2 =	sadd.s32 s2, s21;
	[sflag:s25] =	ssyncadd.s32 $0xFFFFF830  }
0x12f: {  	s2 =	sshrl.u32 s2, $0x3;
	s5 =	rddreg [dreg:$0x1]  }
0x130: {  	s5 =	sadd.s32 s5, s2  }
0x131: {  	[tilespmem:s1], [sflag:$0x1] =	stream.linear.gather [hbm4b:s5+s1], $0x7D0, $0x38;
	[tilespmem:$0x1E980] =	vst v63  }
0x132: {  	s7 =	simm.s32 $0x1000;
	s28 =	rddreg [dreg:$0x2];
	s5 =	sadd.s32 $0x9C40, s5  }
0x133: {  	[tilespmem:s7], [sflag:$0x1] =	stream.linear.gather [hbm4b:s5+s1], $0x7D0, $0x38;
	[tilespmem:$0x1E980] =	vst v63  }
0x134: {  	s2 =	sadd.s32 s28, s2  }
0x135: {  	[tilespmem:s29], [sflag:$0x1] =	stream.linear.gather [hbm4b:s2+s1], $0x7D0, $0x38;
	[tilespmem:$0x1E980] =	vst v63  }
0x136: {  	s2 =	simm.s32 $0x0  }
0x137: {  	v2 =	vld [tilespmem:s2+$0x2800];
	_ =	sdelay $0x1  }
0x138: {  	v1 =	vld [tilespmem:s2+$0x800];
	_ =	sdelay $0x2  }
0x139: {  	v2 =	vmul.u32 $0x2710, v2  }
0x13a: {  	p0 =	por p1, p1;
	s5 =	simm.s32 $0x10;
	s7 =	simm.s32 $0x80  }
.LBB2_9:
0x13b: {  	p1 =	sne.s32 s7, $0x1F00;
	v3 =	vld [tilespmem:s5+$0x2800];
	v1 =	vadd.s32 v1, v2  }
0x13c: {  	[tilespmem:s2+$0x800] =	vst v1;
	s2 =	smov.u32 s5  }
.Ltmp3:
0x13d: {  	v1 =	vld [tilespmem:s2+$0x800];
	(pc) =	sbr.rel @p1 .LBB2_9-.Ltmp3, $3  }
0x13e: {  	_ =	sdelay $0x1  }
0x13f: {  	v2 =	vmul.u32 $0x2710, v3  }
0x140: {  	s5 =	sshra.s32 s7, $0x2;
	s7 =	sadd.s32 $0x40, s7  }
0x141: {  	v3 =	vld [tilespmem:s5+$0x2800];
	v1 =	vadd.s32 v1, v2  }
0x142: {  	[tilespmem:s2+$0x800] =	vst v1  }
0x143: {  	v1 =	vld [tilespmem:s5+$0x800];
	_ =	sdelay $0x2  }
0x144: {  	v2 =	vmul.u32 $0x2710, v3;
	_ =	sdelay $0x1  }
0x145: {  	v1 =	vadd.s32 v1, v2  }
0x146: {  	[tilespmem:s5+$0x800] =	vst v1  }
0x147: {  	_ =	swait.ge [sflag:s31], $0x2800  }
0x148: {  	[sflag:s31] =	ssyncset.done $0x0  }
0x149: {  	[sflag:s31] =	ssyncadd.s32 $0xFFFFD800  }
0x14a: {  	v1 =	vld [tilespmem:$0x1800]  }
0x14b: {  	v2 =	vld [tilespmem:$0x1810]  }
0x14c: {  	v3 =	vld [tilespmem:$0x1820]  }
0x14d: {  	v4 =	vld [tilespmem:$0x1830]  }
0x14e: {  	v5 =	vld [tilespmem:$0x1840]  }
0x14f: {  	[tilespmem:$0xA800] =	vst v1  }
0x150: {  	[tilespmem:$0xA810] =	vst v2  }
0x151: {  	[tilespmem:$0xA820] =	vst v3  }
0x152: {  	[tilespmem:$0xA830] =	vst v4  }
0x153: {  	[tilespmem:$0xA840] =	vst v5  }
0x154: {  	[tilespmem:s30], [sflag:$0x3] =	stream.indirect.gather [hbm4b:s6+s8], $0x80, s4, s8, $0xb8;
	[tilespmem:$0x1E980] =	vst v63  }
0x155: {  	_ =	swait.ge [sflag:s20], $0x2800  }
0x156: {  	[sflag:s20] =	ssyncset.done $0x0  }
0x157: {  	[sflag:s20] =	ssyncadd.s32 $0xFFFFD800  }
0x158: {  	v1 =	vld [tilespmem:$0x1850]  }
0x159: {  	v2 =	vld [tilespmem:$0x1860]  }
0x15a: {  	v3 =	vld [tilespmem:$0x1870]  }
0x15b: {  	v58 =	vld [tilespmem:$0x1880]  }
0x15c: {  	v59 =	vld [tilespmem:$0x1890]  }
0x15d: {  	[tilespmem:$0xA880] =	vst v1  }
0x15e: {  	[tilespmem:$0xA890] =	vst v2  }
0x15f: {  	[tilespmem:$0xA8A0] =	vst v3  }
0x160: {  	[tilespmem:$0xA8B0] =	vst v58  }
0x161: {  	s28 =	simm.s32 $0x850;
	[tilespmem:$0xA8C0] =	vst v59  }
0x162: {  	[tilespmem:s9], [sflag:$0x4] =	stream.indirect.gather [hbm4b:s6+s8], $0x80, s28, s8, $0xb8;
	[tilespmem:$0x1E980] =	vst v63  }
0x163: {  	_ =	swait.ge [sflag:s11], $0x2800  }
0x164: {  	[sflag:s11] =	ssyncset.done $0x0  }
0x165: {  	[sflag:s11] =	ssyncadd.s32 $0xFFFFD800  }
0x166: {  	[spmem:s3] =	stream.indirect.scatter.add.f32 [tilespmem:s30], [sflag:$0x6], $0x80, s12, s8, $0xb8;
	[tilespmem:$0x1E980] =	vst v63  }
0x167: {  	_ =	swait.ge [sflag:s24], $0x2800  }
0x168: {  	[sflag:s24] =	ssyncset.done $0x0  }
0x169: {  	[sflag:s24] =	ssyncadd.s32 $0xFFFFD800  }
0x16a: {  	v1 =	vld [tilespmem:$0x18A0]  }
0x16b: {  	v2 =	vld [tilespmem:$0x18B0]  }
0x16c: {  	v3 =	vld [tilespmem:$0x18C0]  }
0x16d: {  	v60 =	vld [tilespmem:$0x18D0]  }
0x16e: {  	v61 =	vld [tilespmem:$0x18E0]  }
0x16f: {  	[tilespmem:$0xA900] =	vst v1  }
0x170: {  	[tilespmem:$0xA910] =	vst v2  }
0x171: {  	[tilespmem:$0xA920] =	vst v3  }
0x172: {  	[tilespmem:$0xA930] =	vst v60  }
0x173: {  	s5 =	simm.s32 $0x8A0;
	[tilespmem:$0xA940] =	vst v61  }
0x174: {  	[tilespmem:s14], [sflag:$0x5] =	stream.indirect.gather [hbm4b:s6+s8], $0x80, s5, s8, $0xb8;
	[tilespmem:$0x1E980] =	vst v63  }
0x175: {  	_ =	swait.ge [sflag:s15], $0x2800  }
0x176: {  	[sflag:s15] =	ssyncset.done $0x0  }
0x177: {  	[sflag:s15] =	ssyncadd.s32 $0xFFFFD800  }
0x178: {  	[spmem:s3] =	stream.indirect.scatter.add.f32 [tilespmem:s9], [sflag:$0x7], $0x80, s16, s8, $0xb8;
	[tilespmem:$0x1E980] =	vst v63  }
0x179: {  	_ =	swait.ge [sflag:s31], $0x2800  }
0x17a: {  	[sflag:s31] =	ssyncset.done $0x0  }
0x17b: {  	[sflag:s31] =	ssyncadd.s32 $0xFFFFD800  }
0x17c: {  	v1 =	vld [tilespmem:$0x18F0]  }
0x17d: {  	v2 =	vld [tilespmem:$0x1900]  }
0x17e: {  	v3 =	vld [tilespmem:$0x1910]  }
0x17f: {  	v62 =	vld [tilespmem:$0x1920]  }
0x180: {  	v63 =	vld [tilespmem:$0x1930]  }
0x181: {  	[tilespmem:$0xA800] =	vst v1  }
0x182: {  	[tilespmem:$0xA810] =	vst v2  }
0x183: {  	[tilespmem:$0xA820] =	vst v3  }
0x184: {  	[tilespmem:$0xA830] =	vst v62  }
0x185: {  	s7 =	simm.s32 $0x8F0;
	[tilespmem:$0xA840] =	vst v63  }
0x186: {  	[tilespmem:s30], [sflag:$0x3] =	stream.indirect.gather [hbm4b:s6+s8], $0x80, s7, s8, $0xb8;
	[tilespmem:$0x1E980] =	vst v63  }
0x187: {  	_ =	swait.ge [sflag:s18], $0x2800  }
0x188: {  	[sflag:s18] =	ssyncset.done $0x0  }
0x189: {  	[sflag:s18] =	ssyncadd.s32 $0xFFFFD800  }
0x18a: {  	[spmem:s3] =	stream.indirect.scatter.add.f32 [tilespmem:s14], [sflag:$0x8], $0x80, s19, s8, $0xb8;
	[tilespmem:$0x1E980] =	vst v63  }
0x18b: {  	_ =	swait.ge [sflag:s20], $0x2800  }
0x18c: {  	[sflag:s20] =	ssyncset.done $0x0  }
0x18d: {  	s2 =	simm.s32 $0x1A20;
	[sflag:s20] =	ssyncadd.s32 $0xFFFFD800  }
0x18e: {  	v1 =	vld [tilespmem:s2+$0xFFFFFF20];
	_ =	sdelay $0x4  }
0x18f: {  	[tilespmem:$0xA880] =	vst v1  }
0x190: {  	v1 =	vld [tilespmem:s2+$0xFFFFFF30];
	_ =	sdelay $0x4  }
0x191: {  	[tilespmem:$0xA890] =	vst v1  }
0x192: {  	v1 =	vld [tilespmem:s2+$0xFFFFFF40];
	_ =	sdelay $0x4  }
0x193: {  	[tilespmem:$0xA8A0] =	vst v1  }
0x194: {  	v1 =	vld [tilespmem:s2+$0xFFFFFF50];
	_ =	sdelay $0x3  }
0x195: {  	s10 =	simm.s32 $0x0  }
0x196: {  	s5 =	sand.u32 $0x7F0, s10;
	[tilespmem:$0xA8B0] =	vst v1  }
0x197: {  	v1 =	vld [tilespmem:s5+$0x1980];
	_ =	sdelay $0x4  }
0x198: {  	s7 =	simm.s32 $0x940;
	[tilespmem:$0xA8C0] =	vst v1  }
0x199: {  	[tilespmem:s9], [sflag:$0x4] =	stream.indirect.gather [hbm4b:s6+s8], $0x80, s7, s8, $0xb8;
	[tilespmem:$0x1E980] =	vst v63  }
0x19a: {  	_ =	swait.ge [sflag:s11], $0x2800  }
0x19b: {  	[sflag:s11] =	ssyncset.done $0x0  }
0x19c: {  	[sflag:s11] =	ssyncadd.s32 $0xFFFFD800  }
0x19d: {  	[spmem:s3] =	stream.indirect.scatter.add.f32 [tilespmem:s30], [sflag:$0x6], $0x80, s12, s8, $0xb8;
	[tilespmem:$0x1E980] =	vst v63  }
0x19e: {  	_ =	swait.ge [sflag:s24], $0x2800  }
0x19f: {  	[sflag:s24] =	ssyncset.done $0x0  }
0x1a0: {  	[sflag:s24] =	ssyncadd.s32 $0xFFFFD800  }
0x1a1: {  	v1 =	vld [tilespmem:s2+$0xFFFFFF70];
	_ =	sdelay $0x4  }
0x1a2: {  	[tilespmem:$0xA900] =	vst v1  }
0x1a3: {  	v1 =	vld [tilespmem:s2+$0xFFFFFF80];
	_ =	sdelay $0x4  }
0x1a4: {  	[tilespmem:$0xA910] =	vst v1  }
0x1a5: {  	v1 =	vld [tilespmem:s2+$0xFFFFFF90];
	_ =	sdelay $0x4  }
0x1a6: {  	[tilespmem:$0xA920] =	vst v1  }
0x1a7: {  	v1 =	vld [tilespmem:s2+$0xFFFFFFA0];
	_ =	sdelay $0x4  }
0x1a8: {  	[tilespmem:$0xA930] =	vst v1  }
0x1a9: {  	v1 =	vld [tilespmem:s2+$0xFFFFFFB0];
	_ =	sdelay $0x4  }
0x1aa: {  	s28 =	simm.s32 $0x990;
	[tilespmem:$0xA940] =	vst v1  }
0x1ab: {  	[tilespmem:s14], [sflag:$0x5] =	stream.indirect.gather [hbm4b:s6+s8], $0x80, s28, s8, $0xb8;
	[tilespmem:$0x1E980] =	vst v63  }
0x1ac: {  	_ =	swait.ge [sflag:s15], $0x2800  }
0x1ad: {  	[sflag:s15] =	ssyncset.done $0x0  }
0x1ae: {  	[sflag:s15] =	ssyncadd.s32 $0xFFFFD800  }
0x1af: {  	[spmem:s3] =	stream.indirect.scatter.add.f32 [tilespmem:s9], [sflag:$0x7], $0x80, s16, s8, $0xb8;
	[tilespmem:$0x1E980] =	vst v63  }
0x1b0: {  	_ =	swait.ge [sflag:s31], $0x2800  }
0x1b1: {  	[sflag:s31] =	ssyncset.done $0x0  }
0x1b2: {  	[sflag:s31] =	ssyncadd.s32 $0xFFFFD800  }
0x1b3: {  	v1 =	vld [tilespmem:s2+$0xFFFFFFC0];
	_ =	sdelay $0x4  }
0x1b4: {  	[tilespmem:$0xA800] =	vst v1  }
0x1b5: {  	v1 =	vld [tilespmem:s2+$0xFFFFFFD0];
	_ =	sdelay $0x4  }
0x1b6: {  	[tilespmem:$0xA810] =	vst v1  }
0x1b7: {  	v1 =	vld [tilespmem:s5+$0x1A00];
	_ =	sdelay $0x4  }
0x1b8: {  	[tilespmem:$0xA820] =	vst v1  }
0x1b9: {  	v1 =	vld [tilespmem:s2+$0xFFFFFFF0];
	_ =	sdelay $0x4  }
0x1ba: {  	[tilespmem:$0xA830] =	vst v1  }
0x1bb: {  	v1 =	vld [tilespmem:s2+$0x0];
	_ =	sdelay $0x3  }
0x1bc: {  	s10 =	simm.s32 $0x1B10  }
0x1bd: {  	s7 =	simm.s32 $0xA30;
	s5 =	simm.s32 $0x9E0;
	s2 =	simm.s32 $0xF0;
	[tilespmem:$0xA840] =	vst v1  }
.LBB2_11:
0x1be: {  	[tilespmem:s30], [sflag:$0x3] =	stream.indirect.gather [hbm4b:s6+s8], $0x80, s5, s8, $0xb8;
	[tilespmem:$0x1E980] =	vst v63  }
0x1bf: {  	s5 =	smov.u32 s2  }
0x1c0: {  	p1 =	sne.s32 s2, $0x5A0;
	s2 =	sadd.s32 $0xF0, s2;
	_ =	swait.ge [sflag:s18], $0x2800  }
0x1c1: {  	[sflag:s18] =	ssyncset.done $0x0  }
0x1c2: {  	[sflag:s18] =	ssyncadd.s32 $0xFFFFD800  }
0x1c3: {  	[spmem:s3] =	stream.indirect.scatter.add.f32 [tilespmem:s14], [sflag:$0x8], $0x80, s19, s8, $0xb8;
	[tilespmem:$0x1E980] =	vst v63  }
0x1c4: {  	_ =	swait.ge [sflag:s20], $0x2800  }
0x1c5: {  	[sflag:s20] =	ssyncset.done $0x0  }
0x1c6: {  	[sflag:s20] =	ssyncadd.s32 $0xFFFFD800  }
0x1c7: {  	v1 =	vld [tilespmem:s10+$0xFFFFFF20];
	_ =	sdelay $0x4  }
0x1c8: {  	[tilespmem:$0xA880] =	vst v1  }
0x1c9: {  	v1 =	vld [tilespmem:s10+$0xFFFFFF30];
	_ =	sdelay $0x4  }
0x1ca: {  	[tilespmem:$0xA890] =	vst v1  }
0x1cb: {  	v1 =	vld [tilespmem:s10+$0xFFFFFF40];
	_ =	sdelay $0x4  }
0x1cc: {  	[tilespmem:$0xA8A0] =	vst v1  }
0x1cd: {  	v1 =	vld [tilespmem:s10+$0xFFFFFF50];
	_ =	sdelay $0x4  }
0x1ce: {  	s5 =	sand.u32 $0x7F0, s5;
	[tilespmem:$0xA8B0] =	vst v1  }
0x1cf: {  	v1 =	vld [tilespmem:s5+$0x1980];
	_ =	sdelay $0x4  }
0x1d0: {  	[tilespmem:$0xA8C0] =	vst v1  }
0x1d1: {  	[tilespmem:s9], [sflag:$0x4] =	stream.indirect.gather [hbm4b:s6+s8], $0x80, s7, s8, $0xb8;
	[tilespmem:$0x1E980] =	vst v63  }
0x1d2: {  	_ =	swait.ge [sflag:s11], $0x2800  }
0x1d3: {  	[sflag:s11] =	ssyncset.done $0x0  }
0x1d4: {  	[sflag:s11] =	ssyncadd.s32 $0xFFFFD800  }
0x1d5: {  	[spmem:s3] =	stream.indirect.scatter.add.f32 [tilespmem:s30], [sflag:$0x6], $0x80, s12, s8, $0xb8;
	[tilespmem:$0x1E980] =	vst v63  }
0x1d6: {  	_ =	swait.ge [sflag:s24], $0x2800  }
0x1d7: {  	[sflag:s24] =	ssyncset.done $0x0  }
0x1d8: {  	[sflag:s24] =	ssyncadd.s32 $0xFFFFD800  }
0x1d9: {  	v1 =	vld [tilespmem:s10+$0xFFFFFF70];
	_ =	sdelay $0x4  }
0x1da: {  	[tilespmem:$0xA900] =	vst v1  }
0x1db: {  	v1 =	vld [tilespmem:s10+$0xFFFFFF80];
	_ =	sdelay $0x4  }
0x1dc: {  	[tilespmem:$0xA910] =	vst v1  }
0x1dd: {  	v1 =	vld [tilespmem:s10+$0xFFFFFF90];
	_ =	sdelay $0x4  }
0x1de: {  	[tilespmem:$0xA920] =	vst v1  }
0x1df: {  	v1 =	vld [tilespmem:s10+$0xFFFFFFA0];
	_ =	sdelay $0x4  }
0x1e0: {  	[tilespmem:$0xA930] =	vst v1  }
0x1e1: {  	v1 =	vld [tilespmem:s10+$0xFFFFFFB0];
	_ =	sdelay $0x4  }
0x1e2: {  	s28 =	sadd.s32 $0x50, s7;
	[tilespmem:$0xA940] =	vst v1  }
0x1e3: {  	[tilespmem:s14], [sflag:$0x5] =	stream.indirect.gather [hbm4b:s6+s8], $0x80, s28, s8, $0xb8;
	[tilespmem:$0x1E980] =	vst v63  }
0x1e4: {  	_ =	swait.ge [sflag:s15], $0x2800  }
0x1e5: {  	[sflag:s15] =	ssyncset.done $0x0  }
0x1e6: {  	[sflag:s15] =	ssyncadd.s32 $0xFFFFD800  }
0x1e7: {  	[spmem:s3] =	stream.indirect.scatter.add.f32 [tilespmem:s9], [sflag:$0x7], $0x80, s16, s8, $0xb8;
	[tilespmem:$0x1E980] =	vst v63  }
0x1e8: {  	_ =	swait.ge [sflag:s31], $0x2800  }
0x1e9: {  	[sflag:s31] =	ssyncset.done $0x0  }
0x1ea: {  	[sflag:s31] =	ssyncadd.s32 $0xFFFFD800  }
0x1eb: {  	v1 =	vld [tilespmem:s10+$0xFFFFFFC0];
	_ =	sdelay $0x4  }
0x1ec: {  	[tilespmem:$0xA800] =	vst v1  }
0x1ed: {  	v1 =	vld [tilespmem:s10+$0xFFFFFFD0];
	_ =	sdelay $0x4  }
0x1ee: {  	[tilespmem:$0xA810] =	vst v1  }
0x1ef: {  	v1 =	vld [tilespmem:s5+$0x1A00];
	_ =	sdelay $0x4  }
0x1f0: {  	[tilespmem:$0xA820] =	vst v1  }
0x1f1: {  	v1 =	vld [tilespmem:s10+$0xFFFFFFF0];
	_ =	sdelay $0x4  }
0x1f2: {  	[tilespmem:$0xA830] =	vst v1  }
0x1f3: {  	v1 =	vld [tilespmem:s10+$0x0]  }
.Ltmp4:
0x1f4: {  	(pc) =	sbr.rel @p1 .LBB2_11-.Ltmp4, $2  }
0x1f5: {  	_ =	sdelay $0x2  }
0x1f6: {  	s5 =	sadd.s32 $0xA0, s7;
	s7 =	sadd.s32 $0xF0, s7;
	s10 =	sadd.s32 $0xF0, s10;
	[tilespmem:$0xA840] =	vst v1  }
0x1f7: {  	[tilespmem:s30], [sflag:$0x3] =	stream.indirect.gather [hbm4b:s6+s8], $0x80, s5, s8, $0xb8;
	[tilespmem:$0x1E980] =	vst v63  }
0x1f8: {  	_ =	swait.ge [sflag:s18], $0x2800  }
0x1f9: {  	[sflag:s18] =	ssyncset.done $0x0  }
0x1fa: {  	[sflag:s18] =	ssyncadd.s32 $0xFFFFD800  }
0x1fb: {  	[spmem:s3] =	stream.indirect.scatter.add.f32 [tilespmem:s14], [sflag:$0x8], $0x80, s19, s8, $0xb8;
	[tilespmem:$0x1E980] =	vst v63  }
0x1fc: {  	_ =	swait.ge [sflag:s11], $0x2800  }
0x1fd: {  	[sflag:s11] =	ssyncset.done $0x0  }
0x1fe: {  	[sflag:s11] =	ssyncadd.s32 $0xFFFFD800  }
0x1ff: {  	[spmem:s3] =	stream.indirect.scatter.add.f32 [tilespmem:s30], [sflag:$0x6], $0x80, s12, s8, $0xb8;
	[tilespmem:$0x1E980] =	vst v63  }
0x200: {  	_ =	swait.ge [sflag:s0], $0x7D0  }
0x201: {  	[sflag:s0] =	ssyncset.done $0x0  }
0x202: {  	[sflag:s0] =	ssyncadd.s32 $0xFFFFF830  }
0x203: {  	_ =	swait.ge [sflag:s0], $0x7D0  }
0x204: {  	[sflag:s0] =	ssyncset.done $0x0  }
0x205: {  	[sflag:s0] =	ssyncadd.s32 $0xFFFFF830  }
0x206: {  	_ =	swait.ge [sflag:s0], $0x7D0  }
0x207: {  	[sflag:s0] =	ssyncset.done $0x0  }
0x208: {  	s2 =	simm.s32 @p0 $0x0;
	s5 =	simm.s32 @p0 $0x800;
	[sflag:s0] =	ssyncadd.s32 $0xFFFFF830  }
0x209: {  	[tilespmem:s5], [sflag:$0x2] =	stream.linear.gather @p0 [hbm4b:s22+s2], $0x7D0, $0x38;
	[tilespmem:$0x1E980] =	vst v63  }
0x20a: {  	s5 =	simm.s32 @p0 $0x1800  }
0x20b: {  	[tilespmem:s5], [sflag:$0x2] =	stream.linear.gather @p0 [hbm4b:s26+s2], $0x7D0, $0x38;
	[tilespmem:$0x1E980] =	vst v63  }
0x20c: {  	s5 =	simm.s32 @p0 $0x2800  }
0x20d: {  	[tilespmem:s5], [sflag:$0x2] =	stream.linear.gather @p0 [hbm4b:s23+s2], $0x7D0, $0x38;
	[tilespmem:$0x1E980] =	vst v63  }
0x20e: {  	s2 =	simm.s32 $0x0  }
0x20f: {  	v2 =	vld [tilespmem:s2+$0x2000];
	_ =	sdelay $0x1  }
0x210: {  	v1 =	vld [tilespmem:s2+$0x0];
	_ =	sdelay $0x2  }
0x211: {  	v2 =	vmul.u32 $0x2710, v2  }
0x212: {  	s7 =	simm.s32 $0x80;
	s5 =	simm.s32 $0x10  }
.LBB2_13:
0x213: {  	p1 =	sne.s32 s7, $0x1F00;
	v3 =	vld [tilespmem:s5+$0x2000];
	v1 =	vadd.s32 v1, v2  }
0x214: {  	[tilespmem:s2+$0x0] =	vst v1;
	s2 =	smov.u32 s5  }
.Ltmp5:
0x215: {  	v1 =	vld [tilespmem:s2+$0x0];
	(pc) =	sbr.rel @p1 .LBB2_13-.Ltmp5, $3  }
0x216: {  	_ =	sdelay $0x1  }
0x217: {  	v2 =	vmul.u32 $0x2710, v3  }
0x218: {  	s5 =	sshra.s32 s7, $0x2;
	s7 =	sadd.s32 $0x40, s7  }
0x219: {  	v3 =	vld [tilespmem:s5+$0x2000];
	v1 =	vadd.s32 v1, v2  }
0x21a: {  	[tilespmem:s2+$0x0] =	vst v1  }
0x21b: {  	v1 =	vld [tilespmem:s5+$0x0];
	_ =	sdelay $0x2  }
0x21c: {  	v2 =	vmul.u32 $0x2710, v3;
	_ =	sdelay $0x1  }
0x21d: {  	v1 =	vadd.s32 v1, v2  }
0x21e: {  	[tilespmem:s5+$0x0] =	vst v1  }
0x21f: {  	_ =	swait.ge [sflag:s31], $0x2800  }
0x220: {  	[sflag:s31] =	ssyncset.done $0x0  }
0x221: {  	[sflag:s31] =	ssyncadd.s32 $0xFFFFD800  }
0x222: {  	v1 =	vld [tilespmem:$0x1000]  }
0x223: {  	v2 =	vld [tilespmem:$0x1010]  }
0x224: {  	v3 =	vld [tilespmem:$0x1020]  }
0x225: {  	v4 =	vld [tilespmem:$0x1030]  }
0x226: {  	v5 =	vld [tilespmem:$0x1040]  }
0x227: {  	[tilespmem:$0xA800] =	vst v1  }
0x228: {  	[tilespmem:$0xA810] =	vst v2  }
0x229: {  	[tilespmem:$0xA820] =	vst v3  }
0x22a: {  	[tilespmem:$0xA830] =	vst v4  }
0x22b: {  	s7 =	simm.s32 $0x0;
	[tilespmem:$0xA840] =	vst v5  }
0x22c: {  	[tilespmem:s30], [sflag:$0x3] =	stream.indirect.gather [hbm4b:s6+s8], $0x80, s7, s8, $0xb8;
	[tilespmem:$0x1E980] =	vst v63  }
0x22d: {  	_ =	swait.ge [sflag:s20], $0x2800  }
0x22e: {  	[sflag:s20] =	ssyncset.done $0x0  }
0x22f: {  	[sflag:s20] =	ssyncadd.s32 $0xFFFFD800  }
0x230: {  	v1 =	vld [tilespmem:$0x1050]  }
0x231: {  	v2 =	vld [tilespmem:$0x1060]  }
0x232: {  	v3 =	vld [tilespmem:$0x1070]  }
0x233: {  	v58 =	vld [tilespmem:$0x1080]  }
0x234: {  	v59 =	vld [tilespmem:$0x1090]  }
0x235: {  	[tilespmem:$0xA880] =	vst v1  }
0x236: {  	[tilespmem:$0xA890] =	vst v2  }
0x237: {  	[tilespmem:$0xA8A0] =	vst v3  }
0x238: {  	[tilespmem:$0xA8B0] =	vst v58  }
0x239: {  	[tilespmem:$0xA8C0] =	vst v59  }
0x23a: {  	[tilespmem:s9], [sflag:$0x4] =	stream.indirect.gather [hbm4b:s6+s8], $0x80, s8, s8, $0xb8;
	[tilespmem:$0x1E980] =	vst v63  }
0x23b: {  	_ =	swait.ge [sflag:s11], $0x2800  }
0x23c: {  	[sflag:s11] =	ssyncset.done $0x0  }
0x23d: {  	[sflag:s11] =	ssyncadd.s32 $0xFFFFD800  }
0x23e: {  	[spmem:s3] =	stream.indirect.scatter.add.f32 [tilespmem:s30], [sflag:$0x6], $0x80, s12, s8, $0xb8;
	[tilespmem:$0x1E980] =	vst v63  }
0x23f: {  	_ =	swait.ge [sflag:s24], $0x2800  }
0x240: {  	[sflag:s24] =	ssyncset.done $0x0  }
0x241: {  	[sflag:s24] =	ssyncadd.s32 $0xFFFFD800  }
0x242: {  	v1 =	vld [tilespmem:$0x10A0]  }
0x243: {  	v2 =	vld [tilespmem:$0x10B0]  }
0x244: {  	v3 =	vld [tilespmem:$0x10C0]  }
0x245: {  	v60 =	vld [tilespmem:$0x10D0]  }
0x246: {  	v61 =	vld [tilespmem:$0x10E0]  }
0x247: {  	[tilespmem:$0xA900] =	vst v1  }
0x248: {  	[tilespmem:$0xA910] =	vst v2  }
0x249: {  	[tilespmem:$0xA920] =	vst v3  }
0x24a: {  	[tilespmem:$0xA930] =	vst v60  }
0x24b: {  	[tilespmem:$0xA940] =	vst v61  }
0x24c: {  	[tilespmem:s14], [sflag:$0x5] =	stream.indirect.gather [hbm4b:s6+s8], $0x80, s13, s8, $0xb8;
	[tilespmem:$0x1E980] =	vst v63  }
0x24d: {  	_ =	swait.ge [sflag:s15], $0x2800  }
0x24e: {  	[sflag:s15] =	ssyncset.done $0x0  }
0x24f: {  	[sflag:s15] =	ssyncadd.s32 $0xFFFFD800  }
0x250: {  	[spmem:s3] =	stream.indirect.scatter.add.f32 [tilespmem:s9], [sflag:$0x7], $0x80, s16, s8, $0xb8;
	[tilespmem:$0x1E980] =	vst v63  }
0x251: {  	_ =	swait.ge [sflag:s31], $0x2800  }
0x252: {  	[sflag:s31] =	ssyncset.done $0x0  }
0x253: {  	[sflag:s31] =	ssyncadd.s32 $0xFFFFD800  }
0x254: {  	v1 =	vld [tilespmem:$0x10F0]  }
0x255: {  	v2 =	vld [tilespmem:$0x1100]  }
0x256: {  	v3 =	vld [tilespmem:$0x1110]  }
0x257: {  	v62 =	vld [tilespmem:$0x1120]  }
0x258: {  	v63 =	vld [tilespmem:$0x1130]  }
0x259: {  	[tilespmem:$0xA800] =	vst v1  }
0x25a: {  	[tilespmem:$0xA810] =	vst v2  }
0x25b: {  	[tilespmem:$0xA820] =	vst v3  }
0x25c: {  	[tilespmem:$0xA830] =	vst v62  }
0x25d: {  	[tilespmem:$0xA840] =	vst v63  }
0x25e: {  	[tilespmem:s30], [sflag:$0x3] =	stream.indirect.gather [hbm4b:s6+s8], $0x80, s17, s8, $0xb8;
	[tilespmem:$0x1E980] =	vst v63  }
0x25f: {  	_ =	swait.ge [sflag:s18], $0x2800  }
0x260: {  	[sflag:s18] =	ssyncset.done $0x0  }
0x261: {  	[sflag:s18] =	ssyncadd.s32 $0xFFFFD800  }
0x262: {  	[spmem:s3] =	stream.indirect.scatter.add.f32 [tilespmem:s14], [sflag:$0x8], $0x80, s19, s8, $0xb8;
	[tilespmem:$0x1E980] =	vst v63  }
0x263: {  	_ =	swait.ge [sflag:s20], $0x2800  }
0x264: {  	[sflag:s20] =	ssyncset.done $0x0  }
0x265: {  	s10 =	simm.s32 $0x1220;
	[sflag:s20] =	ssyncadd.s32 $0xFFFFD800  }
0x266: {  	v1 =	vld [tilespmem:s10+$0xFFFFFF20];
	_ =	sdelay $0x4  }
0x267: {  	[tilespmem:$0xA880] =	vst v1  }
0x268: {  	v1 =	vld [tilespmem:s10+$0xFFFFFF30];
	_ =	sdelay $0x4  }
0x269: {  	[tilespmem:$0xA890] =	vst v1  }
0x26a: {  	v1 =	vld [tilespmem:s10+$0xFFFFFF40];
	_ =	sdelay $0x4  }
0x26b: {  	[tilespmem:$0xA8A0] =	vst v1  }
0x26c: {  	v1 =	vld [tilespmem:s10+$0xFFFFFF50];
	_ =	sdelay $0x4  }
0x26d: {  	s2 =	sand.u32 $0x7F0, s7;
	[tilespmem:$0xA8B0] =	vst v1  }
0x26e: {  	v1 =	vld [tilespmem:s2+$0x1180];
	_ =	sdelay $0x4  }
0x26f: {  	s7 =	simm.s32 $0x140;
	[tilespmem:$0xA8C0] =	vst v1  }
0x270: {  	[tilespmem:s9], [sflag:$0x4] =	stream.indirect.gather [hbm4b:s6+s8], $0x80, s7, s8, $0xb8;
	[tilespmem:$0x1E980] =	vst v63  }
0x271: {  	_ =	swait.ge [sflag:s11], $0x2800  }
0x272: {  	[sflag:s11] =	ssyncset.done $0x0  }
0x273: {  	[sflag:s11] =	ssyncadd.s32 $0xFFFFD800  }
0x274: {  	[spmem:s3] =	stream.indirect.scatter.add.f32 [tilespmem:s30], [sflag:$0x6], $0x80, s12, s8, $0xb8;
	[tilespmem:$0x1E980] =	vst v63  }
0x275: {  	_ =	swait.ge [sflag:s24], $0x2800  }
0x276: {  	[sflag:s24] =	ssyncset.done $0x0  }
0x277: {  	[sflag:s24] =	ssyncadd.s32 $0xFFFFD800  }
0x278: {  	v1 =	vld [tilespmem:s10+$0xFFFFFF70];
	_ =	sdelay $0x4  }
0x279: {  	[tilespmem:$0xA900] =	vst v1  }
0x27a: {  	v1 =	vld [tilespmem:s10+$0xFFFFFF80];
	_ =	sdelay $0x4  }
0x27b: {  	[tilespmem:$0xA910] =	vst v1  }
0x27c: {  	v1 =	vld [tilespmem:s10+$0xFFFFFF90];
	_ =	sdelay $0x4  }
0x27d: {  	[tilespmem:$0xA920] =	vst v1  }
0x27e: {  	v1 =	vld [tilespmem:s10+$0xFFFFFFA0];
	_ =	sdelay $0x4  }
0x27f: {  	[tilespmem:$0xA930] =	vst v1  }
0x280: {  	v1 =	vld [tilespmem:s10+$0xFFFFFFB0];
	_ =	sdelay $0x4  }
0x281: {  	s28 =	simm.s32 $0x190;
	[tilespmem:$0xA940] =	vst v1  }
0x282: {  	[tilespmem:s14], [sflag:$0x5] =	stream.indirect.gather [hbm4b:s6+s8], $0x80, s28, s8, $0xb8;
	[tilespmem:$0x1E980] =	vst v63  }
0x283: {  	_ =	swait.ge [sflag:s15], $0x2800  }
0x284: {  	[sflag:s15] =	ssyncset.done $0x0  }
0x285: {  	[sflag:s15] =	ssyncadd.s32 $0xFFFFD800  }
0x286: {  	[spmem:s3] =	stream.indirect.scatter.add.f32 [tilespmem:s9], [sflag:$0x7], $0x80, s16, s8, $0xb8;
	[tilespmem:$0x1E980] =	vst v63  }
0x287: {  	_ =	swait.ge [sflag:s31], $0x2800  }
0x288: {  	[sflag:s31] =	ssyncset.done $0x0  }
0x289: {  	[sflag:s31] =	ssyncadd.s32 $0xFFFFD800  }
0x28a: {  	v1 =	vld [tilespmem:s10+$0xFFFFFFC0];
	_ =	sdelay $0x4  }
0x28b: {  	[tilespmem:$0xA800] =	vst v1  }
0x28c: {  	v1 =	vld [tilespmem:s10+$0xFFFFFFD0];
	_ =	sdelay $0x4  }
0x28d: {  	[tilespmem:$0xA810] =	vst v1  }
0x28e: {  	v1 =	vld [tilespmem:s2+$0x1200];
	_ =	sdelay $0x4  }
0x28f: {  	[tilespmem:$0xA820] =	vst v1  }
0x290: {  	v1 =	vld [tilespmem:s10+$0xFFFFFFF0];
	_ =	sdelay $0x4  }
0x291: {  	[tilespmem:$0xA830] =	vst v1  }
0x292: {  	v1 =	vld [tilespmem:s10+$0x0];
	_ =	sdelay $0x3  }
0x293: {  	s5 =	simm.s32 $0x1E0  }
0x294: {  	s7 =	simm.s32 $0x230;
	s2 =	simm.s32 $0xF0;
	s10 =	simm.s32 $0x1310;
	[tilespmem:$0xA840] =	vst v1  }
.LBB2_15:
0x295: {  	[tilespmem:s30], [sflag:$0x3] =	stream.indirect.gather [hbm4b:s6+s8], $0x80, s5, s8, $0xb8;
	[tilespmem:$0x1E980] =	vst v63  }
0x296: {  	s5 =	smov.u32 s2  }
0x297: {  	p1 =	sne.s32 s2, $0x5A0;
	s2 =	sadd.s32 $0xF0, s2;
	_ =	swait.ge [sflag:s18], $0x2800  }
0x298: {  	[sflag:s18] =	ssyncset.done $0x0  }
0x299: {  	[sflag:s18] =	ssyncadd.s32 $0xFFFFD800  }
0x29a: {  	[spmem:s3] =	stream.indirect.scatter.add.f32 [tilespmem:s14], [sflag:$0x8], $0x80, s19, s8, $0xb8;
	[tilespmem:$0x1E980] =	vst v63  }
0x29b: {  	_ =	swait.ge [sflag:s20], $0x2800  }
0x29c: {  	[sflag:s20] =	ssyncset.done $0x0  }
0x29d: {  	[sflag:s20] =	ssyncadd.s32 $0xFFFFD800  }
0x29e: {  	v1 =	vld [tilespmem:s10+$0xFFFFFF20];
	_ =	sdelay $0x4  }
0x29f: {  	[tilespmem:$0xA880] =	vst v1  }
0x2a0: {  	v1 =	vld [tilespmem:s10+$0xFFFFFF30];
	_ =	sdelay $0x4  }
0x2a1: {  	[tilespmem:$0xA890] =	vst v1  }
0x2a2: {  	v1 =	vld [tilespmem:s10+$0xFFFFFF40];
	_ =	sdelay $0x4  }
0x2a3: {  	[tilespmem:$0xA8A0] =	vst v1  }
0x2a4: {  	v1 =	vld [tilespmem:s10+$0xFFFFFF50];
	_ =	sdelay $0x4  }
0x2a5: {  	s5 =	sand.u32 $0x7F0, s5;
	[tilespmem:$0xA8B0] =	vst v1  }
0x2a6: {  	v1 =	vld [tilespmem:s5+$0x1180];
	_ =	sdelay $0x4  }
0x2a7: {  	[tilespmem:$0xA8C0] =	vst v1  }
0x2a8: {  	[tilespmem:s9], [sflag:$0x4] =	stream.indirect.gather [hbm4b:s6+s8], $0x80, s7, s8, $0xb8;
	[tilespmem:$0x1E980] =	vst v63  }
0x2a9: {  	_ =	swait.ge [sflag:s11], $0x2800  }
0x2aa: {  	[sflag:s11] =	ssyncset.done $0x0  }
0x2ab: {  	[sflag:s11] =	ssyncadd.s32 $0xFFFFD800  }
0x2ac: {  	[spmem:s3] =	stream.indirect.scatter.add.f32 [tilespmem:s30], [sflag:$0x6], $0x80, s12, s8, $0xb8;
	[tilespmem:$0x1E980] =	vst v63  }
0x2ad: {  	_ =	swait.ge [sflag:s24], $0x2800  }
0x2ae: {  	[sflag:s24] =	ssyncset.done $0x0  }
0x2af: {  	[sflag:s24] =	ssyncadd.s32 $0xFFFFD800  }
0x2b0: {  	v1 =	vld [tilespmem:s10+$0xFFFFFF70];
	_ =	sdelay $0x4  }
0x2b1: {  	[tilespmem:$0xA900] =	vst v1  }
0x2b2: {  	v1 =	vld [tilespmem:s10+$0xFFFFFF80];
	_ =	sdelay $0x4  }
0x2b3: {  	[tilespmem:$0xA910] =	vst v1  }
0x2b4: {  	v1 =	vld [tilespmem:s10+$0xFFFFFF90];
	_ =	sdelay $0x4  }
0x2b5: {  	[tilespmem:$0xA920] =	vst v1  }
0x2b6: {  	v1 =	vld [tilespmem:s10+$0xFFFFFFA0];
	_ =	sdelay $0x4  }
0x2b7: {  	[tilespmem:$0xA930] =	vst v1  }
0x2b8: {  	v1 =	vld [tilespmem:s10+$0xFFFFFFB0];
	_ =	sdelay $0x4  }
0x2b9: {  	s28 =	sadd.s32 $0x50, s7;
	[tilespmem:$0xA940] =	vst v1  }
0x2ba: {  	[tilespmem:s14], [sflag:$0x5] =	stream.indirect.gather [hbm4b:s6+s8], $0x80, s28, s8, $0xb8;
	[tilespmem:$0x1E980] =	vst v63  }
0x2bb: {  	_ =	swait.ge [sflag:s15], $0x2800  }
0x2bc: {  	[sflag:s15] =	ssyncset.done $0x0  }
0x2bd: {  	[sflag:s15] =	ssyncadd.s32 $0xFFFFD800  }
0x2be: {  	[spmem:s3] =	stream.indirect.scatter.add.f32 [tilespmem:s9], [sflag:$0x7], $0x80, s16, s8, $0xb8;
	[tilespmem:$0x1E980] =	vst v63  }
0x2bf: {  	_ =	swait.ge [sflag:s31], $0x2800  }
0x2c0: {  	[sflag:s31] =	ssyncset.done $0x0  }
0x2c1: {  	[sflag:s31] =	ssyncadd.s32 $0xFFFFD800  }
0x2c2: {  	v1 =	vld [tilespmem:s10+$0xFFFFFFC0];
	_ =	sdelay $0x4  }
0x2c3: {  	[tilespmem:$0xA800] =	vst v1  }
0x2c4: {  	v1 =	vld [tilespmem:s10+$0xFFFFFFD0];
	_ =	sdelay $0x4  }
0x2c5: {  	[tilespmem:$0xA810] =	vst v1  }
0x2c6: {  	v1 =	vld [tilespmem:s5+$0x1200];
	_ =	sdelay $0x4  }
0x2c7: {  	[tilespmem:$0xA820] =	vst v1  }
0x2c8: {  	v1 =	vld [tilespmem:s10+$0xFFFFFFF0];
	_ =	sdelay $0x4  }
0x2c9: {  	[tilespmem:$0xA830] =	vst v1  }
0x2ca: {  	v1 =	vld [tilespmem:s10+$0x0]  }
.Ltmp6:
0x2cb: {  	(pc) =	sbr.rel @p1 .LBB2_15-.Ltmp6, $2  }
0x2cc: {  	_ =	sdelay $0x2  }
0x2cd: {  	s5 =	sadd.s32 $0xA0, s7;
	s7 =	sadd.s32 $0xF0, s7;
	s10 =	sadd.s32 $0xF0, s10;
	[tilespmem:$0xA840] =	vst v1  }
0x2ce: {  	[tilespmem:s30], [sflag:$0x3] =	stream.indirect.gather [hbm4b:s6+s8], $0x80, s5, s8, $0xb8;
	[tilespmem:$0x1E980] =	vst v63  }
0x2cf: {  	_ =	swait.ge [sflag:s18], $0x2800  }
0x2d0: {  	[sflag:s18] =	ssyncset.done $0x0  }
0x2d1: {  	[sflag:s18] =	ssyncadd.s32 $0xFFFFD800  }
0x2d2: {  	[spmem:s3] =	stream.indirect.scatter.add.f32 [tilespmem:s14], [sflag:$0x8], $0x80, s19, s8, $0xb8;
	[tilespmem:$0x1E980] =	vst v63  }
.Ltmp7:
0x2d3: {  	_ = 	snop;
	(pc) =	sbr.rel @p0 .LBB2_8-.Ltmp7, $4  }
0x2d4: {  	_ =	swait.ge [sflag:s11], $0x2800  }
0x2d5: {  	[sflag:s11] =	ssyncset.done $0x0  }
0x2d6: {  	s2 =	simm.s32 $0xFA0;
	p1 =	por $0x0, $0x0;
	[sflag:s11] =	ssyncadd.s32 $0xFFFFD800  }
0x2d7: {  	[spmem:s3] =	stream.indirect.scatter.add.f32 [tilespmem:s30], [sflag:$0x6], $0x80, s12, s8, $0xb8;
	[tilespmem:$0x1E980] =	vst v63  }
0x2d8: {  	_ =	swait.ge [sflag:s20], $0x2800  }
0x2d9: {  	[sflag:s20] =	ssyncset.done $0x0  }
0x2da: {  	[sflag:s20] =	ssyncadd.s32 $0xFFFFD800  }
0x2db: {  	_ =	swait.ge [sflag:s24], $0x2800  }
0x2dc: {  	[sflag:s24] =	ssyncset.done $0x0  }
0x2dd: {  	[sflag:s24] =	ssyncadd.s32 $0xFFFFD800  }
0x2de: {  	_ =	swait.ge [sflag:s31], $0x2800  }
0x2df: {  	[sflag:s31] =	ssyncset.done $0x0  }
0x2e0: {  	[sflag:s31] =	ssyncadd.s32 $0xFFFFD800  }
0x2e1: {  	s1 =	stileid.u32;
	[bflag:$0x0] =	sbarrier.arrive $0xFFFF  }
0x2e2: {  	s1 =	sshll.u32 s1, $0x6;
	s28 =	rddreg [dreg:$0x8]  }
0x2e3: {  	s1 =	sor.u32 $0x1C09, s1;
	s5 =	rddreg [dreg:$0x13];
	s2 =	sshrl.u32 s28, $0x3  }
0x2e4: {  	[hbm:s5], [sflag:s1] =	dma.local [spmem:s2], $0x2800  }
0x2e5: {  	s2 =	simm.s32 $0x9  }
0x2e6: {  	_ =	swait.ge [sflag:s2], $0x2800  }
0x2e7: {  	s7 =	rddreg [dreg:$0x15]  }
0x2e8: {  	s10 =	rddreg [dreg:$0x14];
	s5 =	sadd.s32 $0x1, s7  }
0x2e9: {  	p0 =	sne.s32 s5, s10  }
.Ltmp8:
0x2ea: {  	_ = 	snop;
	(pc) =	sbr.rel @p0 .LBB2_1-.Ltmp8, $3  }
0x2eb: {  	_ =	sdelay $0x1  }
0x2ec: {  	[sflag:s2] =	ssyncset.done $0x0  }
0x2ed: {  	[sflag:s2] =	ssyncadd.s32 $0xFFFFD800  }
0x2ee: {  	_ =	sfence.sel $0x180000  }
0x2ef: {  	[bflag:$0x0] =	sbarrier.arrive $0xFFFF  }
0x2f0: {  	_ =	strace $0x90000047  }
0x2f1: {  	s0 =	stileid.u32;
	[bflag:$0x2] =	sbarrier.arrive $0xFFFF  }
0x2f2: {  	p0 =	sne.s32 s0, $0x0;
	s0 =	rddreg [dreg:$0x4]  }
0x2f3: {  	s0 =	sadd.s32 @!p0 $0x100000, s0  }
0x2f4: {  	[sflag:s0] =	ssyncadd.tile.s32 @!p0 $0x1;
	_ =	shalt  }
.Lfunc_end2:
_tile_overlayer_lowered:
.L_overlay_start_2:
0x2f5: {  	(tag) =	ssettag $0x2  }
0x2f6: {  	s0 =	rddreg [dreg:$0x0];
	s2 =	stileid.u32  }
0x2f7: {  	s1 =	rddreg [dreg:$0x1];
	p0 =	sne.s32 s2, $0x0  }
0x2f8: {  	s3 =	rddreg [dreg:$0x2];
	[bflag:$0x3] =	sbarrier.arrive $0xFFFF;
	s2 =	simm.s32 @!p0 $0x1C09  }
0x2f9: {  	[timem:s3], [sflag:s2] =	dma.local @!p0 [hbm:s0], s1  }
0x2fa: {  	s0 =	simm.s32 @!p0 $0x9  }
0x2fb: {  	_ =	swait.ge @!p0 [sflag:s0], s1  }
0x2fc: {  	s1 =	ssub.s32 @!p0 $0x0, s1;
	[sflag:s0] =	ssyncset.done @!p0 $0x0  }
0x2fd: {  	[sflag:s0] =	ssyncadd.s32 @!p0 s1  }
0x2fe: {  	[bflag:$0x3] =	sbarrier.arrive $0xFFFF  }
0x2ff: {  	_ =	shalt  }

</sc_bundles>
